<compile_context>
chip_gen: v7x
topology: tpu7x:2x2x1
jax: 0.10.2.dev20260603
libtpu: 0.0.44.dev20260713+nightly
codegen_flags: <defaults>
</compile_context>

<pallas_src>
import functools

import jax
import jax.numpy as jnp
from jax import lax
from jax.experimental import pallas as pl
from jax.experimental.pallas import tpu as pltpu
from jax.experimental.pallas import tpu_sc as plsc

B = 4
N = 2048
DIM = 128
K = 16
BN = B * N
BNK = BN * K

TCOL = 512


def _topk_body(boff, call_ref, crow_ref, fidx_ref):
    i = pl.program_id(0)
    call = call_ref[...]
    crow = crow_ref[...]
    dots = lax.dot_general(call, crow, (((1,), (0,)), ((), ())),
                           preferred_element_type=jnp.float32)
    sqj = jnp.sum(call * call, axis=1, keepdims=True)
    sqi = jnp.sum(crow * crow, axis=0, keepdims=True)
    d2 = sqj + sqi - 2.0 * dots
    dist = jnp.sqrt(jnp.maximum(d2, 0.0))
    sub = lax.broadcasted_iota(jnp.int32, (N, TCOL), 0)
    lane = lax.broadcasted_iota(jnp.int32, (N, TCOL), 1)
    dist = jnp.where(sub == lane + i * TCOL, dist + 1e6, dist)

    work = dist
    picked = []
    for t in range(K):
        m = jnp.min(work, axis=0, keepdims=True)
        idxm = jnp.where(work == m, sub, jnp.int32(N))
        am = jnp.min(idxm, axis=0, keepdims=True)
        picked.append(am)
        if t < K - 1:
            work = jnp.where(sub == am, jnp.float32(3e38), work)
    idxt = jnp.concatenate(picked, axis=0) + boff
    fidx_ref[...] = idxt


def _knn_topk_b(coords_b, coords_t_b, boff):
    return pl.pallas_call(
        functools.partial(_topk_body, boff),
        grid=(N // TCOL,),
        in_specs=[
            pl.BlockSpec((N, 3), lambda i: (0, 0)),
            pl.BlockSpec((3, TCOL), lambda i: (0, i)),
        ],
        out_specs=pl.BlockSpec((K, TCOL), lambda i: (0, i)),
        out_shape=jax.ShapeDtypeStruct((K, N), jnp.int32),
    )(coords_b, coords_t_b)


R_PQ = 1024


def _pq_body(x_ref, wp_ref, wq_ref, b1_ref, p_ref, q_ref):
    x = x_ref[...]
    p_ref[...] = lax.dot_general(x, wp_ref[...], (((1,), (0,)), ((), ())),
                                 preferred_element_type=jnp.float32) + b1_ref[...]
    q_ref[...] = lax.dot_general(x, wq_ref[...], (((1,), (0,)), ((), ())),
                                 preferred_element_type=jnp.float32)


def _pq(x, wp, wq, b1r):
    return pl.pallas_call(
        _pq_body,
        grid=(BN // R_PQ,),
        in_specs=[
            pl.BlockSpec((R_PQ, DIM + 3), lambda i: (i, 0)),
            pl.BlockSpec((DIM + 3, DIM), lambda i: (0, 0)),
            pl.BlockSpec((DIM + 3, DIM), lambda i: (0, 0)),
            pl.BlockSpec((1, DIM), lambda i: (0, 0)),
        ],
        out_specs=[
            pl.BlockSpec((R_PQ, DIM), lambda i: (i, 0)),
            pl.BlockSpec((R_PQ, DIM), lambda i: (i, 0)),
        ],
        out_shape=[
            jax.ShapeDtypeStruct((BN, DIM), jnp.float32),
            jax.ShapeDtypeStruct((BN, DIM), jnp.float32),
        ],
    )(x, wp, wq, b1r)


SC_NC = 2
SC_NS = 16
SC_NW = SC_NC * SC_NS


def _sc_gather_body(rows_per_w, idx_hbm, q_hbm, out_hbm, idx_v, rows_v, sem):
    wid = lax.axis_index("s") * SC_NC + lax.axis_index("c")
    base = wid * rows_per_w
    pltpu.sync_copy(idx_hbm.at[pl.ds(base, rows_per_w)], idx_v)

    def body(r, carry):
        pltpu.async_copy(q_hbm.at[idx_v.at[r]], rows_v, sem).wait()
        pltpu.sync_copy(rows_v, out_hbm.at[pl.ds((base + r) * 128, 128)])
        return carry

    lax.fori_loop(0, rows_per_w, body, 0)


@functools.cache
def _sc_gather_kernel(nidx):
    rows_per_w = nidx // 128 // SC_NW
    return pl.kernel(
        functools.partial(_sc_gather_body, rows_per_w),
        mesh=plsc.VectorSubcoreMesh(core_axis_name="c", subcore_axis_name="s"),
        out_type=jax.ShapeDtypeStruct((nidx, DIM), jnp.float32),
        scratch_types=[
            pltpu.VMEM((rows_per_w, 128), jnp.int32),
            pltpu.VMEM((128, DIM), jnp.float32),
            pltpu.SemaphoreType.DMA,
        ],
    )


def _sc_gather(idx2, q):
    return _sc_gather_kernel(idx2.shape[0] * 128)(idx2, q)


R_MLP = 128


def _gelu_exact(x):
    return 0.5 * x * (1.0 + lax.erf(x * jnp.float32(0.7071067811865476)))


def _mlp_body(qg_ref, p_ref, w2_ref, b2_ref, out_ref):
    x = qg_ref[...]
    pblk = p_ref[...]
    h = x + pblk[None, :, :]
    h = _gelu_exact(h)
    h2 = lax.dot_general(h.reshape(K * R_MLP, DIM), w2_ref[...],
                         (((1,), (0,)), ((), ())),
                         preferred_element_type=jnp.float32) + b2_ref[...]
    z = h2.reshape(K, R_MLP, DIM)
    zmax = jnp.max(z, axis=0)
    zmin = jnp.min(z, axis=0)
    out_ref[...] = jnp.maximum(_gelu_exact(zmax), _gelu_exact(zmin))


def _mlp(qg3, p, w2, b2r):
    n = p.shape[0]
    return pl.pallas_call(
        _mlp_body,
        grid=(n // R_MLP,),
        in_specs=[
            pl.BlockSpec((K, R_MLP, DIM), lambda i: (0, i, 0)),
            pl.BlockSpec((R_MLP, DIM), lambda i: (i, 0)),
            pl.BlockSpec((DIM, DIM), lambda i: (0, 0)),
            pl.BlockSpec((1, DIM), lambda i: (0, 0)),
        ],
        out_specs=pl.BlockSpec((R_MLP, DIM), lambda i: (i, 0)),
        out_shape=jax.ShapeDtypeStruct((n, DIM), jnp.float32),
    )(qg3, p, w2, b2r)


def kernel(feats, coords, W1, b1, W2, b2):
    coords_t = jnp.swapaxes(coords, 1, 2)

    wa = W1[:DIM]
    wb = W1[DIM:2 * DIM]
    wc = W1[2 * DIM:]
    wp = jnp.concatenate([wa - wb, -wc], axis=0)
    wq = jnp.concatenate([wb, wc], axis=0)
    x = jnp.concatenate(
        [feats.reshape(BN, DIM), coords.reshape(BN, 3)], axis=1)
    p, q = _pq(x, wp, wq, b1.reshape(1, DIM))

    b2r = b2.reshape(1, DIM)
    outs = []
    qgs = []
    for b in range(B):
        fidx_b = _knn_topk_b(coords[b], coords_t[b], b * N)
        qgs.append(_sc_gather(fidx_b.reshape(N * K // 128, 128), q))
    for b in range(B):
        outs.append(_mlp(qgs[b].reshape(K, N, DIM),
                         p[b * N:(b + 1) * N], W2, b2r))
    return jnp.stack(outs).reshape(B, N, DIM)

# --- scband reference (transcript-rebuilt; emitter-appended) ---
"""Pipeline reference for scband-edge-conv-unit-42348377538668 (READ-ONLY COPY).

The authoritative reference and input builder live on the scoring server;
editing this copy changes nothing except your own understanding.
"""

import jax, jax.numpy as jnp
import numpy as np

B, N, IN_DIM, OUT_DIM, K = 4, 2048, 128, 128, 16

def setup_inputs(seed: int = 0) -> dict:
    key = jax.random.key(seed)
    k1, k2, k3, k4, k5, k6 = jax.random.split(key, 6)
    feats = jax.random.normal(k1, (B, N, IN_DIM), dtype=jnp.float32)
    coords = jax.random.normal(k2, (B, N, 3), dtype=jnp.float32)
    edge_in = IN_DIM * 2 + 3
    s1 = 1.0 / np.sqrt(edge_in)
    s2 = 1.0 / np.sqrt(OUT_DIM)
    W1 = jax.random.uniform(k3, (edge_in, OUT_DIM), jnp.float32, -s1, s1)
    b1 = jax.random.uniform(k4, (OUT_DIM,), jnp.float32, -s1, s1)
    W2 = jax.random.uniform(k5, (OUT_DIM, OUT_DIM), jnp.float32, -s2, s2)
    b2 = jax.random.uniform(k6, (OUT_DIM,), jnp.float32, -s2, s2)
    return {"feats": feats, "coords": coords, "W1": W1, "b1": b1, "W2": W2, "b2": b2}

def _knn_indices(coords, k):
    # torch.cdist equivalent (euclidean), exclude self via +1e6 on diagonal
    sq = jnp.sum(coords * coords, axis=-1)
    d2 = sq[:, :, None] + sq[:, None, :] - 2.0 * jnp.einsum('bnd,bmd->bnm', coords, coords)
    dist = jnp.sqrt(jnp.clip(d2, 0.0, None))
    n = coords.shape[1]
    dist = dist + jnp.eye(n, dtype=dist.dtype)[None, :, :] * 1000000.0
    _, idx = jax.lax.top_k(-dist, k)  # smallest-k distances
    return idx

def _gather_neighbors(x, idx):
    # x: [B, N, C], idx: [B, N, K] -> [B, N, K, C]
    return jax.vmap(lambda xb, ib: xb[ib])(x, idx)

def reference(feats, coords, W1, b1, W2, b2):
    idx = _knn_indices(coords, K)
    nf = _gather_neighbors(feats, idx)
    nc = _gather_neighbors(coords, idx)
    cf = jnp.broadcast_to(feats[:, :, None, :], nf.shape)
    cc = jnp.broadcast_to(coords[:, :, None, :], nc.shape)
    edge = jnp.concatenate([cf, nf - cf, nc - cc], axis=-1)
    h = jax.nn.gelu(edge @ W1 + b1, approximate=False)
    h = jax.nn.gelu(h @ W2 + b2, approximate=False)
    return jnp.max(h, axis=2)

if __name__ == "__main__":
    import jax
    _d = setup_inputs()
    print(jax.jit(kernel)(*tuple(_d.values())))

</pallas_src>

<mosaic_0001>
#map = affine_map<(d0, d1) -> (0, 0)>
module attributes {stable_mosaic.version = 14 : i64} {
  func.func @_sc_gather_body(%arg0: i32, %arg1: i32, %arg2: memref<256x128xi32, #tpu.memory_space<hbm>>, %arg3: memref<8192x128xf32, #tpu.memory_space<hbm>>, %arg4: memref<32768x128xf32, #tpu.memory_space<hbm>>, %arg5: memref<8x128xi32, #tpu.memory_space<vmem>>, %arg6: memref<128x128xf32, #tpu.memory_space<vmem>>, %arg7: memref<!tpu.dma_semaphore, #tpu.memory_space<semaphore_mem>>) attributes {dimension_semantics = [#tpu.dimension_semantics<core_parallel>, #tpu.dimension_semantics<subcore_parallel>], iteration_bounds = array<i64: 2, 16>, scalar_prefetch = 0 : i64, scratch_operands = 3 : i64, tpu.core_type = #tpu.core_type<sc_vector_subcore>, window_params = [{transform_indices = #map}, {transform_indices = #map}, {transform_indices = #map}]} {
    %mul3A = arith.constant 2 : i32
    %mul3A_0 = arith.muli %arg1, %mul3A : i32
    %add3A = arith.addi %mul3A_0, %arg0 : i32
    %mul3A_1 = arith.constant 8 : i32
    %mul3A_2 = arith.muli %add3A, %mul3A_1 : i32
    "tpu.region"() ({
      %run_scoped3A = tpu.sem_alloc : memref<!tpu.dma_semaphore, #tpu.memory_space<semaphore_mem>>
      %dma_start3A = arith.constant 0 : i32
      %dma_start3A_8 = tpu.memref_slice %arg2[%mul3A_2, %dma_start3A] : memref<256x128xi32, #tpu.memory_space<hbm>> -> memref<8x128xi32, #tpu.memory_space<hbm>>
      %dma_start3A_9 = arith.constant 0 : i32
      %dma_start3A_10 = tpu.memref_slice %arg2[%mul3A_2, %dma_start3A_9] : memref<256x128xi32, #tpu.memory_space<hbm>> -> memref<8x128xi32, #tpu.memory_space<hbm>>
      tpu.enqueue_dma source(%dma_start3A_10 : memref<8x128xi32, #tpu.memory_space<hbm>>) target(%arg5 : memref<8x128xi32, #tpu.memory_space<vmem>>) target_semaphore(%run_scoped3A : memref<!tpu.dma_semaphore, #tpu.memory_space<semaphore_mem>>)
      %dma_wait3A = arith.constant 0 : i32
      %dma_wait3A_11 = tpu.memref_slice %arg2[%mul3A_2, %dma_wait3A] : memref<256x128xi32, #tpu.memory_space<hbm>> -> memref<8x128xi32, #tpu.memory_space<hbm>>
      %dma_wait3A_12 = arith.constant 0 : i32
      %dma_wait3A_13 = tpu.memref_slice %arg2[%mul3A_2, %dma_wait3A_12] : memref<256x128xi32, #tpu.memory_space<hbm>> -> memref<8x128xi32, #tpu.memory_space<hbm>>
      tpu.wait_dma2 semaphore(%run_scoped3A : memref<!tpu.dma_semaphore, #tpu.memory_space<semaphore_mem>>) src(%dma_wait3A_13 : memref<8x128xi32, #tpu.memory_space<hbm>>) dst(%arg5 : memref<8x128xi32, #tpu.memory_space<vmem>>)
      tpu.yield
    }) : () -> ()
    %scan3A = arith.constant 0 : i32
    %scan3A_3 = arith.constant 0 : i32
    %scan3A_4 = arith.constant 8 : i32
    %scan3A_5 = arith.addi %scan3A_3, %scan3A_4 : i32
    %scan3A_6 = arith.constant 1 : i32
    scf.for %scan3A_8 = %scan3A_3 to %scan3A_5 step %scan3A_6  : i32 {
      %dma_start3A = arith.constant 0 : i32
      %dma_start3A_9 = tpu.memref_slice %arg5[%scan3A_8, %dma_start3A] : memref<8x128xi32, #tpu.memory_space<vmem>> -> memref<1x128xi32, #tpu.memory_space<vmem>>
      %dma_start3A_10 = tpu.memref_squeeze %dma_start3A_9 : memref<1x128xi32, #tpu.memory_space<vmem>> -> memref<128xi32, #tpu.memory_space<vmem>>
      %dma_start3A_11 = arith.constant 0 : i32
      %dma_start3A_12 = arith.constant 0 : i32
      %dma_start3A_13 = tpu.memref_slice %arg3[%dma_start3A_11, %dma_start3A_12] : memref<8192x128xf32, #tpu.memory_space<hbm>> -> memref<8192x128xf32, #tpu.memory_space<hbm>>
      tpu.enqueue_indirect_dma source(%dma_start3A_13 : memref<8192x128xf32, #tpu.memory_space<hbm>>) target(%arg6 : memref<128x128xf32, #tpu.memory_space<vmem>>) offsets(%dma_start3A_10 : memref<128xi32, #tpu.memory_space<vmem>>) semaphore(%arg7 : memref<!tpu.dma_semaphore, #tpu.memory_space<semaphore_mem>>)
      %dma_wait3A = arith.constant 0 : i32
      %dma_wait3A_14 = tpu.memref_slice %arg5[%scan3A_8, %dma_wait3A] : memref<8x128xi32, #tpu.memory_space<vmem>> -> memref<1x128xi32, #tpu.memory_space<vmem>>
      %dma_wait3A_15 = tpu.memref_squeeze %dma_wait3A_14 : memref<1x128xi32, #tpu.memory_space<vmem>> -> memref<128xi32, #tpu.memory_space<vmem>>
      %dma_wait3A_16 = arith.constant 0 : i32
      %dma_wait3A_17 = arith.constant 0 : i32
      %dma_wait3A_18 = tpu.memref_slice %arg3[%dma_wait3A_16, %dma_wait3A_17] : memref<8192x128xf32, #tpu.memory_space<hbm>> -> memref<8192x128xf32, #tpu.memory_space<hbm>>
      tpu.wait_indirect_dma semaphore(%arg7 : memref<!tpu.dma_semaphore, #tpu.memory_space<semaphore_mem>>) src(%dma_wait3A_18 : memref<8192x128xf32, #tpu.memory_space<hbm>>) dst(%arg6 : memref<128x128xf32, #tpu.memory_space<vmem>>)
      %add3A_19 = arith.addi %mul3A_2, %scan3A_8 : i32
      %mul3A_20 = arith.constant 128 : i32
      %mul3A_21 = arith.muli %add3A_19, %mul3A_20 : i32
      "tpu.region"() ({
        %run_scoped3A = tpu.sem_alloc : memref<!tpu.dma_semaphore, #tpu.memory_space<semaphore_mem>>
        %dma_start3A_22 = arith.constant 0 : i32
        %dma_start3A_23 = tpu.memref_slice %arg4[%mul3A_21, %dma_start3A_22] : memref<32768x128xf32, #tpu.memory_space<hbm>> -> memref<128x128xf32, #tpu.memory_space<hbm>>
        %dma_start3A_24 = arith.constant 0 : i32
        %dma_start3A_25 = tpu.memref_slice %arg4[%mul3A_21, %dma_start3A_24] : memref<32768x128xf32, #tpu.memory_space<hbm>> -> memref<128x128xf32, #tpu.memory_space<hbm>>
        tpu.enqueue_dma source(%arg6 : memref<128x128xf32, #tpu.memory_space<vmem>>) target(%dma_start3A_25 : memref<128x128xf32, #tpu.memory_space<hbm>>) target_semaphore(%run_scoped3A : memref<!tpu.dma_semaphore, #tpu.memory_space<semaphore_mem>>)
        %dma_wait3A_26 = arith.constant 0 : i32
        %dma_wait3A_27 = tpu.memref_slice %arg4[%mul3A_21, %dma_wait3A_26] : memref<32768x128xf32, #tpu.memory_space<hbm>> -> memref<128x128xf32, #tpu.memory_space<hbm>>
        %dma_wait3A_28 = arith.constant 0 : i32
        %dma_wait3A_29 = tpu.memref_slice %arg4[%mul3A_21, %dma_wait3A_28] : memref<32768x128xf32, #tpu.memory_space<hbm>> -> memref<128x128xf32, #tpu.memory_space<hbm>>
        tpu.wait_dma2 semaphore(%run_scoped3A : memref<!tpu.dma_semaphore, #tpu.memory_space<semaphore_mem>>) src(%arg6 : memref<128x128xf32, #tpu.memory_space<vmem>>) dst(%dma_wait3A_29 : memref<128x128xf32, #tpu.memory_space<hbm>>)
        tpu.yield
      }) : () -> ()
    }
    %scan3A_7 = arith.constant 8 : i32
    return
  }
}

#map = affine_map<(d0, d1) -> (0, 0)>
module attributes {stable_mosaic.version = 14 : i64} {
  func.func @_sc_gather_body(%arg0: i32, %arg1: i32, %arg2: memref<256x128xi32, #tpu.memory_space<hbm>>, %arg3: memref<8192x128xf32, #tpu.memory_space<hbm>>, %arg4: memref<32768x128xf32, #tpu.memory_space<hbm>>, %arg5: memref<8x128xi32, #tpu.memory_space<vmem>>, %arg6: memref<128x128xf32, #tpu.memory_space<vmem>>, %arg7: memref<!tpu.dma_semaphore, #tpu.memory_space<semaphore_mem>>) attributes {dimension_semantics = [#tpu.dimension_semantics<core_parallel>, #tpu.dimension_semantics<subcore_parallel>], iteration_bounds = array<i64: 2, 16>, scalar_prefetch = 0 : i64, scratch_operands = 3 : i64, tpu.core_type = #tpu.core_type<sc_vector_subcore>, window_params = [{transform_indices = #map}, {transform_indices = #map}, {transform_indices = #map}]} {
    %mul3A = arith.constant 2 : i32
    %mul3A_0 = arith.muli %arg1, %mul3A : i32
    %add3A = arith.addi %mul3A_0, %arg0 : i32
    %mul3A_1 = arith.constant 8 : i32
    %mul3A_2 = arith.muli %add3A, %mul3A_1 : i32
    "tpu.region"() ({
      %run_scoped3A = tpu.sem_alloc : memref<!tpu.dma_semaphore, #tpu.memory_space<semaphore_mem>>
      %dma_start3A = arith.constant 0 : i32
      %dma_start3A_8 = tpu.memref_slice %arg2[%mul3A_2, %dma_start3A] : memref<256x128xi32, #tpu.memory_space<hbm>> -> memref<8x128xi32, #tpu.memory_space<hbm>>
      %dma_start3A_9 = arith.constant 0 : i32
      %dma_start3A_10 = tpu.memref_slice %arg2[%mul3A_2, %dma_start3A_9] : memref<256x128xi32, #tpu.memory_space<hbm>> -> memref<8x128xi32, #tpu.memory_space<hbm>>
      tpu.enqueue_dma source(%dma_start3A_10 : memref<8x128xi32, #tpu.memory_space<hbm>>) target(%arg5 : memref<8x128xi32, #tpu.memory_space<vmem>>) target_semaphore(%run_scoped3A : memref<!tpu.dma_semaphore, #tpu.memory_space<semaphore_mem>>)
      %dma_wait3A = arith.constant 0 : i32
      %dma_wait3A_11 = tpu.memref_slice %arg2[%mul3A_2, %dma_wait3A] : memref<256x128xi32, #tpu.memory_space<hbm>> -> memref<8x128xi32, #tpu.memory_space<hbm>>
      %dma_wait3A_12 = arith.constant 0 : i32
      %dma_wait3A_13 = tpu.memref_slice %arg2[%mul3A_2, %dma_wait3A_12] : memref<256x128xi32, #tpu.memory_space<hbm>> -> memref<8x128xi32, #tpu.memory_space<hbm>>
      tpu.wait_dma2 semaphore(%run_scoped3A : memref<!tpu.dma_semaphore, #tpu.memory_space<semaphore_mem>>) src(%dma_wait3A_13 : memref<8x128xi32, #tpu.memory_space<hbm>>) dst(%arg5 : memref<8x128xi32, #tpu.memory_space<vmem>>)
      tpu.yield
    }) : () -> ()
    %scan3A = arith.constant 0 : i32
    %scan3A_3 = arith.constant 0 : i32
    %scan3A_4 = arith.constant 8 : i32
    %scan3A_5 = arith.addi %scan3A_3, %scan3A_4 : i32
    %scan3A_6 = arith.constant 1 : i32
    scf.for %scan3A_8 = %scan3A_3 to %scan3A_5 step %scan3A_6  : i32 {
      %dma_start3A = arith.constant 0 : i32
      %dma_start3A_9 = tpu.memref_slice %arg5[%scan3A_8, %dma_start3A] : memref<8x128xi32, #tpu.memory_space<vmem>> -> memref<1x128xi32, #tpu.memory_space<vmem>>
      %dma_start3A_10 = tpu.memref_squeeze %dma_start3A_9 : memref<1x128xi32, #tpu.memory_space<vmem>> -> memref<128xi32, #tpu.memory_space<vmem>>
      %dma_start3A_11 = arith.constant 0 : i32
      %dma_start3A_12 = arith.constant 0 : i32
      %dma_start3A_13 = tpu.memref_slice %arg3[%dma_start3A_11, %dma_start3A_12] : memref<8192x128xf32, #tpu.memory_space<hbm>> -> memref<8192x128xf32, #tpu.memory_space<hbm>>
      tpu.enqueue_indirect_dma source(%dma_start3A_13 : memref<8192x128xf32, #tpu.memory_space<hbm>>) target(%arg6 : memref<128x128xf32, #tpu.memory_space<vmem>>) offsets(%dma_start3A_10 : memref<128xi32, #tpu.memory_space<vmem>>) semaphore(%arg7 : memref<!tpu.dma_semaphore, #tpu.memory_space<semaphore_mem>>)
      %dma_wait3A = arith.constant 0 : i32
      %dma_wait3A_14 = tpu.memref_slice %arg5[%scan3A_8, %dma_wait3A] : memref<8x128xi32, #tpu.memory_space<vmem>> -> memref<1x128xi32, #tpu.memory_space<vmem>>
      %dma_wait3A_15 = tpu.memref_squeeze %dma_wait3A_14 : memref<1x128xi32, #tpu.memory_space<vmem>> -> memref<128xi32, #tpu.memory_space<vmem>>
      %dma_wait3A_16 = arith.constant 0 : i32
      %dma_wait3A_17 = arith.constant 0 : i32
      %dma_wait3A_18 = tpu.memref_slice %arg3[%dma_wait3A_16, %dma_wait3A_17] : memref<8192x128xf32, #tpu.memory_space<hbm>> -> memref<8192x128xf32, #tpu.memory_space<hbm>>
      tpu.wait_indirect_dma semaphore(%arg7 : memref<!tpu.dma_semaphore, #tpu.memory_space<semaphore_mem>>) src(%dma_wait3A_18 : memref<8192x128xf32, #tpu.memory_space<hbm>>) dst(%arg6 : memref<128x128xf32, #tpu.memory_space<vmem>>)
      %add3A_19 = arith.addi %mul3A_2, %scan3A_8 : i32
      %mul3A_20 = arith.constant 128 : i32
      %mul3A_21 = arith.muli %add3A_19, %mul3A_20 : i32
      "tpu.region"() ({
        %run_scoped3A = tpu.sem_alloc : memref<!tpu.dma_semaphore, #tpu.memory_space<semaphore_mem>>
        %dma_start3A_22 = arith.constant 0 : i32
        %dma_start3A_23 = tpu.memref_slice %arg4[%mul3A_21, %dma_start3A_22] : memref<32768x128xf32, #tpu.memory_space<hbm>> -> memref<128x128xf32, #tpu.memory_space<hbm>>
        %dma_start3A_24 = arith.constant 0 : i32
        %dma_start3A_25 = tpu.memref_slice %arg4[%mul3A_21, %dma_start3A_24] : memref<32768x128xf32, #tpu.memory_space<hbm>> -> memref<128x128xf32, #tpu.memory_space<hbm>>
        tpu.enqueue_dma source(%arg6 : memref<128x128xf32, #tpu.memory_space<vmem>>) target(%dma_start3A_25 : memref<128x128xf32, #tpu.memory_space<hbm>>) target_semaphore(%run_scoped3A : memref<!tpu.dma_semaphore, #tpu.memory_space<semaphore_mem>>)
        %dma_wait3A_26 = arith.constant 0 : i32
        %dma_wait3A_27 = tpu.memref_slice %arg4[%mul3A_21, %dma_wait3A_26] : memref<32768x128xf32, #tpu.memory_space<hbm>> -> memref<128x128xf32, #tpu.memory_space<hbm>>
        %dma_wait3A_28 = arith.constant 0 : i32
        %dma_wait3A_29 = tpu.memref_slice %arg4[%mul3A_21, %dma_wait3A_28] : memref<32768x128xf32, #tpu.memory_space<hbm>> -> memref<128x128xf32, #tpu.memory_space<hbm>>
        tpu.wait_dma2 semaphore(%run_scoped3A : memref<!tpu.dma_semaphore, #tpu.memory_space<semaphore_mem>>) src(%arg6 : memref<128x128xf32, #tpu.memory_space<vmem>>) dst(%dma_wait3A_29 : memref<128x128xf32, #tpu.memory_space<hbm>>)
        tpu.yield
      }) : () -> ()
    }
    %scan3A_7 = arith.constant 8 : i32
    return
  }
}

#map = affine_map<(d0, d1) -> (0, 0)>
module attributes {stable_mosaic.version = 14 : i64} {
  func.func @_sc_gather_body(%arg0: i32, %arg1: i32, %arg2: memref<256x128xi32, #tpu.memory_space<hbm>>, %arg3: memref<8192x128xf32, #tpu.memory_space<hbm>>, %arg4: memref<32768x128xf32, #tpu.memory_space<hbm>>, %arg5: memref<8x128xi32, #tpu.memory_space<vmem>>, %arg6: memref<128x128xf32, #tpu.memory_space<vmem>>, %arg7: memref<!tpu.dma_semaphore, #tpu.memory_space<semaphore_mem>>) attributes {dimension_semantics = [#tpu.dimension_semantics<core_parallel>, #tpu.dimension_semantics<subcore_parallel>], iteration_bounds = array<i64: 2, 16>, scalar_prefetch = 0 : i64, scratch_operands = 3 : i64, tpu.core_type = #tpu.core_type<sc_vector_subcore>, window_params = [{transform_indices = #map}, {transform_indices = #map}, {transform_indices = #map}]} {
    %mul3A = arith.constant 2 : i32
    %mul3A_0 = arith.muli %arg1, %mul3A : i32
    %add3A = arith.addi %mul3A_0, %arg0 : i32
    %mul3A_1 = arith.constant 8 : i32
    %mul3A_2 = arith.muli %add3A, %mul3A_1 : i32
    "tpu.region"() ({
      %run_scoped3A = tpu.sem_alloc : memref<!tpu.dma_semaphore, #tpu.memory_space<semaphore_mem>>
      %dma_start3A = arith.constant 0 : i32
      %dma_start3A_8 = tpu.memref_slice %arg2[%mul3A_2, %dma_start3A] : memref<256x128xi32, #tpu.memory_space<hbm>> -> memref<8x128xi32, #tpu.memory_space<hbm>>
      %dma_start3A_9 = arith.constant 0 : i32
      %dma_start3A_10 = tpu.memref_slice %arg2[%mul3A_2, %dma_start3A_9] : memref<256x128xi32, #tpu.memory_space<hbm>> -> memref<8x128xi32, #tpu.memory_space<hbm>>
      tpu.enqueue_dma source(%dma_start3A_10 : memref<8x128xi32, #tpu.memory_space<hbm>>) target(%arg5 : memref<8x128xi32, #tpu.memory_space<vmem>>) target_semaphore(%run_scoped3A : memref<!tpu.dma_semaphore, #tpu.memory_space<semaphore_mem>>)
      %dma_wait3A = arith.constant 0 : i32
      %dma_wait3A_11 = tpu.memref_slice %arg2[%mul3A_2, %dma_wait3A] : memref<256x128xi32, #tpu.memory_space<hbm>> -> memref<8x128xi32, #tpu.memory_space<hbm>>
      %dma_wait3A_12 = arith.constant 0 : i32
      %dma_wait3A_13 = tpu.memref_slice %arg2[%mul3A_2, %dma_wait3A_12] : memref<256x128xi32, #tpu.memory_space<hbm>> -> memref<8x128xi32, #tpu.memory_space<hbm>>
      tpu.wait_dma2 semaphore(%run_scoped3A : memref<!tpu.dma_semaphore, #tpu.memory_space<semaphore_mem>>) src(%dma_wait3A_13 : memref<8x128xi32, #tpu.memory_space<hbm>>) dst(%arg5 : memref<8x128xi32, #tpu.memory_space<vmem>>)
      tpu.yield
    }) : () -> ()
    %scan3A = arith.constant 0 : i32
    %scan3A_3 = arith.constant 0 : i32
    %scan3A_4 = arith.constant 8 : i32
    %scan3A_5 = arith.addi %scan3A_3, %scan3A_4 : i32
    %scan3A_6 = arith.constant 1 : i32
    scf.for %scan3A_8 = %scan3A_3 to %scan3A_5 step %scan3A_6  : i32 {
      %dma_start3A = arith.constant 0 : i32
      %dma_start3A_9 = tpu.memref_slice %arg5[%scan3A_8, %dma_start3A] : memref<8x128xi32, #tpu.memory_space<vmem>> -> memref<1x128xi32, #tpu.memory_space<vmem>>
      %dma_start3A_10 = tpu.memref_squeeze %dma_start3A_9 : memref<1x128xi32, #tpu.memory_space<vmem>> -> memref<128xi32, #tpu.memory_space<vmem>>
      %dma_start3A_11 = arith.constant 0 : i32
      %dma_start3A_12 = arith.constant 0 : i32
      %dma_start3A_13 = tpu.memref_slice %arg3[%dma_start3A_11, %dma_start3A_12] : memref<8192x128xf32, #tpu.memory_space<hbm>> -> memref<8192x128xf32, #tpu.memory_space<hbm>>
      tpu.enqueue_indirect_dma source(%dma_start3A_13 : memref<8192x128xf32, #tpu.memory_space<hbm>>) target(%arg6 : memref<128x128xf32, #tpu.memory_space<vmem>>) offsets(%dma_start3A_10 : memref<128xi32, #tpu.memory_space<vmem>>) semaphore(%arg7 : memref<!tpu.dma_semaphore, #tpu.memory_space<semaphore_mem>>)
      %dma_wait3A = arith.constant 0 : i32
      %dma_wait3A_14 = tpu.memref_slice %arg5[%scan3A_8, %dma_wait3A] : memref<8x128xi32, #tpu.memory_space<vmem>> -> memref<1x128xi32, #tpu.memory_space<vmem>>
      %dma_wait3A_15 = tpu.memref_squeeze %dma_wait3A_14 : memref<1x128xi32, #tpu.memory_space<vmem>> -> memref<128xi32, #tpu.memory_space<vmem>>
      %dma_wait3A_16 = arith.constant 0 : i32
      %dma_wait3A_17 = arith.constant 0 : i32
      %dma_wait3A_18 = tpu.memref_slice %arg3[%dma_wait3A_16, %dma_wait3A_17] : memref<8192x128xf32, #tpu.memory_space<hbm>> -> memref<8192x128xf32, #tpu.memory_space<hbm>>
      tpu.wait_indirect_dma semaphore(%arg7 : memref<!tpu.dma_semaphore, #tpu.memory_space<semaphore_mem>>) src(%dma_wait3A_18 : memref<8192x128xf32, #tpu.memory_space<hbm>>) dst(%arg6 : memref<128x128xf32, #tpu.memory_space<vmem>>)
      %add3A_19 = arith.addi %mul3A_2, %scan3A_8 : i32
      %mul3A_20 = arith.constant 128 : i32
      %mul3A_21 = arith.muli %add3A_19, %mul3A_20 : i32
      "tpu.region"() ({
        %run_scoped3A = tpu.sem_alloc : memref<!tpu.dma_semaphore, #tpu.memory_space<semaphore_mem>>
        %dma_start3A_22 = arith.constant 0 : i32
        %dma_start3A_23 = tpu.memref_slice %arg4[%mul3A_21, %dma_start3A_22] : memref<32768x128xf32, #tpu.memory_space<hbm>> -> memref<128x128xf32, #tpu.memory_space<hbm>>
        %dma_start3A_24 = arith.constant 0 : i32
        %dma_start3A_25 = tpu.memref_slice %arg4[%mul3A_21, %dma_start3A_24] : memref<32768x128xf32, #tpu.memory_space<hbm>> -> memref<128x128xf32, #tpu.memory_space<hbm>>
        tpu.enqueue_dma source(%arg6 : memref<128x128xf32, #tpu.memory_space<vmem>>) target(%dma_start3A_25 : memref<128x128xf32, #tpu.memory_space<hbm>>) target_semaphore(%run_scoped3A : memref<!tpu.dma_semaphore, #tpu.memory_space<semaphore_mem>>)
        %dma_wait3A_26 = arith.constant 0 : i32
        %dma_wait3A_27 = tpu.memref_slice %arg4[%mul3A_21, %dma_wait3A_26] : memref<32768x128xf32, #tpu.memory_space<hbm>> -> memref<128x128xf32, #tpu.memory_space<hbm>>
        %dma_wait3A_28 = arith.constant 0 : i32
        %dma_wait3A_29 = tpu.memref_slice %arg4[%mul3A_21, %dma_wait3A_28] : memref<32768x128xf32, #tpu.memory_space<hbm>> -> memref<128x128xf32, #tpu.memory_space<hbm>>
        tpu.wait_dma2 semaphore(%run_scoped3A : memref<!tpu.dma_semaphore, #tpu.memory_space<semaphore_mem>>) src(%arg6 : memref<128x128xf32, #tpu.memory_space<vmem>>) dst(%dma_wait3A_29 : memref<128x128xf32, #tpu.memory_space<hbm>>)
        tpu.yield
      }) : () -> ()
    }
    %scan3A_7 = arith.constant 8 : i32
    return
  }
}

#map = affine_map<(d0, d1) -> (0, 0)>
module attributes {stable_mosaic.version = 14 : i64} {
  func.func @_sc_gather_body(%arg0: i32, %arg1: i32, %arg2: memref<256x128xi32, #tpu.memory_space<hbm>>, %arg3: memref<8192x128xf32, #tpu.memory_space<hbm>>, %arg4: memref<32768x128xf32, #tpu.memory_space<hbm>>, %arg5: memref<8x128xi32, #tpu.memory_space<vmem>>, %arg6: memref<128x128xf32, #tpu.memory_space<vmem>>, %arg7: memref<!tpu.dma_semaphore, #tpu.memory_space<semaphore_mem>>) attributes {dimension_semantics = [#tpu.dimension_semantics<core_parallel>, #tpu.dimension_semantics<subcore_parallel>], iteration_bounds = array<i64: 2, 16>, scalar_prefetch = 0 : i64, scratch_operands = 3 : i64, tpu.core_type = #tpu.core_type<sc_vector_subcore>, window_params = [{transform_indices = #map}, {transform_indices = #map}, {transform_indices = #map}]} {
    %mul3A = arith.constant 2 : i32
    %mul3A_0 = arith.muli %arg1, %mul3A : i32
    %add3A = arith.addi %mul3A_0, %arg0 : i32
    %mul3A_1 = arith.constant 8 : i32
    %mul3A_2 = arith.muli %add3A, %mul3A_1 : i32
    "tpu.region"() ({
      %run_scoped3A = tpu.sem_alloc : memref<!tpu.dma_semaphore, #tpu.memory_space<semaphore_mem>>
      %dma_start3A = arith.constant 0 : i32
      %dma_start3A_8 = tpu.memref_slice %arg2[%mul3A_2, %dma_start3A] : memref<256x128xi32, #tpu.memory_space<hbm>> -> memref<8x128xi32, #tpu.memory_space<hbm>>
      %dma_start3A_9 = arith.constant 0 : i32
      %dma_start3A_10 = tpu.memref_slice %arg2[%mul3A_2, %dma_start3A_9] : memref<256x128xi32, #tpu.memory_space<hbm>> -> memref<8x128xi32, #tpu.memory_space<hbm>>
      tpu.enqueue_dma source(%dma_start3A_10 : memref<8x128xi32, #tpu.memory_space<hbm>>) target(%arg5 : memref<8x128xi32, #tpu.memory_space<vmem>>) target_semaphore(%run_scoped3A : memref<!tpu.dma_semaphore, #tpu.memory_space<semaphore_mem>>)
      %dma_wait3A = arith.constant 0 : i32
      %dma_wait3A_11 = tpu.memref_slice %arg2[%mul3A_2, %dma_wait3A] : memref<256x128xi32, #tpu.memory_space<hbm>> -> memref<8x128xi32, #tpu.memory_space<hbm>>
      %dma_wait3A_12 = arith.constant 0 : i32
      %dma_wait3A_13 = tpu.memref_slice %arg2[%mul3A_2, %dma_wait3A_12] : memref<256x128xi32, #tpu.memory_space<hbm>> -> memref<8x128xi32, #tpu.memory_space<hbm>>
      tpu.wait_dma2 semaphore(%run_scoped3A : memref<!tpu.dma_semaphore, #tpu.memory_space<semaphore_mem>>) src(%dma_wait3A_13 : memref<8x128xi32, #tpu.memory_space<hbm>>) dst(%arg5 : memref<8x128xi32, #tpu.memory_space<vmem>>)
      tpu.yield
    }) : () -> ()
    %scan3A = arith.constant 0 : i32
    %scan3A_3 = arith.constant 0 : i32
    %scan3A_4 = arith.constant 8 : i32
    %scan3A_5 = arith.addi %scan3A_3, %scan3A_4 : i32
    %scan3A_6 = arith.constant 1 : i32
    scf.for %scan3A_8 = %scan3A_3 to %scan3A_5 step %scan3A_6  : i32 {
      %dma_start3A = arith.constant 0 : i32
      %dma_start3A_9 = tpu.memref_slice %arg5[%scan3A_8, %dma_start3A] : memref<8x128xi32, #tpu.memory_space<vmem>> -> memref<1x128xi32, #tpu.memory_space<vmem>>
      %dma_start3A_10 = tpu.memref_squeeze %dma_start3A_9 : memref<1x128xi32, #tpu.memory_space<vmem>> -> memref<128xi32, #tpu.memory_space<vmem>>
      %dma_start3A_11 = arith.constant 0 : i32
      %dma_start3A_12 = arith.constant 0 : i32
      %dma_start3A_13 = tpu.memref_slice %arg3[%dma_start3A_11, %dma_start3A_12] : memref<8192x128xf32, #tpu.memory_space<hbm>> -> memref<8192x128xf32, #tpu.memory_space<hbm>>
      tpu.enqueue_indirect_dma source(%dma_start3A_13 : memref<8192x128xf32, #tpu.memory_space<hbm>>) target(%arg6 : memref<128x128xf32, #tpu.memory_space<vmem>>) offsets(%dma_start3A_10 : memref<128xi32, #tpu.memory_space<vmem>>) semaphore(%arg7 : memref<!tpu.dma_semaphore, #tpu.memory_space<semaphore_mem>>)
      %dma_wait3A = arith.constant 0 : i32
      %dma_wait3A_14 = tpu.memref_slice %arg5[%scan3A_8, %dma_wait3A] : memref<8x128xi32, #tpu.memory_space<vmem>> -> memref<1x128xi32, #tpu.memory_space<vmem>>
      %dma_wait3A_15 = tpu.memref_squeeze %dma_wait3A_14 : memref<1x128xi32, #tpu.memory_space<vmem>> -> memref<128xi32, #tpu.memory_space<vmem>>
      %dma_wait3A_16 = arith.constant 0 : i32
      %dma_wait3A_17 = arith.constant 0 : i32
      %dma_wait3A_18 = tpu.memref_slice %arg3[%dma_wait3A_16, %dma_wait3A_17] : memref<8192x128xf32, #tpu.memory_space<hbm>> -> memref<8192x128xf32, #tpu.memory_space<hbm>>
      tpu.wait_indirect_dma semaphore(%arg7 : memref<!tpu.dma_semaphore, #tpu.memory_space<semaphore_mem>>) src(%dma_wait3A_18 : memref<8192x128xf32, #tpu.memory_space<hbm>>) dst(%arg6 : memref<128x128xf32, #tpu.memory_space<vmem>>)
      %add3A_19 = arith.addi %mul3A_2, %scan3A_8 : i32
      %mul3A_20 = arith.constant 128 : i32
      %mul3A_21 = arith.muli %add3A_19, %mul3A_20 : i32
      "tpu.region"() ({
        %run_scoped3A = tpu.sem_alloc : memref<!tpu.dma_semaphore, #tpu.memory_space<semaphore_mem>>
        %dma_start3A_22 = arith.constant 0 : i32
        %dma_start3A_23 = tpu.memref_slice %arg4[%mul3A_21, %dma_start3A_22] : memref<32768x128xf32, #tpu.memory_space<hbm>> -> memref<128x128xf32, #tpu.memory_space<hbm>>
        %dma_start3A_24 = arith.constant 0 : i32
        %dma_start3A_25 = tpu.memref_slice %arg4[%mul3A_21, %dma_start3A_24] : memref<32768x128xf32, #tpu.memory_space<hbm>> -> memref<128x128xf32, #tpu.memory_space<hbm>>
        tpu.enqueue_dma source(%arg6 : memref<128x128xf32, #tpu.memory_space<vmem>>) target(%dma_start3A_25 : memref<128x128xf32, #tpu.memory_space<hbm>>) target_semaphore(%run_scoped3A : memref<!tpu.dma_semaphore, #tpu.memory_space<semaphore_mem>>)
        %dma_wait3A_26 = arith.constant 0 : i32
        %dma_wait3A_27 = tpu.memref_slice %arg4[%mul3A_21, %dma_wait3A_26] : memref<32768x128xf32, #tpu.memory_space<hbm>> -> memref<128x128xf32, #tpu.memory_space<hbm>>
        %dma_wait3A_28 = arith.constant 0 : i32
        %dma_wait3A_29 = tpu.memref_slice %arg4[%mul3A_21, %dma_wait3A_28] : memref<32768x128xf32, #tpu.memory_space<hbm>> -> memref<128x128xf32, #tpu.memory_space<hbm>>
        tpu.wait_dma2 semaphore(%run_scoped3A : memref<!tpu.dma_semaphore, #tpu.memory_space<semaphore_mem>>) src(%arg6 : memref<128x128xf32, #tpu.memory_space<vmem>>) dst(%dma_wait3A_29 : memref<128x128xf32, #tpu.memory_space<hbm>>)
        tpu.yield
      }) : () -> ()
    }
    %scan3A_7 = arith.constant 8 : i32
    return
  }
}

module attributes {stable_mosaic.version = 14 : i64} {
  func.func @_topk_body(%arg0: i32, %arg1: memref<2048x3xf32, #tpu.memory_space<vmem>>, %arg2: memref<3x512xf32, #tpu.memory_space<vmem>>, %arg3: memref<16x512xi32, #tpu.memory_space<vmem>>) attributes {dimension_semantics = [#tpu.dimension_semantics<arbitrary>], iteration_bounds = array<i64: 4>, scalar_prefetch = 0 : i64, scratch_operands = 0 : i64, tpu.core_type = #tpu.core_type<tc>, window_params = [{pipeline_mode = #tpu.pipeline_mode<synchronous>, transform_indices = @transform_0, window_bounds = array<i64: 2048, 3>}, {transform_indices = @transform_1, window_bounds = array<i64: 3, 512>}, {transform_indices = @transform_2, window_bounds = array<i64: 16, 512>}]} {
    %get3A = arith.constant 0 : index
    %get3A_0 = arith.constant 0 : index
    %get3A_1 = vector.load %arg1[%get3A, %get3A_0] : memref<2048x3xf32, #tpu.memory_space<vmem>>, vector<2048x3xf32>
    %get3A_2 = arith.constant 0 : index
    %get3A_3 = arith.constant 0 : index
    %get3A_4 = vector.load %arg2[%get3A_2, %get3A_3] : memref<3x512xf32, #tpu.memory_space<vmem>>, vector<3x512xf32>
    %dot_general3A = arith.constant dense<0.000000e+00> : vector<2048x512xf32>
    %dot_general3A_5 = tpu.matmul %get3A_1, %get3A_4, %dot_general3A {dimension_numbers = #tpu.dot_dimension_numbers<[1], [0], [0], [1], [0, 0, 1, 1], [], []>, transpose_lhs_hint = false} : vector<2048x3xf32>, vector<3x512xf32>, vector<2048x512xf32> -> vector<2048x512xf32>
    %mul3A = arith.mulf %get3A_1, %get3A_1 : vector<2048x3xf32>
    %reduce_sum3A = arith.constant dense<0.000000e+00> : vector<2048xf32>
    %reduce_sum3A_6 = vector.multi_reduction <add>, %mul3A, %reduce_sum3A [1] : vector<2048x3xf32> to vector<2048xf32>
    %broadcast_in_dim3A = vector.shape_cast %reduce_sum3A_6 : vector<2048xf32> to vector<2048x1xf32>
    %mul3A_7 = arith.mulf %get3A_4, %get3A_4 : vector<3x512xf32>
    %reduce_sum3A_8 = arith.constant dense<0.000000e+00> : vector<512xf32>
    %reduce_sum3A_9 = vector.multi_reduction <add>, %mul3A_7, %reduce_sum3A_8 [0] : vector<3x512xf32> to vector<512xf32>
    %broadcast_in_dim3A_10 = vector.shape_cast %reduce_sum3A_9 : vector<512xf32> to vector<1x512xf32>
    %add3A = vector.broadcast %broadcast_in_dim3A : vector<2048x1xf32> to vector<2048x512xf32>
    %add3A_11 = vector.broadcast %broadcast_in_dim3A_10 : vector<1x512xf32> to vector<2048x512xf32>
    %add3A_12 = arith.addf %add3A, %add3A_11 : vector<2048x512xf32>
    %mul3A_13 = arith.constant 2.000000e+00 : f32
    %mul3A_14 = vector.broadcast %mul3A_13 : f32 to vector<2048x512xf32>
    %mul3A_15 = arith.mulf %mul3A_14, %dot_general3A_5 : vector<2048x512xf32>
    %sub3A = arith.subf %add3A_12, %mul3A_15 : vector<2048x512xf32>
    %max3A = arith.constant 0.000000e+00 : f32
    %max3A_16 = vector.broadcast %max3A : f32 to vector<2048x512xf32>
    %max3A_17 = arith.maximumf %sub3A, %max3A_16 : vector<2048x512xf32>
    %sqrt3A = math.sqrt %max3A_17 : vector<2048x512xf32>
    %iota3A = tpu.iota {dimensions = array<i32: 0>} : vector<2048x512xi32>
    %iota3A_18 = tpu.iota {dimensions = array<i32: 1>} : vector<2048x512xi32>
    %mul3A_19 = arith.constant 512 : i32
    %mul3A_20 = arith.muli %arg0, %mul3A_19 : i32
    %add3A_21 = vector.broadcast %mul3A_20 : i32 to vector<2048x512xi32>
    %add3A_22 = arith.addi %iota3A_18, %add3A_21 : vector<2048x512xi32>
    %eq3A = arith.cmpi eq, %iota3A, %add3A_22 : vector<2048x512xi32>
    %add3A_23 = arith.constant 1.000000e+06 : f32
    %add3A_24 = vector.broadcast %add3A_23 : f32 to vector<2048x512xf32>
    %add3A_25 = arith.addf %sqrt3A, %add3A_24 : vector<2048x512xf32>
    %select_n3A = arith.select %eq3A, %add3A_25, %sqrt3A : vector<2048x512xi1>, vector<2048x512xf32>
    %reduce_min3A = arith.constant dense<0x7F800000> : vector<512xf32>
    %reduce_min3A_26 = vector.multi_reduction <minimumf>, %select_n3A, %reduce_min3A [0] : vector<2048x512xf32> to vector<512xf32>
    %broadcast_in_dim3A_27 = vector.shape_cast %reduce_min3A_26 : vector<512xf32> to vector<1x512xf32>
    %eq3A_28 = vector.broadcast %broadcast_in_dim3A_27 : vector<1x512xf32> to vector<2048x512xf32>
    %eq3A_29 = arith.cmpf oeq, %select_n3A, %eq3A_28 : vector<2048x512xf32>
    %jit3A = arith.constant 2048 : i32
    %broadcast_in_dim3A_30 = vector.broadcast %jit3A : i32 to vector<2048x512xi32>
    %select_n3A_31 = arith.select %eq3A_29, %iota3A, %broadcast_in_dim3A_30 : vector<2048x512xi1>, vector<2048x512xi32>
    %reduce_min3A_32 = arith.constant dense<2147483647> : vector<512xi32>
    %reduce_min3A_33 = vector.multi_reduction <minsi>, %select_n3A_31, %reduce_min3A_32 [0] : vector<2048x512xi32> to vector<512xi32>
    %broadcast_in_dim3A_34 = vector.shape_cast %reduce_min3A_33 : vector<512xi32> to vector<1x512xi32>
    %eq3A_35 = vector.broadcast %broadcast_in_dim3A_34 : vector<1x512xi32> to vector<2048x512xi32>
    %eq3A_36 = arith.cmpi eq, %iota3A, %eq3A_35 : vector<2048x512xi32>
    %jit3A_37 = arith.constant 3.000000e+38 : f32
    %broadcast_in_dim3A_38 = vector.broadcast %jit3A_37 : f32 to vector<2048x512xf32>
    %select_n3A_39 = arith.select %eq3A_36, %broadcast_in_dim3A_38, %select_n3A : vector<2048x512xi1>, vector<2048x512xf32>
    %reduce_min3A_40 = arith.constant dense<0x7F800000> : vector<512xf32>
    %reduce_min3A_41 = vector.multi_reduction <minimumf>, %select_n3A_39, %reduce_min3A_40 [0] : vector<2048x512xf32> to vector<512xf32>
    %broadcast_in_dim3A_42 = vector.shape_cast %reduce_min3A_41 : vector<512xf32> to vector<1x512xf32>
    %eq3A_43 = vector.broadcast %broadcast_in_dim3A_42 : vector<1x512xf32> to vector<2048x512xf32>
    %eq3A_44 = arith.cmpf oeq, %select_n3A_39, %eq3A_43 : vector<2048x512xf32>
    %jit3A_45 = arith.constant 2048 : i32
    %broadcast_in_dim3A_46 = vector.broadcast %jit3A_45 : i32 to vector<2048x512xi32>
    %select_n3A_47 = arith.select %eq3A_44, %iota3A, %broadcast_in_dim3A_46 : vector<2048x512xi1>, vector<2048x512xi32>
    %reduce_min3A_48 = arith.constant dense<2147483647> : vector<512xi32>
    %reduce_min3A_49 = vector.multi_reduction <minsi>, %select_n3A_47, %reduce_min3A_48 [0] : vector<2048x512xi32> to vector<512xi32>
    %broadcast_in_dim3A_50 = vector.shape_cast %reduce_min3A_49 : vector<512xi32> to vector<1x512xi32>
    %eq3A_51 = vector.broadcast %broadcast_in_dim3A_50 : vector<1x512xi32> to vector<2048x512xi32>
    %eq3A_52 = arith.cmpi eq, %iota3A, %eq3A_51 : vector<2048x512xi32>
    %jit3A_53 = arith.constant 3.000000e+38 : f32
    %broadcast_in_dim3A_54 = vector.broadcast %jit3A_53 : f32 to vector<2048x512xf32>
    %select_n3A_55 = arith.select %eq3A_52, %broadcast_in_dim3A_54, %select_n3A_39 : vector<2048x512xi1>, vector<2048x512xf32>
    %reduce_min3A_56 = arith.constant dense<0x7F800000> : vector<512xf32>
    %reduce_min3A_57 = vector.multi_reduction <minimumf>, %select_n3A_55, %reduce_min3A_56 [0] : vector<2048x512xf32> to vector<512xf32>
    %broadcast_in_dim3A_58 = vector.shape_cast %reduce_min3A_57 : vector<512xf32> to vector<1x512xf32>
    %eq3A_59 = vector.broadcast %broadcast_in_dim3A_58 : vector<1x512xf32> to vector<2048x512xf32>
    %eq3A_60 = arith.cmpf oeq, %select_n3A_55, %eq3A_59 : vector<2048x512xf32>
    %jit3A_61 = arith.constant 2048 : i32
    %broadcast_in_dim3A_62 = vector.broadcast %jit3A_61 : i32 to vector<2048x512xi32>
    %select_n3A_63 = arith.select %eq3A_60, %iota3A, %broadcast_in_dim3A_62 : vector<2048x512xi1>, vector<2048x512xi32>
    %reduce_min3A_64 = arith.constant dense<2147483647> : vector<512xi32>
    %reduce_min3A_65 = vector.multi_reduction <minsi>, %select_n3A_63, %reduce_min3A_64 [0] : vector<2048x512xi32> to vector<512xi32>
    %broadcast_in_dim3A_66 = vector.shape_cast %reduce_min3A_65 : vector<512xi32> to vector<1x512xi32>
    %eq3A_67 = vector.broadcast %broadcast_in_dim3A_66 : vector<1x512xi32> to vector<2048x512xi32>
    %eq3A_68 = arith.cmpi eq, %iota3A, %eq3A_67 : vector<2048x512xi32>
    %jit3A_69 = arith.constant 3.000000e+38 : f32
    %broadcast_in_dim3A_70 = vector.broadcast %jit3A_69 : f32 to vector<2048x512xf32>
    %select_n3A_71 = arith.select %eq3A_68, %broadcast_in_dim3A_70, %select_n3A_55 : vector<2048x512xi1>, vector<2048x512xf32>
    %reduce_min3A_72 = arith.constant dense<0x7F800000> : vector<512xf32>
    %reduce_min3A_73 = vector.multi_reduction <minimumf>, %select_n3A_71, %reduce_min3A_72 [0] : vector<2048x512xf32> to vector<512xf32>
    %broadcast_in_dim3A_74 = vector.shape_cast %reduce_min3A_73 : vector<512xf32> to vector<1x512xf32>
    %eq3A_75 = vector.broadcast %broadcast_in_dim3A_74 : vector<1x512xf32> to vector<2048x512xf32>
    %eq3A_76 = arith.cmpf oeq, %select_n3A_71, %eq3A_75 : vector<2048x512xf32>
    %jit3A_77 = arith.constant 2048 : i32
    %broadcast_in_dim3A_78 = vector.broadcast %jit3A_77 : i32 to vector<2048x512xi32>
    %select_n3A_79 = arith.select %eq3A_76, %iota3A, %broadcast_in_dim3A_78 : vector<2048x512xi1>, vector<2048x512xi32>
    %reduce_min3A_80 = arith.constant dense<2147483647> : vector<512xi32>
    %reduce_min3A_81 = vector.multi_reduction <minsi>, %select_n3A_79, %reduce_min3A_80 [0] : vector<2048x512xi32> to vector<512xi32>
    %broadcast_in_dim3A_82 = vector.shape_cast %reduce_min3A_81 : vector<512xi32> to vector<1x512xi32>
    %eq3A_83 = vector.broadcast %broadcast_in_dim3A_82 : vector<1x512xi32> to vector<2048x512xi32>
    %eq3A_84 = arith.cmpi eq, %iota3A, %eq3A_83 : vector<2048x512xi32>
    %jit3A_85 = arith.constant 3.000000e+38 : f32
    %broadcast_in_dim3A_86 = vector.broadcast %jit3A_85 : f32 to vector<2048x512xf32>
    %select_n3A_87 = arith.select %eq3A_84, %broadcast_in_dim3A_86, %select_n3A_71 : vector<2048x512xi1>, vector<2048x512xf32>
    %reduce_min3A_88 = arith.constant dense<0x7F800000> : vector<512xf32>
    %reduce_min3A_89 = vector.multi_reduction <minimumf>, %select_n3A_87, %reduce_min3A_88 [0] : vector<2048x512xf32> to vector<512xf32>
    %broadcast_in_dim3A_90 = vector.shape_cast %reduce_min3A_89 : vector<512xf32> to vector<1x512xf32>
    %eq3A_91 = vector.broadcast %broadcast_in_dim3A_90 : vector<1x512xf32> to vector<2048x512xf32>
    %eq3A_92 = arith.cmpf oeq, %select_n3A_87, %eq3A_91 : vector<2048x512xf32>
    %jit3A_93 = arith.constant 2048 : i32
    %broadcast_in_dim3A_94 = vector.broadcast %jit3A_93 : i32 to vector<2048x512xi32>
    %select_n3A_95 = arith.select %eq3A_92, %iota3A, %broadcast_in_dim3A_94 : vector<2048x512xi1>, vector<2048x512xi32>
    %reduce_min3A_96 = arith.constant dense<2147483647> : vector<512xi32>
    %reduce_min3A_97 = vector.multi_reduction <minsi>, %select_n3A_95, %reduce_min3A_96 [0] : vector<2048x512xi32> to vector<512xi32>
    %broadcast_in_dim3A_98 = vector.shape_cast %reduce_min3A_97 : vector<512xi32> to vector<1x512xi32>
    %eq3A_99 = vector.broadcast %broadcast_in_dim3A_98 : vector<1x512xi32> to vector<2048x512xi32>
    %eq3A_100 = arith.cmpi eq, %iota3A, %eq3A_99 : vector<2048x512xi32>
    %jit3A_101 = arith.constant 3.000000e+38 : f32
    %broadcast_in_dim3A_102 = vector.broadcast %jit3A_101 : f32 to vector<2048x512xf32>
    %select_n3A_103 = arith.select %eq3A_100, %broadcast_in_dim3A_102, %select_n3A_87 : vector<2048x512xi1>, vector<2048x512xf32>
    %reduce_min3A_104 = arith.constant dense<0x7F800000> : vector<512xf32>
    %reduce_min3A_105 = vector.multi_reduction <minimumf>, %select_n3A_103, %reduce_min3A_104 [0] : vector<2048x512xf32> to vector<512xf32>
    %broadcast_in_dim3A_106 = vector.shape_cast %reduce_min3A_105 : vector<512xf32> to vector<1x512xf32>
    %eq3A_107 = vector.broadcast %broadcast_in_dim3A_106 : vector<1x512xf32> to vector<2048x512xf32>
    %eq3A_108 = arith.cmpf oeq, %select_n3A_103, %eq3A_107 : vector<2048x512xf32>
    %jit3A_109 = arith.constant 2048 : i32
    %broadcast_in_dim3A_110 = vector.broadcast %jit3A_109 : i32 to vector<2048x512xi32>
    %select_n3A_111 = arith.select %eq3A_108, %iota3A, %broadcast_in_dim3A_110 : vector<2048x512xi1>, vector<2048x512xi32>
    %reduce_min3A_112 = arith.constant dense<2147483647> : vector<512xi32>
    %reduce_min3A_113 = vector.multi_reduction <minsi>, %select_n3A_111, %reduce_min3A_112 [0] : vector<2048x512xi32> to vector<512xi32>
    %broadcast_in_dim3A_114 = vector.shape_cast %reduce_min3A_113 : vector<512xi32> to vector<1x512xi32>
    %eq3A_115 = vector.broadcast %broadcast_in_dim3A_114 : vector<1x512xi32> to vector<2048x512xi32>
    %eq3A_116 = arith.cmpi eq, %iota3A, %eq3A_115 : vector<2048x512xi32>
    %jit3A_117 = arith.constant 3.000000e+38 : f32
    %broadcast_in_dim3A_118 = vector.broadcast %jit3A_117 : f32 to vector<2048x512xf32>
    %select_n3A_119 = arith.select %eq3A_116, %broadcast_in_dim3A_118, %select_n3A_103 : vector<2048x512xi1>, vector<2048x512xf32>
    %reduce_min3A_120 = arith.constant dense<0x7F800000> : vector<512xf32>
    %reduce_min3A_121 = vector.multi_reduction <minimumf>, %select_n3A_119, %reduce_min3A_120 [0] : vector<2048x512xf32> to vector<512xf32>
    %broadcast_in_dim3A_122 = vector.shape_cast %reduce_min3A_121 : vector<512xf32> to vector<1x512xf32>
    %eq3A_123 = vector.broadcast %broadcast_in_dim3A_122 : vector<1x512xf32> to vector<2048x512xf32>
    %eq3A_124 = arith.cmpf oeq, %select_n3A_119, %eq3A_123 : vector<2048x512xf32>
    %jit3A_125 = arith.constant 2048 : i32
    %broadcast_in_dim3A_126 = vector.broadcast %jit3A_125 : i32 to vector<2048x512xi32>
    %select_n3A_127 = arith.select %eq3A_124, %iota3A, %broadcast_in_dim3A_126 : vector<2048x512xi1>, vector<2048x512xi32>
    %reduce_min3A_128 = arith.constant dense<2147483647> : vector<512xi32>
    %reduce_min3A_129 = vector.multi_reduction <minsi>, %select_n3A_127, %reduce_min3A_128 [0] : vector<2048x512xi32> to vector<512xi32>
    %broadcast_in_dim3A_130 = vector.shape_cast %reduce_min3A_129 : vector<512xi32> to vector<1x512xi32>
    %eq3A_131 = vector.broadcast %broadcast_in_dim3A_130 : vector<1x512xi32> to vector<2048x512xi32>
    %eq3A_132 = arith.cmpi eq, %iota3A, %eq3A_131 : vector<2048x512xi32>
    %jit3A_133 = arith.constant 3.000000e+38 : f32
    %broadcast_in_dim3A_134 = vector.broadcast %jit3A_133 : f32 to vector<2048x512xf32>
    %select_n3A_135 = arith.select %eq3A_132, %broadcast_in_dim3A_134, %select_n3A_119 : vector<2048x512xi1>, vector<2048x512xf32>
    %reduce_min3A_136 = arith.constant dense<0x7F800000> : vector<512xf32>
    %reduce_min3A_137 = vector.multi_reduction <minimumf>, %select_n3A_135, %reduce_min3A_136 [0] : vector<2048x512xf32> to vector<512xf32>
    %broadcast_in_dim3A_138 = vector.shape_cast %reduce_min3A_137 : vector<512xf32> to vector<1x512xf32>
    %eq3A_139 = vector.broadcast %broadcast_in_dim3A_138 : vector<1x512xf32> to vector<2048x512xf32>
    %eq3A_140 = arith.cmpf oeq, %select_n3A_135, %eq3A_139 : vector<2048x512xf32>
    %jit3A_141 = arith.constant 2048 : i32
    %broadcast_in_dim3A_142 = vector.broadcast %jit3A_141 : i32 to vector<2048x512xi32>
    %select_n3A_143 = arith.select %eq3A_140, %iota3A, %broadcast_in_dim3A_142 : vector<2048x512xi1>, vector<2048x512xi32>
    %reduce_min3A_144 = arith.constant dense<2147483647> : vector<512xi32>
    %reduce_min3A_145 = vector.multi_reduction <minsi>, %select_n3A_143, %reduce_min3A_144 [0] : vector<2048x512xi32> to vector<512xi32>
    %broadcast_in_dim3A_146 = vector.shape_cast %reduce_min3A_145 : vector<512xi32> to vector<1x512xi32>
    %eq3A_147 = vector.broadcast %broadcast_in_dim3A_146 : vector<1x512xi32> to vector<2048x512xi32>
    %eq3A_148 = arith.cmpi eq, %iota3A, %eq3A_147 : vector<2048x512xi32>
    %jit3A_149 = arith.constant 3.000000e+38 : f32
    %broadcast_in_dim3A_150 = vector.broadcast %jit3A_149 : f32 to vector<2048x512xf32>
    %select_n3A_151 = arith.select %eq3A_148, %broadcast_in_dim3A_150, %select_n3A_135 : vector<2048x512xi1>, vector<2048x512xf32>
    %reduce_min3A_152 = arith.constant dense<0x7F800000> : vector<512xf32>
    %reduce_min3A_153 = vector.multi_reduction <minimumf>, %select_n3A_151, %reduce_min3A_152 [0] : vector<2048x512xf32> to vector<512xf32>
    %broadcast_in_dim3A_154 = vector.shape_cast %reduce_min3A_153 : vector<512xf32> to vector<1x512xf32>
    %eq3A_155 = vector.broadcast %broadcast_in_dim3A_154 : vector<1x512xf32> to vector<2048x512xf32>
    %eq3A_156 = arith.cmpf oeq, %select_n3A_151, %eq3A_155 : vector<2048x512xf32>
    %jit3A_157 = arith.constant 2048 : i32
    %broadcast_in_dim3A_158 = vector.broadcast %jit3A_157 : i32 to vector<2048x512xi32>
    %select_n3A_159 = arith.select %eq3A_156, %iota3A, %broadcast_in_dim3A_158 : vector<2048x512xi1>, vector<2048x512xi32>
    %reduce_min3A_160 = arith.constant dense<2147483647> : vector<512xi32>
    %reduce_min3A_161 = vector.multi_reduction <minsi>, %select_n3A_159, %reduce_min3A_160 [0] : vector<2048x512xi32> to vector<512xi32>
    %broadcast_in_dim3A_162 = vector.shape_cast %reduce_min3A_161 : vector<512xi32> to vector<1x512xi32>
    %eq3A_163 = vector.broadcast %broadcast_in_dim3A_162 : vector<1x512xi32> to vector<2048x512xi32>
    %eq3A_164 = arith.cmpi eq, %iota3A, %eq3A_163 : vector<2048x512xi32>
    %jit3A_165 = arith.constant 3.000000e+38 : f32
    %broadcast_in_dim3A_166 = vector.broadcast %jit3A_165 : f32 to vector<2048x512xf32>
    %select_n3A_167 = arith.select %eq3A_164, %broadcast_in_dim3A_166, %select_n3A_151 : vector<2048x512xi1>, vector<2048x512xf32>
    %reduce_min3A_168 = arith.constant dense<0x7F800000> : vector<512xf32>
    %reduce_min3A_169 = vector.multi_reduction <minimumf>, %select_n3A_167, %reduce_min3A_168 [0] : vector<2048x512xf32> to vector<512xf32>
    %broadcast_in_dim3A_170 = vector.shape_cast %reduce_min3A_169 : vector<512xf32> to vector<1x512xf32>
    %eq3A_171 = vector.broadcast %broadcast_in_dim3A_170 : vector<1x512xf32> to vector<2048x512xf32>
    %eq3A_172 = arith.cmpf oeq, %select_n3A_167, %eq3A_171 : vector<2048x512xf32>
    %jit3A_173 = arith.constant 2048 : i32
    %broadcast_in_dim3A_174 = vector.broadcast %jit3A_173 : i32 to vector<2048x512xi32>
    %select_n3A_175 = arith.select %eq3A_172, %iota3A, %broadcast_in_dim3A_174 : vector<2048x512xi1>, vector<2048x512xi32>
    %reduce_min3A_176 = arith.constant dense<2147483647> : vector<512xi32>
    %reduce_min3A_177 = vector.multi_reduction <minsi>, %select_n3A_175, %reduce_min3A_176 [0] : vector<2048x512xi32> to vector<512xi32>
    %broadcast_in_dim3A_178 = vector.shape_cast %reduce_min3A_177 : vector<512xi32> to vector<1x512xi32>
    %eq3A_179 = vector.broadcast %broadcast_in_dim3A_178 : vector<1x512xi32> to vector<2048x512xi32>
    %eq3A_180 = arith.cmpi eq, %iota3A, %eq3A_179 : vector<2048x512xi32>
    %jit3A_181 = arith.constant 3.000000e+38 : f32
    %broadcast_in_dim3A_182 = vector.broadcast %jit3A_181 : f32 to vector<2048x512xf32>
    %select_n3A_183 = arith.select %eq3A_180, %broadcast_in_dim3A_182, %select_n3A_167 : vector<2048x512xi1>, vector<2048x512xf32>
    %reduce_min3A_184 = arith.constant dense<0x7F800000> : vector<512xf32>
    %reduce_min3A_185 = vector.multi_reduction <minimumf>, %select_n3A_183, %reduce_min3A_184 [0] : vector<2048x512xf32> to vector<512xf32>
    %broadcast_in_dim3A_186 = vector.shape_cast %reduce_min3A_185 : vector<512xf32> to vector<1x512xf32>
    %eq3A_187 = vector.broadcast %broadcast_in_dim3A_186 : vector<1x512xf32> to vector<2048x512xf32>
    %eq3A_188 = arith.cmpf oeq, %select_n3A_183, %eq3A_187 : vector<2048x512xf32>
    %jit3A_189 = arith.constant 2048 : i32
    %broadcast_in_dim3A_190 = vector.broadcast %jit3A_189 : i32 to vector<2048x512xi32>
    %select_n3A_191 = arith.select %eq3A_188, %iota3A, %broadcast_in_dim3A_190 : vector<2048x512xi1>, vector<2048x512xi32>
    %reduce_min3A_192 = arith.constant dense<2147483647> : vector<512xi32>
    %reduce_min3A_193 = vector.multi_reduction <minsi>, %select_n3A_191, %reduce_min3A_192 [0] : vector<2048x512xi32> to vector<512xi32>
    %broadcast_in_dim3A_194 = vector.shape_cast %reduce_min3A_193 : vector<512xi32> to vector<1x512xi32>
    %eq3A_195 = vector.broadcast %broadcast_in_dim3A_194 : vector<1x512xi32> to vector<2048x512xi32>
    %eq3A_196 = arith.cmpi eq, %iota3A, %eq3A_195 : vector<2048x512xi32>
    %jit3A_197 = arith.constant 3.000000e+38 : f32
    %broadcast_in_dim3A_198 = vector.broadcast %jit3A_197 : f32 to vector<2048x512xf32>
    %select_n3A_199 = arith.select %eq3A_196, %broadcast_in_dim3A_198, %select_n3A_183 : vector<2048x512xi1>, vector<2048x512xf32>
    %reduce_min3A_200 = arith.constant dense<0x7F800000> : vector<512xf32>
    %reduce_min3A_201 = vector.multi_reduction <minimumf>, %select_n3A_199, %reduce_min3A_200 [0] : vector<2048x512xf32> to vector<512xf32>
    %broadcast_in_dim3A_202 = vector.shape_cast %reduce_min3A_201 : vector<512xf32> to vector<1x512xf32>
    %eq3A_203 = vector.broadcast %broadcast_in_dim3A_202 : vector<1x512xf32> to vector<2048x512xf32>
    %eq3A_204 = arith.cmpf oeq, %select_n3A_199, %eq3A_203 : vector<2048x512xf32>
    %jit3A_205 = arith.constant 2048 : i32
    %broadcast_in_dim3A_206 = vector.broadcast %jit3A_205 : i32 to vector<2048x512xi32>
    %select_n3A_207 = arith.select %eq3A_204, %iota3A, %broadcast_in_dim3A_206 : vector<2048x512xi1>, vector<2048x512xi32>
    %reduce_min3A_208 = arith.constant dense<2147483647> : vector<512xi32>
    %reduce_min3A_209 = vector.multi_reduction <minsi>, %select_n3A_207, %reduce_min3A_208 [0] : vector<2048x512xi32> to vector<512xi32>
    %broadcast_in_dim3A_210 = vector.shape_cast %reduce_min3A_209 : vector<512xi32> to vector<1x512xi32>
    %eq3A_211 = vector.broadcast %broadcast_in_dim3A_210 : vector<1x512xi32> to vector<2048x512xi32>
    %eq3A_212 = arith.cmpi eq, %iota3A, %eq3A_211 : vector<2048x512xi32>
    %jit3A_213 = arith.constant 3.000000e+38 : f32
    %broadcast_in_dim3A_214 = vector.broadcast %jit3A_213 : f32 to vector<2048x512xf32>
    %select_n3A_215 = arith.select %eq3A_212, %broadcast_in_dim3A_214, %select_n3A_199 : vector<2048x512xi1>, vector<2048x512xf32>
    %reduce_min3A_216 = arith.constant dense<0x7F800000> : vector<512xf32>
    %reduce_min3A_217 = vector.multi_reduction <minimumf>, %select_n3A_215, %reduce_min3A_216 [0] : vector<2048x512xf32> to vector<512xf32>
    %broadcast_in_dim3A_218 = vector.shape_cast %reduce_min3A_217 : vector<512xf32> to vector<1x512xf32>
    %eq3A_219 = vector.broadcast %broadcast_in_dim3A_218 : vector<1x512xf32> to vector<2048x512xf32>
    %eq3A_220 = arith.cmpf oeq, %select_n3A_215, %eq3A_219 : vector<2048x512xf32>
    %jit3A_221 = arith.constant 2048 : i32
    %broadcast_in_dim3A_222 = vector.broadcast %jit3A_221 : i32 to vector<2048x512xi32>
    %select_n3A_223 = arith.select %eq3A_220, %iota3A, %broadcast_in_dim3A_222 : vector<2048x512xi1>, vector<2048x512xi32>
    %reduce_min3A_224 = arith.constant dense<2147483647> : vector<512xi32>
    %reduce_min3A_225 = vector.multi_reduction <minsi>, %select_n3A_223, %reduce_min3A_224 [0] : vector<2048x512xi32> to vector<512xi32>
    %broadcast_in_dim3A_226 = vector.shape_cast %reduce_min3A_225 : vector<512xi32> to vector<1x512xi32>
    %eq3A_227 = vector.broadcast %broadcast_in_dim3A_226 : vector<1x512xi32> to vector<2048x512xi32>
    %eq3A_228 = arith.cmpi eq, %iota3A, %eq3A_227 : vector<2048x512xi32>
    %jit3A_229 = arith.constant 3.000000e+38 : f32
    %broadcast_in_dim3A_230 = vector.broadcast %jit3A_229 : f32 to vector<2048x512xf32>
    %select_n3A_231 = arith.select %eq3A_228, %broadcast_in_dim3A_230, %select_n3A_215 : vector<2048x512xi1>, vector<2048x512xf32>
    %reduce_min3A_232 = arith.constant dense<0x7F800000> : vector<512xf32>
    %reduce_min3A_233 = vector.multi_reduction <minimumf>, %select_n3A_231, %reduce_min3A_232 [0] : vector<2048x512xf32> to vector<512xf32>
    %broadcast_in_dim3A_234 = vector.shape_cast %reduce_min3A_233 : vector<512xf32> to vector<1x512xf32>
    %eq3A_235 = vector.broadcast %broadcast_in_dim3A_234 : vector<1x512xf32> to vector<2048x512xf32>
    %eq3A_236 = arith.cmpf oeq, %select_n3A_231, %eq3A_235 : vector<2048x512xf32>
    %jit3A_237 = arith.constant 2048 : i32
    %broadcast_in_dim3A_238 = vector.broadcast %jit3A_237 : i32 to vector<2048x512xi32>
    %select_n3A_239 = arith.select %eq3A_236, %iota3A, %broadcast_in_dim3A_238 : vector<2048x512xi1>, vector<2048x512xi32>
    %reduce_min3A_240 = arith.constant dense<2147483647> : vector<512xi32>
    %reduce_min3A_241 = vector.multi_reduction <minsi>, %select_n3A_239, %reduce_min3A_240 [0] : vector<2048x512xi32> to vector<512xi32>
    %broadcast_in_dim3A_242 = vector.shape_cast %reduce_min3A_241 : vector<512xi32> to vector<1x512xi32>
    %eq3A_243 = vector.broadcast %broadcast_in_dim3A_242 : vector<1x512xi32> to vector<2048x512xi32>
    %eq3A_244 = arith.cmpi eq, %iota3A, %eq3A_243 : vector<2048x512xi32>
    %jit3A_245 = arith.constant 3.000000e+38 : f32
    %broadcast_in_dim3A_246 = vector.broadcast %jit3A_245 : f32 to vector<2048x512xf32>
    %select_n3A_247 = arith.select %eq3A_244, %broadcast_in_dim3A_246, %select_n3A_231 : vector<2048x512xi1>, vector<2048x512xf32>
    %reduce_min3A_248 = arith.constant dense<0x7F800000> : vector<512xf32>
    %reduce_min3A_249 = vector.multi_reduction <minimumf>, %select_n3A_247, %reduce_min3A_248 [0] : vector<2048x512xf32> to vector<512xf32>
    %broadcast_in_dim3A_250 = vector.shape_cast %reduce_min3A_249 : vector<512xf32> to vector<1x512xf32>
    %eq3A_251 = vector.broadcast %broadcast_in_dim3A_250 : vector<1x512xf32> to vector<2048x512xf32>
    %eq3A_252 = arith.cmpf oeq, %select_n3A_247, %eq3A_251 : vector<2048x512xf32>
    %jit3A_253 = arith.constant 2048 : i32
    %broadcast_in_dim3A_254 = vector.broadcast %jit3A_253 : i32 to vector<2048x512xi32>
    %select_n3A_255 = arith.select %eq3A_252, %iota3A, %broadcast_in_dim3A_254 : vector<2048x512xi1>, vector<2048x512xi32>
    %reduce_min3A_256 = arith.constant dense<2147483647> : vector<512xi32>
    %reduce_min3A_257 = vector.multi_reduction <minsi>, %select_n3A_255, %reduce_min3A_256 [0] : vector<2048x512xi32> to vector<512xi32>
    %broadcast_in_dim3A_258 = vector.shape_cast %reduce_min3A_257 : vector<512xi32> to vector<1x512xi32>
    %eq3A_259 = vector.broadcast %broadcast_in_dim3A_258 : vector<1x512xi32> to vector<2048x512xi32>
    %eq3A_260 = arith.cmpi eq, %iota3A, %eq3A_259 : vector<2048x512xi32>
    %jit3A_261 = arith.constant 3.000000e+38 : f32
    %broadcast_in_dim3A_262 = vector.broadcast %jit3A_261 : f32 to vector<2048x512xf32>
    %select_n3A_263 = arith.select %eq3A_260, %broadcast_in_dim3A_262, %select_n3A_247 : vector<2048x512xi1>, vector<2048x512xf32>
    %reduce_min3A_264 = arith.constant dense<0x7F800000> : vector<512xf32>
    %reduce_min3A_265 = vector.multi_reduction <minimumf>, %select_n3A_263, %reduce_min3A_264 [0] : vector<2048x512xf32> to vector<512xf32>
    %broadcast_in_dim3A_266 = vector.shape_cast %reduce_min3A_265 : vector<512xf32> to vector<1x512xf32>
    %eq3A_267 = vector.broadcast %broadcast_in_dim3A_266 : vector<1x512xf32> to vector<2048x512xf32>
    %eq3A_268 = arith.cmpf oeq, %select_n3A_263, %eq3A_267 : vector<2048x512xf32>
    %jit3A_269 = arith.constant 2048 : i32
    %broadcast_in_dim3A_270 = vector.broadcast %jit3A_269 : i32 to vector<2048x512xi32>
    %select_n3A_271 = arith.select %eq3A_268, %iota3A, %broadcast_in_dim3A_270 : vector<2048x512xi1>, vector<2048x512xi32>
    %reduce_min3A_272 = arith.constant dense<2147483647> : vector<512xi32>
    %reduce_min3A_273 = vector.multi_reduction <minsi>, %select_n3A_271, %reduce_min3A_272 [0] : vector<2048x512xi32> to vector<512xi32>
    %broadcast_in_dim3A_274 = vector.shape_cast %reduce_min3A_273 : vector<512xi32> to vector<1x512xi32>
    %concatenate3A = tpu.concatenate %broadcast_in_dim3A_34, %broadcast_in_dim3A_50, %broadcast_in_dim3A_66, %broadcast_in_dim3A_82, %broadcast_in_dim3A_98, %broadcast_in_dim3A_114, %broadcast_in_dim3A_130, %broadcast_in_dim3A_146, %broadcast_in_dim3A_162, %broadcast_in_dim3A_178, %broadcast_in_dim3A_194, %broadcast_in_dim3A_210, %broadcast_in_dim3A_226, %broadcast_in_dim3A_242, %broadcast_in_dim3A_258, %broadcast_in_dim3A_274 in 0 : vector<1x512xi32>, vector<1x512xi32>, vector<1x512xi32>, vector<1x512xi32>, vector<1x512xi32>, vector<1x512xi32>, vector<1x512xi32>, vector<1x512xi32>, vector<1x512xi32>, vector<1x512xi32>, vector<1x512xi32>, vector<1x512xi32>, vector<1x512xi32>, vector<1x512xi32>, vector<1x512xi32>, vector<1x512xi32> -> vector<16x512xi32>
    %add3A_275 = arith.constant 6144 : i32
    %add3A_276 = vector.broadcast %add3A_275 : i32 to vector<16x512xi32>
    %add3A_277 = arith.addi %concatenate3A, %add3A_276 : vector<16x512xi32>
    %swap3A = arith.constant 0 : index
    %swap3A_278 = arith.constant 0 : index
    %swap3A_279 = vector.load %arg3[%swap3A, %swap3A_278] : memref<16x512xi32, #tpu.memory_space<vmem>>, vector<16x512xi32>
    tpu.vector_store %arg3[%swap3A, %swap3A_278], %add3A_277 {strides = array<i32>} : memref<16x512xi32, #tpu.memory_space<vmem>>, vector<16x512xi32>,
    return
  }
  func.func @transform_0(%arg0: i32) -> (i32, i32) {
    %c0_i32 = arith.constant 0 : i32
    %c0_i32_0 = arith.constant 0 : i32
    %c0_i32_1 = arith.constant 0 : i32
    return %c0_i32, %c0_i32_0 : i32, i32
  }
  func.func @transform_1(%arg0: i32) -> (i32, i32) {
    %c0_i32 = arith.constant 0 : i32
    %c0_i32_0 = arith.constant 0 : i32
    return %c0_i32, %arg0 : i32, i32
  }
  func.func @transform_2(%arg0: i32) -> (i32, i32) {
    %c0_i32 = arith.constant 0 : i32
    %c0_i32_0 = arith.constant 0 : i32
    return %c0_i32, %arg0 : i32, i32
  }
}

module attributes {stable_mosaic.version = 14 : i64} {
  func.func @_pq_body(%arg0: i32, %arg1: memref<1024x131xf32, #tpu.memory_space<vmem>>, %arg2: memref<131x128xf32, #tpu.memory_space<vmem>>, %arg3: memref<131x128xf32, #tpu.memory_space<vmem>>, %arg4: memref<1x128xf32, #tpu.memory_space<vmem>>, %arg5: memref<1024x128xf32, #tpu.memory_space<vmem>>, %arg6: memref<1024x128xf32, #tpu.memory_space<vmem>>) attributes {dimension_semantics = [#tpu.dimension_semantics<arbitrary>], iteration_bounds = array<i64: 8>, scalar_prefetch = 0 : i64, scratch_operands = 0 : i64, tpu.core_type = #tpu.core_type<tc>, window_params = [{transform_indices = @transform_0, window_bounds = array<i64: 1024, 131>}, {pipeline_mode = #tpu.pipeline_mode<synchronous>, transform_indices = @transform_1, window_bounds = array<i64: 131, 128>}, {pipeline_mode = #tpu.pipeline_mode<synchronous>, transform_indices = @transform_2, window_bounds = array<i64: 131, 128>}, {pipeline_mode = #tpu.pipeline_mode<synchronous>, transform_indices = @transform_3, window_bounds = array<i64: 1, 128>}, {transform_indices = @transform_4, window_bounds = array<i64: 1024, 128>}, {transform_indices = @transform_5, window_bounds = array<i64: 1024, 128>}]} {
    %get3A = arith.constant 0 : index
    %get3A_0 = arith.constant 0 : index
    %get3A_1 = vector.load %arg1[%get3A, %get3A_0] : memref<1024x131xf32, #tpu.memory_space<vmem>>, vector<1024x131xf32>
    %get3A_2 = arith.constant 0 : index
    %get3A_3 = arith.constant 0 : index
    %get3A_4 = vector.load %arg2[%get3A_2, %get3A_3] : memref<131x128xf32, #tpu.memory_space<vmem>>, vector<131x128xf32>
    %dot_general3A = arith.constant dense<0.000000e+00> : vector<1024x128xf32>
    %dot_general3A_5 = tpu.matmul %get3A_1, %get3A_4, %dot_general3A {dimension_numbers = #tpu.dot_dimension_numbers<[1], [0], [0], [1], [0, 0, 1, 1], [], []>, transpose_lhs_hint = false} : vector<1024x131xf32>, vector<131x128xf32>, vector<1024x128xf32> -> vector<1024x128xf32>
    %get3A_6 = arith.constant 0 : index
    %get3A_7 = arith.constant 0 : index
    %get3A_8 = vector.load %arg4[%get3A_6, %get3A_7] : memref<1x128xf32, #tpu.memory_space<vmem>>, vector<1x128xf32>
    %add3A = vector.broadcast %get3A_8 : vector<1x128xf32> to vector<1024x128xf32>
    %add3A_9 = arith.addf %dot_general3A_5, %add3A : vector<1024x128xf32>
    %swap3A = arith.constant 0 : index
    %swap3A_10 = arith.constant 0 : index
    %swap3A_11 = vector.load %arg5[%swap3A, %swap3A_10] : memref<1024x128xf32, #tpu.memory_space<vmem>>, vector<1024x128xf32>
    tpu.vector_store %arg5[%swap3A, %swap3A_10], %add3A_9 {strides = array<i32>} : memref<1024x128xf32, #tpu.memory_space<vmem>>, vector<1024x128xf32>,
    %get3A_12 = arith.constant 0 : index
    %get3A_13 = arith.constant 0 : index
    %get3A_14 = vector.load %arg3[%get3A_12, %get3A_13] : memref<131x128xf32, #tpu.memory_space<vmem>>, vector<131x128xf32>
    %dot_general3A_15 = arith.constant dense<0.000000e+00> : vector<1024x128xf32>
    %dot_general3A_16 = tpu.matmul %get3A_1, %get3A_14, %dot_general3A_15 {dimension_numbers = #tpu.dot_dimension_numbers<[1], [0], [0], [1], [0, 0, 1, 1], [], []>, transpose_lhs_hint = false} : vector<1024x131xf32>, vector<131x128xf32>, vector<1024x128xf32> -> vector<1024x128xf32>
    %swap3A_17 = arith.constant 0 : index
    %swap3A_18 = arith.constant 0 : index
    %swap3A_19 = vector.load %arg6[%swap3A_17, %swap3A_18] : memref<1024x128xf32, #tpu.memory_space<vmem>>, vector<1024x128xf32>
    tpu.vector_store %arg6[%swap3A_17, %swap3A_18], %dot_general3A_16 {strides = array<i32>} : memref<1024x128xf32, #tpu.memory_space<vmem>>, vector<1024x128xf32>,
    return
  }
  func.func @transform_0(%arg0: i32) -> (i32, i32) {
    %c0_i32 = arith.constant 0 : i32
    %c0_i32_0 = arith.constant 0 : i32
    return %arg0, %c0_i32 : i32, i32
  }
  func.func @transform_1(%arg0: i32) -> (i32, i32) {
    %c0_i32 = arith.constant 0 : i32
    %c0_i32_0 = arith.constant 0 : i32
    %c0_i32_1 = arith.constant 0 : i32
    return %c0_i32, %c0_i32_0 : i32, i32
  }
  func.func @transform_2(%arg0: i32) -> (i32, i32) {
    %c0_i32 = arith.constant 0 : i32
    %c0_i32_0 = arith.constant 0 : i32
    %c0_i32_1 = arith.constant 0 : i32
    return %c0_i32, %c0_i32_0 : i32, i32
  }
  func.func @transform_3(%arg0: i32) -> (i32, i32) {
    %c0_i32 = arith.constant 0 : i32
    %c0_i32_0 = arith.constant 0 : i32
    %c0_i32_1 = arith.constant 0 : i32
    return %c0_i32, %c0_i32_0 : i32, i32
  }
  func.func @transform_4(%arg0: i32) -> (i32, i32) {
    %c0_i32 = arith.constant 0 : i32
    %c0_i32_0 = arith.constant 0 : i32
    return %arg0, %c0_i32 : i32, i32
  }
  func.func @transform_5(%arg0: i32) -> (i32, i32) {
    %c0_i32 = arith.constant 0 : i32
    %c0_i32_0 = arith.constant 0 : i32
    return %arg0, %c0_i32 : i32, i32
  }
}

module attributes {stable_mosaic.version = 14 : i64} {
  func.func @_topk_body(%arg0: i32, %arg1: memref<2048x3xf32, #tpu.memory_space<vmem>>, %arg2: memref<3x512xf32, #tpu.memory_space<vmem>>, %arg3: memref<16x512xi32, #tpu.memory_space<vmem>>) attributes {dimension_semantics = [#tpu.dimension_semantics<arbitrary>], iteration_bounds = array<i64: 4>, scalar_prefetch = 0 : i64, scratch_operands = 0 : i64, tpu.core_type = #tpu.core_type<tc>, window_params = [{pipeline_mode = #tpu.pipeline_mode<synchronous>, transform_indices = @transform_0, window_bounds = array<i64: 2048, 3>}, {transform_indices = @transform_1, window_bounds = array<i64: 3, 512>}, {transform_indices = @transform_2, window_bounds = array<i64: 16, 512>}]} {
    %get3A = arith.constant 0 : index
    %get3A_0 = arith.constant 0 : index
    %get3A_1 = vector.load %arg1[%get3A, %get3A_0] : memref<2048x3xf32, #tpu.memory_space<vmem>>, vector<2048x3xf32>
    %get3A_2 = arith.constant 0 : index
    %get3A_3 = arith.constant 0 : index
    %get3A_4 = vector.load %arg2[%get3A_2, %get3A_3] : memref<3x512xf32, #tpu.memory_space<vmem>>, vector<3x512xf32>
    %dot_general3A = arith.constant dense<0.000000e+00> : vector<2048x512xf32>
    %dot_general3A_5 = tpu.matmul %get3A_1, %get3A_4, %dot_general3A {dimension_numbers = #tpu.dot_dimension_numbers<[1], [0], [0], [1], [0, 0, 1, 1], [], []>, transpose_lhs_hint = false} : vector<2048x3xf32>, vector<3x512xf32>, vector<2048x512xf32> -> vector<2048x512xf32>
    %mul3A = arith.mulf %get3A_1, %get3A_1 : vector<2048x3xf32>
    %reduce_sum3A = arith.constant dense<0.000000e+00> : vector<2048xf32>
    %reduce_sum3A_6 = vector.multi_reduction <add>, %mul3A, %reduce_sum3A [1] : vector<2048x3xf32> to vector<2048xf32>
    %broadcast_in_dim3A = vector.shape_cast %reduce_sum3A_6 : vector<2048xf32> to vector<2048x1xf32>
    %mul3A_7 = arith.mulf %get3A_4, %get3A_4 : vector<3x512xf32>
    %reduce_sum3A_8 = arith.constant dense<0.000000e+00> : vector<512xf32>
    %reduce_sum3A_9 = vector.multi_reduction <add>, %mul3A_7, %reduce_sum3A_8 [0] : vector<3x512xf32> to vector<512xf32>
    %broadcast_in_dim3A_10 = vector.shape_cast %reduce_sum3A_9 : vector<512xf32> to vector<1x512xf32>
    %add3A = vector.broadcast %broadcast_in_dim3A : vector<2048x1xf32> to vector<2048x512xf32>
    %add3A_11 = vector.broadcast %broadcast_in_dim3A_10 : vector<1x512xf32> to vector<2048x512xf32>
    %add3A_12 = arith.addf %add3A, %add3A_11 : vector<2048x512xf32>
    %mul3A_13 = arith.constant 2.000000e+00 : f32
    %mul3A_14 = vector.broadcast %mul3A_13 : f32 to vector<2048x512xf32>
    %mul3A_15 = arith.mulf %mul3A_14, %dot_general3A_5 : vector<2048x512xf32>
    %sub3A = arith.subf %add3A_12, %mul3A_15 : vector<2048x512xf32>
    %max3A = arith.constant 0.000000e+00 : f32
    %max3A_16 = vector.broadcast %max3A : f32 to vector<2048x512xf32>
    %max3A_17 = arith.maximumf %sub3A, %max3A_16 : vector<2048x512xf32>
    %sqrt3A = math.sqrt %max3A_17 : vector<2048x512xf32>
    %iota3A = tpu.iota {dimensions = array<i32: 0>} : vector<2048x512xi32>
    %iota3A_18 = tpu.iota {dimensions = array<i32: 1>} : vector<2048x512xi32>
    %mul3A_19 = arith.constant 512 : i32
    %mul3A_20 = arith.muli %arg0, %mul3A_19 : i32
    %add3A_21 = vector.broadcast %mul3A_20 : i32 to vector<2048x512xi32>
    %add3A_22 = arith.addi %iota3A_18, %add3A_21 : vector<2048x512xi32>
    %eq3A = arith.cmpi eq, %iota3A, %add3A_22 : vector<2048x512xi32>
    %add3A_23 = arith.constant 1.000000e+06 : f32
    %add3A_24 = vector.broadcast %add3A_23 : f32 to vector<2048x512xf32>
    %add3A_25 = arith.addf %sqrt3A, %add3A_24 : vector<2048x512xf32>
    %select_n3A = arith.select %eq3A, %add3A_25, %sqrt3A : vector<2048x512xi1>, vector<2048x512xf32>
    %reduce_min3A = arith.constant dense<0x7F800000> : vector<512xf32>
    %reduce_min3A_26 = vector.multi_reduction <minimumf>, %select_n3A, %reduce_min3A [0] : vector<2048x512xf32> to vector<512xf32>
    %broadcast_in_dim3A_27 = vector.shape_cast %reduce_min3A_26 : vector<512xf32> to vector<1x512xf32>
    %eq3A_28 = vector.broadcast %broadcast_in_dim3A_27 : vector<1x512xf32> to vector<2048x512xf32>
    %eq3A_29 = arith.cmpf oeq, %select_n3A, %eq3A_28 : vector<2048x512xf32>
    %jit3A = arith.constant 2048 : i32
    %broadcast_in_dim3A_30 = vector.broadcast %jit3A : i32 to vector<2048x512xi32>
    %select_n3A_31 = arith.select %eq3A_29, %iota3A, %broadcast_in_dim3A_30 : vector<2048x512xi1>, vector<2048x512xi32>
    %reduce_min3A_32 = arith.constant dense<2147483647> : vector<512xi32>
    %reduce_min3A_33 = vector.multi_reduction <minsi>, %select_n3A_31, %reduce_min3A_32 [0] : vector<2048x512xi32> to vector<512xi32>
    %broadcast_in_dim3A_34 = vector.shape_cast %reduce_min3A_33 : vector<512xi32> to vector<1x512xi32>
    %eq3A_35 = vector.broadcast %broadcast_in_dim3A_34 : vector<1x512xi32> to vector<2048x512xi32>
    %eq3A_36 = arith.cmpi eq, %iota3A, %eq3A_35 : vector<2048x512xi32>
    %jit3A_37 = arith.constant 3.000000e+38 : f32
    %broadcast_in_dim3A_38 = vector.broadcast %jit3A_37 : f32 to vector<2048x512xf32>
    %select_n3A_39 = arith.select %eq3A_36, %broadcast_in_dim3A_38, %select_n3A : vector<2048x512xi1>, vector<2048x512xf32>
    %reduce_min3A_40 = arith.constant dense<0x7F800000> : vector<512xf32>
    %reduce_min3A_41 = vector.multi_reduction <minimumf>, %select_n3A_39, %reduce_min3A_40 [0] : vector<2048x512xf32> to vector<512xf32>
    %broadcast_in_dim3A_42 = vector.shape_cast %reduce_min3A_41 : vector<512xf32> to vector<1x512xf32>
    %eq3A_43 = vector.broadcast %broadcast_in_dim3A_42 : vector<1x512xf32> to vector<2048x512xf32>
    %eq3A_44 = arith.cmpf oeq, %select_n3A_39, %eq3A_43 : vector<2048x512xf32>
    %jit3A_45 = arith.constant 2048 : i32
    %broadcast_in_dim3A_46 = vector.broadcast %jit3A_45 : i32 to vector<2048x512xi32>
    %select_n3A_47 = arith.select %eq3A_44, %iota3A, %broadcast_in_dim3A_46 : vector<2048x512xi1>, vector<2048x512xi32>
    %reduce_min3A_48 = arith.constant dense<2147483647> : vector<512xi32>
    %reduce_min3A_49 = vector.multi_reduction <minsi>, %select_n3A_47, %reduce_min3A_48 [0] : vector<2048x512xi32> to vector<512xi32>
    %broadcast_in_dim3A_50 = vector.shape_cast %reduce_min3A_49 : vector<512xi32> to vector<1x512xi32>
    %eq3A_51 = vector.broadcast %broadcast_in_dim3A_50 : vector<1x512xi32> to vector<2048x512xi32>
    %eq3A_52 = arith.cmpi eq, %iota3A, %eq3A_51 : vector<2048x512xi32>
    %jit3A_53 = arith.constant 3.000000e+38 : f32
    %broadcast_in_dim3A_54 = vector.broadcast %jit3A_53 : f32 to vector<2048x512xf32>
    %select_n3A_55 = arith.select %eq3A_52, %broadcast_in_dim3A_54, %select_n3A_39 : vector<2048x512xi1>, vector<2048x512xf32>
    %reduce_min3A_56 = arith.constant dense<0x7F800000> : vector<512xf32>
    %reduce_min3A_57 = vector.multi_reduction <minimumf>, %select_n3A_55, %reduce_min3A_56 [0] : vector<2048x512xf32> to vector<512xf32>
    %broadcast_in_dim3A_58 = vector.shape_cast %reduce_min3A_57 : vector<512xf32> to vector<1x512xf32>
    %eq3A_59 = vector.broadcast %broadcast_in_dim3A_58 : vector<1x512xf32> to vector<2048x512xf32>
    %eq3A_60 = arith.cmpf oeq, %select_n3A_55, %eq3A_59 : vector<2048x512xf32>
    %jit3A_61 = arith.constant 2048 : i32
    %broadcast_in_dim3A_62 = vector.broadcast %jit3A_61 : i32 to vector<2048x512xi32>
    %select_n3A_63 = arith.select %eq3A_60, %iota3A, %broadcast_in_dim3A_62 : vector<2048x512xi1>, vector<2048x512xi32>
    %reduce_min3A_64 = arith.constant dense<2147483647> : vector<512xi32>
    %reduce_min3A_65 = vector.multi_reduction <minsi>, %select_n3A_63, %reduce_min3A_64 [0] : vector<2048x512xi32> to vector<512xi32>
    %broadcast_in_dim3A_66 = vector.shape_cast %reduce_min3A_65 : vector<512xi32> to vector<1x512xi32>
    %eq3A_67 = vector.broadcast %broadcast_in_dim3A_66 : vector<1x512xi32> to vector<2048x512xi32>
    %eq3A_68 = arith.cmpi eq, %iota3A, %eq3A_67 : vector<2048x512xi32>
    %jit3A_69 = arith.constant 3.000000e+38 : f32
    %broadcast_in_dim3A_70 = vector.broadcast %jit3A_69 : f32 to vector<2048x512xf32>
    %select_n3A_71 = arith.select %eq3A_68, %broadcast_in_dim3A_70, %select_n3A_55 : vector<2048x512xi1>, vector<2048x512xf32>
    %reduce_min3A_72 = arith.constant dense<0x7F800000> : vector<512xf32>
    %reduce_min3A_73 = vector.multi_reduction <minimumf>, %select_n3A_71, %reduce_min3A_72 [0] : vector<2048x512xf32> to vector<512xf32>
    %broadcast_in_dim3A_74 = vector.shape_cast %reduce_min3A_73 : vector<512xf32> to vector<1x512xf32>
    %eq3A_75 = vector.broadcast %broadcast_in_dim3A_74 : vector<1x512xf32> to vector<2048x512xf32>
    %eq3A_76 = arith.cmpf oeq, %select_n3A_71, %eq3A_75 : vector<2048x512xf32>
    %jit3A_77 = arith.constant 2048 : i32
    %broadcast_in_dim3A_78 = vector.broadcast %jit3A_77 : i32 to vector<2048x512xi32>
    %select_n3A_79 = arith.select %eq3A_76, %iota3A, %broadcast_in_dim3A_78 : vector<2048x512xi1>, vector<2048x512xi32>
    %reduce_min3A_80 = arith.constant dense<2147483647> : vector<512xi32>
    %reduce_min3A_81 = vector.multi_reduction <minsi>, %select_n3A_79, %reduce_min3A_80 [0] : vector<2048x512xi32> to vector<512xi32>
    %broadcast_in_dim3A_82 = vector.shape_cast %reduce_min3A_81 : vector<512xi32> to vector<1x512xi32>
    %eq3A_83 = vector.broadcast %broadcast_in_dim3A_82 : vector<1x512xi32> to vector<2048x512xi32>
    %eq3A_84 = arith.cmpi eq, %iota3A, %eq3A_83 : vector<2048x512xi32>
    %jit3A_85 = arith.constant 3.000000e+38 : f32
    %broadcast_in_dim3A_86 = vector.broadcast %jit3A_85 : f32 to vector<2048x512xf32>
    %select_n3A_87 = arith.select %eq3A_84, %broadcast_in_dim3A_86, %select_n3A_71 : vector<2048x512xi1>, vector<2048x512xf32>
    %reduce_min3A_88 = arith.constant dense<0x7F800000> : vector<512xf32>
    %reduce_min3A_89 = vector.multi_reduction <minimumf>, %select_n3A_87, %reduce_min3A_88 [0] : vector<2048x512xf32> to vector<512xf32>
    %broadcast_in_dim3A_90 = vector.shape_cast %reduce_min3A_89 : vector<512xf32> to vector<1x512xf32>
    %eq3A_91 = vector.broadcast %broadcast_in_dim3A_90 : vector<1x512xf32> to vector<2048x512xf32>
    %eq3A_92 = arith.cmpf oeq, %select_n3A_87, %eq3A_91 : vector<2048x512xf32>
    %jit3A_93 = arith.constant 2048 : i32
    %broadcast_in_dim3A_94 = vector.broadcast %jit3A_93 : i32 to vector<2048x512xi32>
    %select_n3A_95 = arith.select %eq3A_92, %iota3A, %broadcast_in_dim3A_94 : vector<2048x512xi1>, vector<2048x512xi32>
    %reduce_min3A_96 = arith.constant dense<2147483647> : vector<512xi32>
    %reduce_min3A_97 = vector.multi_reduction <minsi>, %select_n3A_95, %reduce_min3A_96 [0] : vector<2048x512xi32> to vector<512xi32>
    %broadcast_in_dim3A_98 = vector.shape_cast %reduce_min3A_97 : vector<512xi32> to vector<1x512xi32>
    %eq3A_99 = vector.broadcast %broadcast_in_dim3A_98 : vector<1x512xi32> to vector<2048x512xi32>
    %eq3A_100 = arith.cmpi eq, %iota3A, %eq3A_99 : vector<2048x512xi32>
    %jit3A_101 = arith.constant 3.000000e+38 : f32
    %broadcast_in_dim3A_102 = vector.broadcast %jit3A_101 : f32 to vector<2048x512xf32>
    %select_n3A_103 = arith.select %eq3A_100, %broadcast_in_dim3A_102, %select_n3A_87 : vector<2048x512xi1>, vector<2048x512xf32>
    %reduce_min3A_104 = arith.constant dense<0x7F800000> : vector<512xf32>
    %reduce_min3A_105 = vector.multi_reduction <minimumf>, %select_n3A_103, %reduce_min3A_104 [0] : vector<2048x512xf32> to vector<512xf32>
    %broadcast_in_dim3A_106 = vector.shape_cast %reduce_min3A_105 : vector<512xf32> to vector<1x512xf32>
    %eq3A_107 = vector.broadcast %broadcast_in_dim3A_106 : vector<1x512xf32> to vector<2048x512xf32>
    %eq3A_108 = arith.cmpf oeq, %select_n3A_103, %eq3A_107 : vector<2048x512xf32>
    %jit3A_109 = arith.constant 2048 : i32
    %broadcast_in_dim3A_110 = vector.broadcast %jit3A_109 : i32 to vector<2048x512xi32>
    %select_n3A_111 = arith.select %eq3A_108, %iota3A, %broadcast_in_dim3A_110 : vector<2048x512xi1>, vector<2048x512xi32>
    %reduce_min3A_112 = arith.constant dense<2147483647> : vector<512xi32>
    %reduce_min3A_113 = vector.multi_reduction <minsi>, %select_n3A_111, %reduce_min3A_112 [0] : vector<2048x512xi32> to vector<512xi32>
    %broadcast_in_dim3A_114 = vector.shape_cast %reduce_min3A_113 : vector<512xi32> to vector<1x512xi32>
    %eq3A_115 = vector.broadcast %broadcast_in_dim3A_114 : vector<1x512xi32> to vector<2048x512xi32>
    %eq3A_116 = arith.cmpi eq, %iota3A, %eq3A_115 : vector<2048x512xi32>
    %jit3A_117 = arith.constant 3.000000e+38 : f32
    %broadcast_in_dim3A_118 = vector.broadcast %jit3A_117 : f32 to vector<2048x512xf32>
    %select_n3A_119 = arith.select %eq3A_116, %broadcast_in_dim3A_118, %select_n3A_103 : vector<2048x512xi1>, vector<2048x512xf32>
    %reduce_min3A_120 = arith.constant dense<0x7F800000> : vector<512xf32>
    %reduce_min3A_121 = vector.multi_reduction <minimumf>, %select_n3A_119, %reduce_min3A_120 [0] : vector<2048x512xf32> to vector<512xf32>
    %broadcast_in_dim3A_122 = vector.shape_cast %reduce_min3A_121 : vector<512xf32> to vector<1x512xf32>
    %eq3A_123 = vector.broadcast %broadcast_in_dim3A_122 : vector<1x512xf32> to vector<2048x512xf32>
    %eq3A_124 = arith.cmpf oeq, %select_n3A_119, %eq3A_123 : vector<2048x512xf32>
    %jit3A_125 = arith.constant 2048 : i32
    %broadcast_in_dim3A_126 = vector.broadcast %jit3A_125 : i32 to vector<2048x512xi32>
    %select_n3A_127 = arith.select %eq3A_124, %iota3A, %broadcast_in_dim3A_126 : vector<2048x512xi1>, vector<2048x512xi32>
    %reduce_min3A_128 = arith.constant dense<2147483647> : vector<512xi32>
    %reduce_min3A_129 = vector.multi_reduction <minsi>, %select_n3A_127, %reduce_min3A_128 [0] : vector<2048x512xi32> to vector<512xi32>
    %broadcast_in_dim3A_130 = vector.shape_cast %reduce_min3A_129 : vector<512xi32> to vector<1x512xi32>
    %eq3A_131 = vector.broadcast %broadcast_in_dim3A_130 : vector<1x512xi32> to vector<2048x512xi32>
    %eq3A_132 = arith.cmpi eq, %iota3A, %eq3A_131 : vector<2048x512xi32>
    %jit3A_133 = arith.constant 3.000000e+38 : f32
    %broadcast_in_dim3A_134 = vector.broadcast %jit3A_133 : f32 to vector<2048x512xf32>
    %select_n3A_135 = arith.select %eq3A_132, %broadcast_in_dim3A_134, %select_n3A_119 : vector<2048x512xi1>, vector<2048x512xf32>
    %reduce_min3A_136 = arith.constant dense<0x7F800000> : vector<512xf32>
    %reduce_min3A_137 = vector.multi_reduction <minimumf>, %select_n3A_135, %reduce_min3A_136 [0] : vector<2048x512xf32> to vector<512xf32>
    %broadcast_in_dim3A_138 = vector.shape_cast %reduce_min3A_137 : vector<512xf32> to vector<1x512xf32>
    %eq3A_139 = vector.broadcast %broadcast_in_dim3A_138 : vector<1x512xf32> to vector<2048x512xf32>
    %eq3A_140 = arith.cmpf oeq, %select_n3A_135, %eq3A_139 : vector<2048x512xf32>
    %jit3A_141 = arith.constant 2048 : i32
    %broadcast_in_dim3A_142 = vector.broadcast %jit3A_141 : i32 to vector<2048x512xi32>
    %select_n3A_143 = arith.select %eq3A_140, %iota3A, %broadcast_in_dim3A_142 : vector<2048x512xi1>, vector<2048x512xi32>
    %reduce_min3A_144 = arith.constant dense<2147483647> : vector<512xi32>
    %reduce_min3A_145 = vector.multi_reduction <minsi>, %select_n3A_143, %reduce_min3A_144 [0] : vector<2048x512xi32> to vector<512xi32>
    %broadcast_in_dim3A_146 = vector.shape_cast %reduce_min3A_145 : vector<512xi32> to vector<1x512xi32>
    %eq3A_147 = vector.broadcast %broadcast_in_dim3A_146 : vector<1x512xi32> to vector<2048x512xi32>
    %eq3A_148 = arith.cmpi eq, %iota3A, %eq3A_147 : vector<2048x512xi32>
    %jit3A_149 = arith.constant 3.000000e+38 : f32
    %broadcast_in_dim3A_150 = vector.broadcast %jit3A_149 : f32 to vector<2048x512xf32>
    %select_n3A_151 = arith.select %eq3A_148, %broadcast_in_dim3A_150, %select_n3A_135 : vector<2048x512xi1>, vector<2048x512xf32>
    %reduce_min3A_152 = arith.constant dense<0x7F800000> : vector<512xf32>
    %reduce_min3A_153 = vector.multi_reduction <minimumf>, %select_n3A_151, %reduce_min3A_152 [0] : vector<2048x512xf32> to vector<512xf32>
    %broadcast_in_dim3A_154 = vector.shape_cast %reduce_min3A_153 : vector<512xf32> to vector<1x512xf32>
    %eq3A_155 = vector.broadcast %broadcast_in_dim3A_154 : vector<1x512xf32> to vector<2048x512xf32>
    %eq3A_156 = arith.cmpf oeq, %select_n3A_151, %eq3A_155 : vector<2048x512xf32>
    %jit3A_157 = arith.constant 2048 : i32
    %broadcast_in_dim3A_158 = vector.broadcast %jit3A_157 : i32 to vector<2048x512xi32>
    %select_n3A_159 = arith.select %eq3A_156, %iota3A, %broadcast_in_dim3A_158 : vector<2048x512xi1>, vector<2048x512xi32>
    %reduce_min3A_160 = arith.constant dense<2147483647> : vector<512xi32>
    %reduce_min3A_161 = vector.multi_reduction <minsi>, %select_n3A_159, %reduce_min3A_160 [0] : vector<2048x512xi32> to vector<512xi32>
    %broadcast_in_dim3A_162 = vector.shape_cast %reduce_min3A_161 : vector<512xi32> to vector<1x512xi32>
    %eq3A_163 = vector.broadcast %broadcast_in_dim3A_162 : vector<1x512xi32> to vector<2048x512xi32>
    %eq3A_164 = arith.cmpi eq, %iota3A, %eq3A_163 : vector<2048x512xi32>
    %jit3A_165 = arith.constant 3.000000e+38 : f32
    %broadcast_in_dim3A_166 = vector.broadcast %jit3A_165 : f32 to vector<2048x512xf32>
    %select_n3A_167 = arith.select %eq3A_164, %broadcast_in_dim3A_166, %select_n3A_151 : vector<2048x512xi1>, vector<2048x512xf32>
    %reduce_min3A_168 = arith.constant dense<0x7F800000> : vector<512xf32>
    %reduce_min3A_169 = vector.multi_reduction <minimumf>, %select_n3A_167, %reduce_min3A_168 [0] : vector<2048x512xf32> to vector<512xf32>
    %broadcast_in_dim3A_170 = vector.shape_cast %reduce_min3A_169 : vector<512xf32> to vector<1x512xf32>
    %eq3A_171 = vector.broadcast %broadcast_in_dim3A_170 : vector<1x512xf32> to vector<2048x512xf32>
    %eq3A_172 = arith.cmpf oeq, %select_n3A_167, %eq3A_171 : vector<2048x512xf32>
    %jit3A_173 = arith.constant 2048 : i32
    %broadcast_in_dim3A_174 = vector.broadcast %jit3A_173 : i32 to vector<2048x512xi32>
    %select_n3A_175 = arith.select %eq3A_172, %iota3A, %broadcast_in_dim3A_174 : vector<2048x512xi1>, vector<2048x512xi32>
    %reduce_min3A_176 = arith.constant dense<2147483647> : vector<512xi32>
    %reduce_min3A_177 = vector.multi_reduction <minsi>, %select_n3A_175, %reduce_min3A_176 [0] : vector<2048x512xi32> to vector<512xi32>
    %broadcast_in_dim3A_178 = vector.shape_cast %reduce_min3A_177 : vector<512xi32> to vector<1x512xi32>
    %eq3A_179 = vector.broadcast %broadcast_in_dim3A_178 : vector<1x512xi32> to vector<2048x512xi32>
    %eq3A_180 = arith.cmpi eq, %iota3A, %eq3A_179 : vector<2048x512xi32>
    %jit3A_181 = arith.constant 3.000000e+38 : f32
    %broadcast_in_dim3A_182 = vector.broadcast %jit3A_181 : f32 to vector<2048x512xf32>
    %select_n3A_183 = arith.select %eq3A_180, %broadcast_in_dim3A_182, %select_n3A_167 : vector<2048x512xi1>, vector<2048x512xf32>
    %reduce_min3A_184 = arith.constant dense<0x7F800000> : vector<512xf32>
    %reduce_min3A_185 = vector.multi_reduction <minimumf>, %select_n3A_183, %reduce_min3A_184 [0] : vector<2048x512xf32> to vector<512xf32>
    %broadcast_in_dim3A_186 = vector.shape_cast %reduce_min3A_185 : vector<512xf32> to vector<1x512xf32>
    %eq3A_187 = vector.broadcast %broadcast_in_dim3A_186 : vector<1x512xf32> to vector<2048x512xf32>
    %eq3A_188 = arith.cmpf oeq, %select_n3A_183, %eq3A_187 : vector<2048x512xf32>
    %jit3A_189 = arith.constant 2048 : i32
    %broadcast_in_dim3A_190 = vector.broadcast %jit3A_189 : i32 to vector<2048x512xi32>
    %select_n3A_191 = arith.select %eq3A_188, %iota3A, %broadcast_in_dim3A_190 : vector<2048x512xi1>, vector<2048x512xi32>
    %reduce_min3A_192 = arith.constant dense<2147483647> : vector<512xi32>
    %reduce_min3A_193 = vector.multi_reduction <minsi>, %select_n3A_191, %reduce_min3A_192 [0] : vector<2048x512xi32> to vector<512xi32>
    %broadcast_in_dim3A_194 = vector.shape_cast %reduce_min3A_193 : vector<512xi32> to vector<1x512xi32>
    %eq3A_195 = vector.broadcast %broadcast_in_dim3A_194 : vector<1x512xi32> to vector<2048x512xi32>
    %eq3A_196 = arith.cmpi eq, %iota3A, %eq3A_195 : vector<2048x512xi32>
    %jit3A_197 = arith.constant 3.000000e+38 : f32
    %broadcast_in_dim3A_198 = vector.broadcast %jit3A_197 : f32 to vector<2048x512xf32>
    %select_n3A_199 = arith.select %eq3A_196, %broadcast_in_dim3A_198, %select_n3A_183 : vector<2048x512xi1>, vector<2048x512xf32>
    %reduce_min3A_200 = arith.constant dense<0x7F800000> : vector<512xf32>
    %reduce_min3A_201 = vector.multi_reduction <minimumf>, %select_n3A_199, %reduce_min3A_200 [0] : vector<2048x512xf32> to vector<512xf32>
    %broadcast_in_dim3A_202 = vector.shape_cast %reduce_min3A_201 : vector<512xf32> to vector<1x512xf32>
    %eq3A_203 = vector.broadcast %broadcast_in_dim3A_202 : vector<1x512xf32> to vector<2048x512xf32>
    %eq3A_204 = arith.cmpf oeq, %select_n3A_199, %eq3A_203 : vector<2048x512xf32>
    %jit3A_205 = arith.constant 2048 : i32
    %broadcast_in_dim3A_206 = vector.broadcast %jit3A_205 : i32 to vector<2048x512xi32>
    %select_n3A_207 = arith.select %eq3A_204, %iota3A, %broadcast_in_dim3A_206 : vector<2048x512xi1>, vector<2048x512xi32>
    %reduce_min3A_208 = arith.constant dense<2147483647> : vector<512xi32>
    %reduce_min3A_209 = vector.multi_reduction <minsi>, %select_n3A_207, %reduce_min3A_208 [0] : vector<2048x512xi32> to vector<512xi32>
    %broadcast_in_dim3A_210 = vector.shape_cast %reduce_min3A_209 : vector<512xi32> to vector<1x512xi32>
    %eq3A_211 = vector.broadcast %broadcast_in_dim3A_210 : vector<1x512xi32> to vector<2048x512xi32>
    %eq3A_212 = arith.cmpi eq, %iota3A, %eq3A_211 : vector<2048x512xi32>
    %jit3A_213 = arith.constant 3.000000e+38 : f32
    %broadcast_in_dim3A_214 = vector.broadcast %jit3A_213 : f32 to vector<2048x512xf32>
    %select_n3A_215 = arith.select %eq3A_212, %broadcast_in_dim3A_214, %select_n3A_199 : vector<2048x512xi1>, vector<2048x512xf32>
    %reduce_min3A_216 = arith.constant dense<0x7F800000> : vector<512xf32>
    %reduce_min3A_217 = vector.multi_reduction <minimumf>, %select_n3A_215, %reduce_min3A_216 [0] : vector<2048x512xf32> to vector<512xf32>
    %broadcast_in_dim3A_218 = vector.shape_cast %reduce_min3A_217 : vector<512xf32> to vector<1x512xf32>
    %eq3A_219 = vector.broadcast %broadcast_in_dim3A_218 : vector<1x512xf32> to vector<2048x512xf32>
    %eq3A_220 = arith.cmpf oeq, %select_n3A_215, %eq3A_219 : vector<2048x512xf32>
    %jit3A_221 = arith.constant 2048 : i32
    %broadcast_in_dim3A_222 = vector.broadcast %jit3A_221 : i32 to vector<2048x512xi32>
    %select_n3A_223 = arith.select %eq3A_220, %iota3A, %broadcast_in_dim3A_222 : vector<2048x512xi1>, vector<2048x512xi32>
    %reduce_min3A_224 = arith.constant dense<2147483647> : vector<512xi32>
    %reduce_min3A_225 = vector.multi_reduction <minsi>, %select_n3A_223, %reduce_min3A_224 [0] : vector<2048x512xi32> to vector<512xi32>
    %broadcast_in_dim3A_226 = vector.shape_cast %reduce_min3A_225 : vector<512xi32> to vector<1x512xi32>
    %eq3A_227 = vector.broadcast %broadcast_in_dim3A_226 : vector<1x512xi32> to vector<2048x512xi32>
    %eq3A_228 = arith.cmpi eq, %iota3A, %eq3A_227 : vector<2048x512xi32>
    %jit3A_229 = arith.constant 3.000000e+38 : f32
    %broadcast_in_dim3A_230 = vector.broadcast %jit3A_229 : f32 to vector<2048x512xf32>
    %select_n3A_231 = arith.select %eq3A_228, %broadcast_in_dim3A_230, %select_n3A_215 : vector<2048x512xi1>, vector<2048x512xf32>
    %reduce_min3A_232 = arith.constant dense<0x7F800000> : vector<512xf32>
    %reduce_min3A_233 = vector.multi_reduction <minimumf>, %select_n3A_231, %reduce_min3A_232 [0] : vector<2048x512xf32> to vector<512xf32>
    %broadcast_in_dim3A_234 = vector.shape_cast %reduce_min3A_233 : vector<512xf32> to vector<1x512xf32>
    %eq3A_235 = vector.broadcast %broadcast_in_dim3A_234 : vector<1x512xf32> to vector<2048x512xf32>
    %eq3A_236 = arith.cmpf oeq, %select_n3A_231, %eq3A_235 : vector<2048x512xf32>
    %jit3A_237 = arith.constant 2048 : i32
    %broadcast_in_dim3A_238 = vector.broadcast %jit3A_237 : i32 to vector<2048x512xi32>
    %select_n3A_239 = arith.select %eq3A_236, %iota3A, %broadcast_in_dim3A_238 : vector<2048x512xi1>, vector<2048x512xi32>
    %reduce_min3A_240 = arith.constant dense<2147483647> : vector<512xi32>
    %reduce_min3A_241 = vector.multi_reduction <minsi>, %select_n3A_239, %reduce_min3A_240 [0] : vector<2048x512xi32> to vector<512xi32>
    %broadcast_in_dim3A_242 = vector.shape_cast %reduce_min3A_241 : vector<512xi32> to vector<1x512xi32>
    %eq3A_243 = vector.broadcast %broadcast_in_dim3A_242 : vector<1x512xi32> to vector<2048x512xi32>
    %eq3A_244 = arith.cmpi eq, %iota3A, %eq3A_243 : vector<2048x512xi32>
    %jit3A_245 = arith.constant 3.000000e+38 : f32
    %broadcast_in_dim3A_246 = vector.broadcast %jit3A_245 : f32 to vector<2048x512xf32>
    %select_n3A_247 = arith.select %eq3A_244, %broadcast_in_dim3A_246, %select_n3A_231 : vector<2048x512xi1>, vector<2048x512xf32>
    %reduce_min3A_248 = arith.constant dense<0x7F800000> : vector<512xf32>
    %reduce_min3A_249 = vector.multi_reduction <minimumf>, %select_n3A_247, %reduce_min3A_248 [0] : vector<2048x512xf32> to vector<512xf32>
    %broadcast_in_dim3A_250 = vector.shape_cast %reduce_min3A_249 : vector<512xf32> to vector<1x512xf32>
    %eq3A_251 = vector.broadcast %broadcast_in_dim3A_250 : vector<1x512xf32> to vector<2048x512xf32>
    %eq3A_252 = arith.cmpf oeq, %select_n3A_247, %eq3A_251 : vector<2048x512xf32>
    %jit3A_253 = arith.constant 2048 : i32
    %broadcast_in_dim3A_254 = vector.broadcast %jit3A_253 : i32 to vector<2048x512xi32>
    %select_n3A_255 = arith.select %eq3A_252, %iota3A, %broadcast_in_dim3A_254 : vector<2048x512xi1>, vector<2048x512xi32>
    %reduce_min3A_256 = arith.constant dense<2147483647> : vector<512xi32>
    %reduce_min3A_257 = vector.multi_reduction <minsi>, %select_n3A_255, %reduce_min3A_256 [0] : vector<2048x512xi32> to vector<512xi32>
    %broadcast_in_dim3A_258 = vector.shape_cast %reduce_min3A_257 : vector<512xi32> to vector<1x512xi32>
    %eq3A_259 = vector.broadcast %broadcast_in_dim3A_258 : vector<1x512xi32> to vector<2048x512xi32>
    %eq3A_260 = arith.cmpi eq, %iota3A, %eq3A_259 : vector<2048x512xi32>
    %jit3A_261 = arith.constant 3.000000e+38 : f32
    %broadcast_in_dim3A_262 = vector.broadcast %jit3A_261 : f32 to vector<2048x512xf32>
    %select_n3A_263 = arith.select %eq3A_260, %broadcast_in_dim3A_262, %select_n3A_247 : vector<2048x512xi1>, vector<2048x512xf32>
    %reduce_min3A_264 = arith.constant dense<0x7F800000> : vector<512xf32>
    %reduce_min3A_265 = vector.multi_reduction <minimumf>, %select_n3A_263, %reduce_min3A_264 [0] : vector<2048x512xf32> to vector<512xf32>
    %broadcast_in_dim3A_266 = vector.shape_cast %reduce_min3A_265 : vector<512xf32> to vector<1x512xf32>
    %eq3A_267 = vector.broadcast %broadcast_in_dim3A_266 : vector<1x512xf32> to vector<2048x512xf32>
    %eq3A_268 = arith.cmpf oeq, %select_n3A_263, %eq3A_267 : vector<2048x512xf32>
    %jit3A_269 = arith.constant 2048 : i32
    %broadcast_in_dim3A_270 = vector.broadcast %jit3A_269 : i32 to vector<2048x512xi32>
    %select_n3A_271 = arith.select %eq3A_268, %iota3A, %broadcast_in_dim3A_270 : vector<2048x512xi1>, vector<2048x512xi32>
    %reduce_min3A_272 = arith.constant dense<2147483647> : vector<512xi32>
    %reduce_min3A_273 = vector.multi_reduction <minsi>, %select_n3A_271, %reduce_min3A_272 [0] : vector<2048x512xi32> to vector<512xi32>
    %broadcast_in_dim3A_274 = vector.shape_cast %reduce_min3A_273 : vector<512xi32> to vector<1x512xi32>
    %concatenate3A = tpu.concatenate %broadcast_in_dim3A_34, %broadcast_in_dim3A_50, %broadcast_in_dim3A_66, %broadcast_in_dim3A_82, %broadcast_in_dim3A_98, %broadcast_in_dim3A_114, %broadcast_in_dim3A_130, %broadcast_in_dim3A_146, %broadcast_in_dim3A_162, %broadcast_in_dim3A_178, %broadcast_in_dim3A_194, %broadcast_in_dim3A_210, %broadcast_in_dim3A_226, %broadcast_in_dim3A_242, %broadcast_in_dim3A_258, %broadcast_in_dim3A_274 in 0 : vector<1x512xi32>, vector<1x512xi32>, vector<1x512xi32>, vector<1x512xi32>, vector<1x512xi32>, vector<1x512xi32>, vector<1x512xi32>, vector<1x512xi32>, vector<1x512xi32>, vector<1x512xi32>, vector<1x512xi32>, vector<1x512xi32>, vector<1x512xi32>, vector<1x512xi32>, vector<1x512xi32>, vector<1x512xi32> -> vector<16x512xi32>
    %add3A_275 = arith.constant 4096 : i32
    %add3A_276 = vector.broadcast %add3A_275 : i32 to vector<16x512xi32>
    %add3A_277 = arith.addi %concatenate3A, %add3A_276 : vector<16x512xi32>
    %swap3A = arith.constant 0 : index
    %swap3A_278 = arith.constant 0 : index
    %swap3A_279 = vector.load %arg3[%swap3A, %swap3A_278] : memref<16x512xi32, #tpu.memory_space<vmem>>, vector<16x512xi32>
    tpu.vector_store %arg3[%swap3A, %swap3A_278], %add3A_277 {strides = array<i32>} : memref<16x512xi32, #tpu.memory_space<vmem>>, vector<16x512xi32>,
    return
  }
  func.func @transform_0(%arg0: i32) -> (i32, i32) {
    %c0_i32 = arith.constant 0 : i32
    %c0_i32_0 = arith.constant 0 : i32
    %c0_i32_1 = arith.constant 0 : i32
    return %c0_i32, %c0_i32_0 : i32, i32
  }
  func.func @transform_1(%arg0: i32) -> (i32, i32) {
    %c0_i32 = arith.constant 0 : i32
    %c0_i32_0 = arith.constant 0 : i32
    return %c0_i32, %arg0 : i32, i32
  }
  func.func @transform_2(%arg0: i32) -> (i32, i32) {
    %c0_i32 = arith.constant 0 : i32
    %c0_i32_0 = arith.constant 0 : i32
    return %c0_i32, %arg0 : i32, i32
  }
}

module attributes {stable_mosaic.version = 14 : i64} {
  func.func @_topk_body(%arg0: i32, %arg1: memref<2048x3xf32, #tpu.memory_space<vmem>>, %arg2: memref<3x512xf32, #tpu.memory_space<vmem>>, %arg3: memref<16x512xi32, #tpu.memory_space<vmem>>) attributes {dimension_semantics = [#tpu.dimension_semantics<arbitrary>], iteration_bounds = array<i64: 4>, scalar_prefetch = 0 : i64, scratch_operands = 0 : i64, tpu.core_type = #tpu.core_type<tc>, window_params = [{pipeline_mode = #tpu.pipeline_mode<synchronous>, transform_indices = @transform_0, window_bounds = array<i64: 2048, 3>}, {transform_indices = @transform_1, window_bounds = array<i64: 3, 512>}, {transform_indices = @transform_2, window_bounds = array<i64: 16, 512>}]} {
    %get3A = arith.constant 0 : index
    %get3A_0 = arith.constant 0 : index
    %get3A_1 = vector.load %arg1[%get3A, %get3A_0] : memref<2048x3xf32, #tpu.memory_space<vmem>>, vector<2048x3xf32>
    %get3A_2 = arith.constant 0 : index
    %get3A_3 = arith.constant 0 : index
    %get3A_4 = vector.load %arg2[%get3A_2, %get3A_3] : memref<3x512xf32, #tpu.memory_space<vmem>>, vector<3x512xf32>
    %dot_general3A = arith.constant dense<0.000000e+00> : vector<2048x512xf32>
    %dot_general3A_5 = tpu.matmul %get3A_1, %get3A_4, %dot_general3A {dimension_numbers = #tpu.dot_dimension_numbers<[1], [0], [0], [1], [0, 0, 1, 1], [], []>, transpose_lhs_hint = false} : vector<2048x3xf32>, vector<3x512xf32>, vector<2048x512xf32> -> vector<2048x512xf32>
    %mul3A = arith.mulf %get3A_1, %get3A_1 : vector<2048x3xf32>
    %reduce_sum3A = arith.constant dense<0.000000e+00> : vector<2048xf32>
    %reduce_sum3A_6 = vector.multi_reduction <add>, %mul3A, %reduce_sum3A [1] : vector<2048x3xf32> to vector<2048xf32>
    %broadcast_in_dim3A = vector.shape_cast %reduce_sum3A_6 : vector<2048xf32> to vector<2048x1xf32>
    %mul3A_7 = arith.mulf %get3A_4, %get3A_4 : vector<3x512xf32>
    %reduce_sum3A_8 = arith.constant dense<0.000000e+00> : vector<512xf32>
    %reduce_sum3A_9 = vector.multi_reduction <add>, %mul3A_7, %reduce_sum3A_8 [0] : vector<3x512xf32> to vector<512xf32>
    %broadcast_in_dim3A_10 = vector.shape_cast %reduce_sum3A_9 : vector<512xf32> to vector<1x512xf32>
    %add3A = vector.broadcast %broadcast_in_dim3A : vector<2048x1xf32> to vector<2048x512xf32>
    %add3A_11 = vector.broadcast %broadcast_in_dim3A_10 : vector<1x512xf32> to vector<2048x512xf32>
    %add3A_12 = arith.addf %add3A, %add3A_11 : vector<2048x512xf32>
    %mul3A_13 = arith.constant 2.000000e+00 : f32
    %mul3A_14 = vector.broadcast %mul3A_13 : f32 to vector<2048x512xf32>
    %mul3A_15 = arith.mulf %mul3A_14, %dot_general3A_5 : vector<2048x512xf32>
    %sub3A = arith.subf %add3A_12, %mul3A_15 : vector<2048x512xf32>
    %max3A = arith.constant 0.000000e+00 : f32
    %max3A_16 = vector.broadcast %max3A : f32 to vector<2048x512xf32>
    %max3A_17 = arith.maximumf %sub3A, %max3A_16 : vector<2048x512xf32>
    %sqrt3A = math.sqrt %max3A_17 : vector<2048x512xf32>
    %iota3A = tpu.iota {dimensions = array<i32: 0>} : vector<2048x512xi32>
    %iota3A_18 = tpu.iota {dimensions = array<i32: 1>} : vector<2048x512xi32>
    %mul3A_19 = arith.constant 512 : i32
    %mul3A_20 = arith.muli %arg0, %mul3A_19 : i32
    %add3A_21 = vector.broadcast %mul3A_20 : i32 to vector<2048x512xi32>
    %add3A_22 = arith.addi %iota3A_18, %add3A_21 : vector<2048x512xi32>
    %eq3A = arith.cmpi eq, %iota3A, %add3A_22 : vector<2048x512xi32>
    %add3A_23 = arith.constant 1.000000e+06 : f32
    %add3A_24 = vector.broadcast %add3A_23 : f32 to vector<2048x512xf32>
    %add3A_25 = arith.addf %sqrt3A, %add3A_24 : vector<2048x512xf32>
    %select_n3A = arith.select %eq3A, %add3A_25, %sqrt3A : vector<2048x512xi1>, vector<2048x512xf32>
    %reduce_min3A = arith.constant dense<0x7F800000> : vector<512xf32>
    %reduce_min3A_26 = vector.multi_reduction <minimumf>, %select_n3A, %reduce_min3A [0] : vector<2048x512xf32> to vector<512xf32>
    %broadcast_in_dim3A_27 = vector.shape_cast %reduce_min3A_26 : vector<512xf32> to vector<1x512xf32>
    %eq3A_28 = vector.broadcast %broadcast_in_dim3A_27 : vector<1x512xf32> to vector<2048x512xf32>
    %eq3A_29 = arith.cmpf oeq, %select_n3A, %eq3A_28 : vector<2048x512xf32>
    %jit3A = arith.constant 2048 : i32
    %broadcast_in_dim3A_30 = vector.broadcast %jit3A : i32 to vector<2048x512xi32>
    %select_n3A_31 = arith.select %eq3A_29, %iota3A, %broadcast_in_dim3A_30 : vector<2048x512xi1>, vector<2048x512xi32>
    %reduce_min3A_32 = arith.constant dense<2147483647> : vector<512xi32>
    %reduce_min3A_33 = vector.multi_reduction <minsi>, %select_n3A_31, %reduce_min3A_32 [0] : vector<2048x512xi32> to vector<512xi32>
    %broadcast_in_dim3A_34 = vector.shape_cast %reduce_min3A_33 : vector<512xi32> to vector<1x512xi32>
    %eq3A_35 = vector.broadcast %broadcast_in_dim3A_34 : vector<1x512xi32> to vector<2048x512xi32>
    %eq3A_36 = arith.cmpi eq, %iota3A, %eq3A_35 : vector<2048x512xi32>
    %jit3A_37 = arith.constant 3.000000e+38 : f32
    %broadcast_in_dim3A_38 = vector.broadcast %jit3A_37 : f32 to vector<2048x512xf32>
    %select_n3A_39 = arith.select %eq3A_36, %broadcast_in_dim3A_38, %select_n3A : vector<2048x512xi1>, vector<2048x512xf32>
    %reduce_min3A_40 = arith.constant dense<0x7F800000> : vector<512xf32>
    %reduce_min3A_41 = vector.multi_reduction <minimumf>, %select_n3A_39, %reduce_min3A_40 [0] : vector<2048x512xf32> to vector<512xf32>
    %broadcast_in_dim3A_42 = vector.shape_cast %reduce_min3A_41 : vector<512xf32> to vector<1x512xf32>
    %eq3A_43 = vector.broadcast %broadcast_in_dim3A_42 : vector<1x512xf32> to vector<2048x512xf32>
    %eq3A_44 = arith.cmpf oeq, %select_n3A_39, %eq3A_43 : vector<2048x512xf32>
    %jit3A_45 = arith.constant 2048 : i32
    %broadcast_in_dim3A_46 = vector.broadcast %jit3A_45 : i32 to vector<2048x512xi32>
    %select_n3A_47 = arith.select %eq3A_44, %iota3A, %broadcast_in_dim3A_46 : vector<2048x512xi1>, vector<2048x512xi32>
    %reduce_min3A_48 = arith.constant dense<2147483647> : vector<512xi32>
    %reduce_min3A_49 = vector.multi_reduction <minsi>, %select_n3A_47, %reduce_min3A_48 [0] : vector<2048x512xi32> to vector<512xi32>
    %broadcast_in_dim3A_50 = vector.shape_cast %reduce_min3A_49 : vector<512xi32> to vector<1x512xi32>
    %eq3A_51 = vector.broadcast %broadcast_in_dim3A_50 : vector<1x512xi32> to vector<2048x512xi32>
    %eq3A_52 = arith.cmpi eq, %iota3A, %eq3A_51 : vector<2048x512xi32>
    %jit3A_53 = arith.constant 3.000000e+38 : f32
    %broadcast_in_dim3A_54 = vector.broadcast %jit3A_53 : f32 to vector<2048x512xf32>
    %select_n3A_55 = arith.select %eq3A_52, %broadcast_in_dim3A_54, %select_n3A_39 : vector<2048x512xi1>, vector<2048x512xf32>
    %reduce_min3A_56 = arith.constant dense<0x7F800000> : vector<512xf32>
    %reduce_min3A_57 = vector.multi_reduction <minimumf>, %select_n3A_55, %reduce_min3A_56 [0] : vector<2048x512xf32> to vector<512xf32>
    %broadcast_in_dim3A_58 = vector.shape_cast %reduce_min3A_57 : vector<512xf32> to vector<1x512xf32>
    %eq3A_59 = vector.broadcast %broadcast_in_dim3A_58 : vector<1x512xf32> to vector<2048x512xf32>
    %eq3A_60 = arith.cmpf oeq, %select_n3A_55, %eq3A_59 : vector<2048x512xf32>
    %jit3A_61 = arith.constant 2048 : i32
    %broadcast_in_dim3A_62 = vector.broadcast %jit3A_61 : i32 to vector<2048x512xi32>
    %select_n3A_63 = arith.select %eq3A_60, %iota3A, %broadcast_in_dim3A_62 : vector<2048x512xi1>, vector<2048x512xi32>
    %reduce_min3A_64 = arith.constant dense<2147483647> : vector<512xi32>
    %reduce_min3A_65 = vector.multi_reduction <minsi>, %select_n3A_63, %reduce_min3A_64 [0] : vector<2048x512xi32> to vector<512xi32>
    %broadcast_in_dim3A_66 = vector.shape_cast %reduce_min3A_65 : vector<512xi32> to vector<1x512xi32>
    %eq3A_67 = vector.broadcast %broadcast_in_dim3A_66 : vector<1x512xi32> to vector<2048x512xi32>
    %eq3A_68 = arith.cmpi eq, %iota3A, %eq3A_67 : vector<2048x512xi32>
    %jit3A_69 = arith.constant 3.000000e+38 : f32
    %broadcast_in_dim3A_70 = vector.broadcast %jit3A_69 : f32 to vector<2048x512xf32>
    %select_n3A_71 = arith.select %eq3A_68, %broadcast_in_dim3A_70, %select_n3A_55 : vector<2048x512xi1>, vector<2048x512xf32>
    %reduce_min3A_72 = arith.constant dense<0x7F800000> : vector<512xf32>
    %reduce_min3A_73 = vector.multi_reduction <minimumf>, %select_n3A_71, %reduce_min3A_72 [0] : vector<2048x512xf32> to vector<512xf32>
    %broadcast_in_dim3A_74 = vector.shape_cast %reduce_min3A_73 : vector<512xf32> to vector<1x512xf32>
    %eq3A_75 = vector.broadcast %broadcast_in_dim3A_74 : vector<1x512xf32> to vector<2048x512xf32>
    %eq3A_76 = arith.cmpf oeq, %select_n3A_71, %eq3A_75 : vector<2048x512xf32>
    %jit3A_77 = arith.constant 2048 : i32
    %broadcast_in_dim3A_78 = vector.broadcast %jit3A_77 : i32 to vector<2048x512xi32>
    %select_n3A_79 = arith.select %eq3A_76, %iota3A, %broadcast_in_dim3A_78 : vector<2048x512xi1>, vector<2048x512xi32>
    %reduce_min3A_80 = arith.constant dense<2147483647> : vector<512xi32>
    %reduce_min3A_81 = vector.multi_reduction <minsi>, %select_n3A_79, %reduce_min3A_80 [0] : vector<2048x512xi32> to vector<512xi32>
    %broadcast_in_dim3A_82 = vector.shape_cast %reduce_min3A_81 : vector<512xi32> to vector<1x512xi32>
    %eq3A_83 = vector.broadcast %broadcast_in_dim3A_82 : vector<1x512xi32> to vector<2048x512xi32>
    %eq3A_84 = arith.cmpi eq, %iota3A, %eq3A_83 : vector<2048x512xi32>
    %jit3A_85 = arith.constant 3.000000e+38 : f32
    %broadcast_in_dim3A_86 = vector.broadcast %jit3A_85 : f32 to vector<2048x512xf32>
    %select_n3A_87 = arith.select %eq3A_84, %broadcast_in_dim3A_86, %select_n3A_71 : vector<2048x512xi1>, vector<2048x512xf32>
    %reduce_min3A_88 = arith.constant dense<0x7F800000> : vector<512xf32>
    %reduce_min3A_89 = vector.multi_reduction <minimumf>, %select_n3A_87, %reduce_min3A_88 [0] : vector<2048x512xf32> to vector<512xf32>
    %broadcast_in_dim3A_90 = vector.shape_cast %reduce_min3A_89 : vector<512xf32> to vector<1x512xf32>
    %eq3A_91 = vector.broadcast %broadcast_in_dim3A_90 : vector<1x512xf32> to vector<2048x512xf32>
    %eq3A_92 = arith.cmpf oeq, %select_n3A_87, %eq3A_91 : vector<2048x512xf32>
    %jit3A_93 = arith.constant 2048 : i32
    %broadcast_in_dim3A_94 = vector.broadcast %jit3A_93 : i32 to vector<2048x512xi32>
    %select_n3A_95 = arith.select %eq3A_92, %iota3A, %broadcast_in_dim3A_94 : vector<2048x512xi1>, vector<2048x512xi32>
    %reduce_min3A_96 = arith.constant dense<2147483647> : vector<512xi32>
    %reduce_min3A_97 = vector.multi_reduction <minsi>, %select_n3A_95, %reduce_min3A_96 [0] : vector<2048x512xi32> to vector<512xi32>
    %broadcast_in_dim3A_98 = vector.shape_cast %reduce_min3A_97 : vector<512xi32> to vector<1x512xi32>
    %eq3A_99 = vector.broadcast %broadcast_in_dim3A_98 : vector<1x512xi32> to vector<2048x512xi32>
    %eq3A_100 = arith.cmpi eq, %iota3A, %eq3A_99 : vector<2048x512xi32>
    %jit3A_101 = arith.constant 3.000000e+38 : f32
    %broadcast_in_dim3A_102 = vector.broadcast %jit3A_101 : f32 to vector<2048x512xf32>
    %select_n3A_103 = arith.select %eq3A_100, %broadcast_in_dim3A_102, %select_n3A_87 : vector<2048x512xi1>, vector<2048x512xf32>
    %reduce_min3A_104 = arith.constant dense<0x7F800000> : vector<512xf32>
    %reduce_min3A_105 = vector.multi_reduction <minimumf>, %select_n3A_103, %reduce_min3A_104 [0] : vector<2048x512xf32> to vector<512xf32>
    %broadcast_in_dim3A_106 = vector.shape_cast %reduce_min3A_105 : vector<512xf32> to vector<1x512xf32>
    %eq3A_107 = vector.broadcast %broadcast_in_dim3A_106 : vector<1x512xf32> to vector<2048x512xf32>
    %eq3A_108 = arith.cmpf oeq, %select_n3A_103, %eq3A_107 : vector<2048x512xf32>
    %jit3A_109 = arith.constant 2048 : i32
    %broadcast_in_dim3A_110 = vector.broadcast %jit3A_109 : i32 to vector<2048x512xi32>
    %select_n3A_111 = arith.select %eq3A_108, %iota3A, %broadcast_in_dim3A_110 : vector<2048x512xi1>, vector<2048x512xi32>
    %reduce_min3A_112 = arith.constant dense<2147483647> : vector<512xi32>
    %reduce_min3A_113 = vector.multi_reduction <minsi>, %select_n3A_111, %reduce_min3A_112 [0] : vector<2048x512xi32> to vector<512xi32>
    %broadcast_in_dim3A_114 = vector.shape_cast %reduce_min3A_113 : vector<512xi32> to vector<1x512xi32>
    %eq3A_115 = vector.broadcast %broadcast_in_dim3A_114 : vector<1x512xi32> to vector<2048x512xi32>
    %eq3A_116 = arith.cmpi eq, %iota3A, %eq3A_115 : vector<2048x512xi32>
    %jit3A_117 = arith.constant 3.000000e+38 : f32
    %broadcast_in_dim3A_118 = vector.broadcast %jit3A_117 : f32 to vector<2048x512xf32>
    %select_n3A_119 = arith.select %eq3A_116, %broadcast_in_dim3A_118, %select_n3A_103 : vector<2048x512xi1>, vector<2048x512xf32>
    %reduce_min3A_120 = arith.constant dense<0x7F800000> : vector<512xf32>
    %reduce_min3A_121 = vector.multi_reduction <minimumf>, %select_n3A_119, %reduce_min3A_120 [0] : vector<2048x512xf32> to vector<512xf32>
    %broadcast_in_dim3A_122 = vector.shape_cast %reduce_min3A_121 : vector<512xf32> to vector<1x512xf32>
    %eq3A_123 = vector.broadcast %broadcast_in_dim3A_122 : vector<1x512xf32> to vector<2048x512xf32>
    %eq3A_124 = arith.cmpf oeq, %select_n3A_119, %eq3A_123 : vector<2048x512xf32>
    %jit3A_125 = arith.constant 2048 : i32
    %broadcast_in_dim3A_126 = vector.broadcast %jit3A_125 : i32 to vector<2048x512xi32>
    %select_n3A_127 = arith.select %eq3A_124, %iota3A, %broadcast_in_dim3A_126 : vector<2048x512xi1>, vector<2048x512xi32>
    %reduce_min3A_128 = arith.constant dense<2147483647> : vector<512xi32>
    %reduce_min3A_129 = vector.multi_reduction <minsi>, %select_n3A_127, %reduce_min3A_128 [0] : vector<2048x512xi32> to vector<512xi32>
    %broadcast_in_dim3A_130 = vector.shape_cast %reduce_min3A_129 : vector<512xi32> to vector<1x512xi32>
    %eq3A_131 = vector.broadcast %broadcast_in_dim3A_130 : vector<1x512xi32> to vector<2048x512xi32>
    %eq3A_132 = arith.cmpi eq, %iota3A, %eq3A_131 : vector<2048x512xi32>
    %jit3A_133 = arith.constant 3.000000e+38 : f32
    %broadcast_in_dim3A_134 = vector.broadcast %jit3A_133 : f32 to vector<2048x512xf32>
    %select_n3A_135 = arith.select %eq3A_132, %broadcast_in_dim3A_134, %select_n3A_119 : vector<2048x512xi1>, vector<2048x512xf32>
    %reduce_min3A_136 = arith.constant dense<0x7F800000> : vector<512xf32>
    %reduce_min3A_137 = vector.multi_reduction <minimumf>, %select_n3A_135, %reduce_min3A_136 [0] : vector<2048x512xf32> to vector<512xf32>
    %broadcast_in_dim3A_138 = vector.shape_cast %reduce_min3A_137 : vector<512xf32> to vector<1x512xf32>
    %eq3A_139 = vector.broadcast %broadcast_in_dim3A_138 : vector<1x512xf32> to vector<2048x512xf32>
    %eq3A_140 = arith.cmpf oeq, %select_n3A_135, %eq3A_139 : vector<2048x512xf32>
    %jit3A_141 = arith.constant 2048 : i32
    %broadcast_in_dim3A_142 = vector.broadcast %jit3A_141 : i32 to vector<2048x512xi32>
    %select_n3A_143 = arith.select %eq3A_140, %iota3A, %broadcast_in_dim3A_142 : vector<2048x512xi1>, vector<2048x512xi32>
    %reduce_min3A_144 = arith.constant dense<2147483647> : vector<512xi32>
    %reduce_min3A_145 = vector.multi_reduction <minsi>, %select_n3A_143, %reduce_min3A_144 [0] : vector<2048x512xi32> to vector<512xi32>
    %broadcast_in_dim3A_146 = vector.shape_cast %reduce_min3A_145 : vector<512xi32> to vector<1x512xi32>
    %eq3A_147 = vector.broadcast %broadcast_in_dim3A_146 : vector<1x512xi32> to vector<2048x512xi32>
    %eq3A_148 = arith.cmpi eq, %iota3A, %eq3A_147 : vector<2048x512xi32>
    %jit3A_149 = arith.constant 3.000000e+38 : f32
    %broadcast_in_dim3A_150 = vector.broadcast %jit3A_149 : f32 to vector<2048x512xf32>
    %select_n3A_151 = arith.select %eq3A_148, %broadcast_in_dim3A_150, %select_n3A_135 : vector<2048x512xi1>, vector<2048x512xf32>
    %reduce_min3A_152 = arith.constant dense<0x7F800000> : vector<512xf32>
    %reduce_min3A_153 = vector.multi_reduction <minimumf>, %select_n3A_151, %reduce_min3A_152 [0] : vector<2048x512xf32> to vector<512xf32>
    %broadcast_in_dim3A_154 = vector.shape_cast %reduce_min3A_153 : vector<512xf32> to vector<1x512xf32>
    %eq3A_155 = vector.broadcast %broadcast_in_dim3A_154 : vector<1x512xf32> to vector<2048x512xf32>
    %eq3A_156 = arith.cmpf oeq, %select_n3A_151, %eq3A_155 : vector<2048x512xf32>
    %jit3A_157 = arith.constant 2048 : i32
    %broadcast_in_dim3A_158 = vector.broadcast %jit3A_157 : i32 to vector<2048x512xi32>
    %select_n3A_159 = arith.select %eq3A_156, %iota3A, %broadcast_in_dim3A_158 : vector<2048x512xi1>, vector<2048x512xi32>
    %reduce_min3A_160 = arith.constant dense<2147483647> : vector<512xi32>
    %reduce_min3A_161 = vector.multi_reduction <minsi>, %select_n3A_159, %reduce_min3A_160 [0] : vector<2048x512xi32> to vector<512xi32>
    %broadcast_in_dim3A_162 = vector.shape_cast %reduce_min3A_161 : vector<512xi32> to vector<1x512xi32>
    %eq3A_163 = vector.broadcast %broadcast_in_dim3A_162 : vector<1x512xi32> to vector<2048x512xi32>
    %eq3A_164 = arith.cmpi eq, %iota3A, %eq3A_163 : vector<2048x512xi32>
    %jit3A_165 = arith.constant 3.000000e+38 : f32
    %broadcast_in_dim3A_166 = vector.broadcast %jit3A_165 : f32 to vector<2048x512xf32>
    %select_n3A_167 = arith.select %eq3A_164, %broadcast_in_dim3A_166, %select_n3A_151 : vector<2048x512xi1>, vector<2048x512xf32>
    %reduce_min3A_168 = arith.constant dense<0x7F800000> : vector<512xf32>
    %reduce_min3A_169 = vector.multi_reduction <minimumf>, %select_n3A_167, %reduce_min3A_168 [0] : vector<2048x512xf32> to vector<512xf32>
    %broadcast_in_dim3A_170 = vector.shape_cast %reduce_min3A_169 : vector<512xf32> to vector<1x512xf32>
    %eq3A_171 = vector.broadcast %broadcast_in_dim3A_170 : vector<1x512xf32> to vector<2048x512xf32>
    %eq3A_172 = arith.cmpf oeq, %select_n3A_167, %eq3A_171 : vector<2048x512xf32>
    %jit3A_173 = arith.constant 2048 : i32
    %broadcast_in_dim3A_174 = vector.broadcast %jit3A_173 : i32 to vector<2048x512xi32>
    %select_n3A_175 = arith.select %eq3A_172, %iota3A, %broadcast_in_dim3A_174 : vector<2048x512xi1>, vector<2048x512xi32>
    %reduce_min3A_176 = arith.constant dense<2147483647> : vector<512xi32>
    %reduce_min3A_177 = vector.multi_reduction <minsi>, %select_n3A_175, %reduce_min3A_176 [0] : vector<2048x512xi32> to vector<512xi32>
    %broadcast_in_dim3A_178 = vector.shape_cast %reduce_min3A_177 : vector<512xi32> to vector<1x512xi32>
    %eq3A_179 = vector.broadcast %broadcast_in_dim3A_178 : vector<1x512xi32> to vector<2048x512xi32>
    %eq3A_180 = arith.cmpi eq, %iota3A, %eq3A_179 : vector<2048x512xi32>
    %jit3A_181 = arith.constant 3.000000e+38 : f32
    %broadcast_in_dim3A_182 = vector.broadcast %jit3A_181 : f32 to vector<2048x512xf32>
    %select_n3A_183 = arith.select %eq3A_180, %broadcast_in_dim3A_182, %select_n3A_167 : vector<2048x512xi1>, vector<2048x512xf32>
    %reduce_min3A_184 = arith.constant dense<0x7F800000> : vector<512xf32>
    %reduce_min3A_185 = vector.multi_reduction <minimumf>, %select_n3A_183, %reduce_min3A_184 [0] : vector<2048x512xf32> to vector<512xf32>
    %broadcast_in_dim3A_186 = vector.shape_cast %reduce_min3A_185 : vector<512xf32> to vector<1x512xf32>
    %eq3A_187 = vector.broadcast %broadcast_in_dim3A_186 : vector<1x512xf32> to vector<2048x512xf32>
    %eq3A_188 = arith.cmpf oeq, %select_n3A_183, %eq3A_187 : vector<2048x512xf32>
    %jit3A_189 = arith.constant 2048 : i32
    %broadcast_in_dim3A_190 = vector.broadcast %jit3A_189 : i32 to vector<2048x512xi32>
    %select_n3A_191 = arith.select %eq3A_188, %iota3A, %broadcast_in_dim3A_190 : vector<2048x512xi1>, vector<2048x512xi32>
    %reduce_min3A_192 = arith.constant dense<2147483647> : vector<512xi32>
    %reduce_min3A_193 = vector.multi_reduction <minsi>, %select_n3A_191, %reduce_min3A_192 [0] : vector<2048x512xi32> to vector<512xi32>
    %broadcast_in_dim3A_194 = vector.shape_cast %reduce_min3A_193 : vector<512xi32> to vector<1x512xi32>
    %eq3A_195 = vector.broadcast %broadcast_in_dim3A_194 : vector<1x512xi32> to vector<2048x512xi32>
    %eq3A_196 = arith.cmpi eq, %iota3A, %eq3A_195 : vector<2048x512xi32>
    %jit3A_197 = arith.constant 3.000000e+38 : f32
    %broadcast_in_dim3A_198 = vector.broadcast %jit3A_197 : f32 to vector<2048x512xf32>
    %select_n3A_199 = arith.select %eq3A_196, %broadcast_in_dim3A_198, %select_n3A_183 : vector<2048x512xi1>, vector<2048x512xf32>
    %reduce_min3A_200 = arith.constant dense<0x7F800000> : vector<512xf32>
    %reduce_min3A_201 = vector.multi_reduction <minimumf>, %select_n3A_199, %reduce_min3A_200 [0] : vector<2048x512xf32> to vector<512xf32>
    %broadcast_in_dim3A_202 = vector.shape_cast %reduce_min3A_201 : vector<512xf32> to vector<1x512xf32>
    %eq3A_203 = vector.broadcast %broadcast_in_dim3A_202 : vector<1x512xf32> to vector<2048x512xf32>
    %eq3A_204 = arith.cmpf oeq, %select_n3A_199, %eq3A_203 : vector<2048x512xf32>
    %jit3A_205 = arith.constant 2048 : i32
    %broadcast_in_dim3A_206 = vector.broadcast %jit3A_205 : i32 to vector<2048x512xi32>
    %select_n3A_207 = arith.select %eq3A_204, %iota3A, %broadcast_in_dim3A_206 : vector<2048x512xi1>, vector<2048x512xi32>
    %reduce_min3A_208 = arith.constant dense<2147483647> : vector<512xi32>
    %reduce_min3A_209 = vector.multi_reduction <minsi>, %select_n3A_207, %reduce_min3A_208 [0] : vector<2048x512xi32> to vector<512xi32>
    %broadcast_in_dim3A_210 = vector.shape_cast %reduce_min3A_209 : vector<512xi32> to vector<1x512xi32>
    %eq3A_211 = vector.broadcast %broadcast_in_dim3A_210 : vector<1x512xi32> to vector<2048x512xi32>
    %eq3A_212 = arith.cmpi eq, %iota3A, %eq3A_211 : vector<2048x512xi32>
    %jit3A_213 = arith.constant 3.000000e+38 : f32
    %broadcast_in_dim3A_214 = vector.broadcast %jit3A_213 : f32 to vector<2048x512xf32>
    %select_n3A_215 = arith.select %eq3A_212, %broadcast_in_dim3A_214, %select_n3A_199 : vector<2048x512xi1>, vector<2048x512xf32>
    %reduce_min3A_216 = arith.constant dense<0x7F800000> : vector<512xf32>
    %reduce_min3A_217 = vector.multi_reduction <minimumf>, %select_n3A_215, %reduce_min3A_216 [0] : vector<2048x512xf32> to vector<512xf32>
    %broadcast_in_dim3A_218 = vector.shape_cast %reduce_min3A_217 : vector<512xf32> to vector<1x512xf32>
    %eq3A_219 = vector.broadcast %broadcast_in_dim3A_218 : vector<1x512xf32> to vector<2048x512xf32>
    %eq3A_220 = arith.cmpf oeq, %select_n3A_215, %eq3A_219 : vector<2048x512xf32>
    %jit3A_221 = arith.constant 2048 : i32
    %broadcast_in_dim3A_222 = vector.broadcast %jit3A_221 : i32 to vector<2048x512xi32>
    %select_n3A_223 = arith.select %eq3A_220, %iota3A, %broadcast_in_dim3A_222 : vector<2048x512xi1>, vector<2048x512xi32>
    %reduce_min3A_224 = arith.constant dense<2147483647> : vector<512xi32>
    %reduce_min3A_225 = vector.multi_reduction <minsi>, %select_n3A_223, %reduce_min3A_224 [0] : vector<2048x512xi32> to vector<512xi32>
    %broadcast_in_dim3A_226 = vector.shape_cast %reduce_min3A_225 : vector<512xi32> to vector<1x512xi32>
    %eq3A_227 = vector.broadcast %broadcast_in_dim3A_226 : vector<1x512xi32> to vector<2048x512xi32>
    %eq3A_228 = arith.cmpi eq, %iota3A, %eq3A_227 : vector<2048x512xi32>
    %jit3A_229 = arith.constant 3.000000e+38 : f32
    %broadcast_in_dim3A_230 = vector.broadcast %jit3A_229 : f32 to vector<2048x512xf32>
    %select_n3A_231 = arith.select %eq3A_228, %broadcast_in_dim3A_230, %select_n3A_215 : vector<2048x512xi1>, vector<2048x512xf32>
    %reduce_min3A_232 = arith.constant dense<0x7F800000> : vector<512xf32>
    %reduce_min3A_233 = vector.multi_reduction <minimumf>, %select_n3A_231, %reduce_min3A_232 [0] : vector<2048x512xf32> to vector<512xf32>
    %broadcast_in_dim3A_234 = vector.shape_cast %reduce_min3A_233 : vector<512xf32> to vector<1x512xf32>
    %eq3A_235 = vector.broadcast %broadcast_in_dim3A_234 : vector<1x512xf32> to vector<2048x512xf32>
    %eq3A_236 = arith.cmpf oeq, %select_n3A_231, %eq3A_235 : vector<2048x512xf32>
    %jit3A_237 = arith.constant 2048 : i32
    %broadcast_in_dim3A_238 = vector.broadcast %jit3A_237 : i32 to vector<2048x512xi32>
    %select_n3A_239 = arith.select %eq3A_236, %iota3A, %broadcast_in_dim3A_238 : vector<2048x512xi1>, vector<2048x512xi32>
    %reduce_min3A_240 = arith.constant dense<2147483647> : vector<512xi32>
    %reduce_min3A_241 = vector.multi_reduction <minsi>, %select_n3A_239, %reduce_min3A_240 [0] : vector<2048x512xi32> to vector<512xi32>
    %broadcast_in_dim3A_242 = vector.shape_cast %reduce_min3A_241 : vector<512xi32> to vector<1x512xi32>
    %eq3A_243 = vector.broadcast %broadcast_in_dim3A_242 : vector<1x512xi32> to vector<2048x512xi32>
    %eq3A_244 = arith.cmpi eq, %iota3A, %eq3A_243 : vector<2048x512xi32>
    %jit3A_245 = arith.constant 3.000000e+38 : f32
    %broadcast_in_dim3A_246 = vector.broadcast %jit3A_245 : f32 to vector<2048x512xf32>
    %select_n3A_247 = arith.select %eq3A_244, %broadcast_in_dim3A_246, %select_n3A_231 : vector<2048x512xi1>, vector<2048x512xf32>
    %reduce_min3A_248 = arith.constant dense<0x7F800000> : vector<512xf32>
    %reduce_min3A_249 = vector.multi_reduction <minimumf>, %select_n3A_247, %reduce_min3A_248 [0] : vector<2048x512xf32> to vector<512xf32>
    %broadcast_in_dim3A_250 = vector.shape_cast %reduce_min3A_249 : vector<512xf32> to vector<1x512xf32>
    %eq3A_251 = vector.broadcast %broadcast_in_dim3A_250 : vector<1x512xf32> to vector<2048x512xf32>
    %eq3A_252 = arith.cmpf oeq, %select_n3A_247, %eq3A_251 : vector<2048x512xf32>
    %jit3A_253 = arith.constant 2048 : i32
    %broadcast_in_dim3A_254 = vector.broadcast %jit3A_253 : i32 to vector<2048x512xi32>
    %select_n3A_255 = arith.select %eq3A_252, %iota3A, %broadcast_in_dim3A_254 : vector<2048x512xi1>, vector<2048x512xi32>
    %reduce_min3A_256 = arith.constant dense<2147483647> : vector<512xi32>
    %reduce_min3A_257 = vector.multi_reduction <minsi>, %select_n3A_255, %reduce_min3A_256 [0] : vector<2048x512xi32> to vector<512xi32>
    %broadcast_in_dim3A_258 = vector.shape_cast %reduce_min3A_257 : vector<512xi32> to vector<1x512xi32>
    %eq3A_259 = vector.broadcast %broadcast_in_dim3A_258 : vector<1x512xi32> to vector<2048x512xi32>
    %eq3A_260 = arith.cmpi eq, %iota3A, %eq3A_259 : vector<2048x512xi32>
    %jit3A_261 = arith.constant 3.000000e+38 : f32
    %broadcast_in_dim3A_262 = vector.broadcast %jit3A_261 : f32 to vector<2048x512xf32>
    %select_n3A_263 = arith.select %eq3A_260, %broadcast_in_dim3A_262, %select_n3A_247 : vector<2048x512xi1>, vector<2048x512xf32>
    %reduce_min3A_264 = arith.constant dense<0x7F800000> : vector<512xf32>
    %reduce_min3A_265 = vector.multi_reduction <minimumf>, %select_n3A_263, %reduce_min3A_264 [0] : vector<2048x512xf32> to vector<512xf32>
    %broadcast_in_dim3A_266 = vector.shape_cast %reduce_min3A_265 : vector<512xf32> to vector<1x512xf32>
    %eq3A_267 = vector.broadcast %broadcast_in_dim3A_266 : vector<1x512xf32> to vector<2048x512xf32>
    %eq3A_268 = arith.cmpf oeq, %select_n3A_263, %eq3A_267 : vector<2048x512xf32>
    %jit3A_269 = arith.constant 2048 : i32
    %broadcast_in_dim3A_270 = vector.broadcast %jit3A_269 : i32 to vector<2048x512xi32>
    %select_n3A_271 = arith.select %eq3A_268, %iota3A, %broadcast_in_dim3A_270 : vector<2048x512xi1>, vector<2048x512xi32>
    %reduce_min3A_272 = arith.constant dense<2147483647> : vector<512xi32>
    %reduce_min3A_273 = vector.multi_reduction <minsi>, %select_n3A_271, %reduce_min3A_272 [0] : vector<2048x512xi32> to vector<512xi32>
    %broadcast_in_dim3A_274 = vector.shape_cast %reduce_min3A_273 : vector<512xi32> to vector<1x512xi32>
    %concatenate3A = tpu.concatenate %broadcast_in_dim3A_34, %broadcast_in_dim3A_50, %broadcast_in_dim3A_66, %broadcast_in_dim3A_82, %broadcast_in_dim3A_98, %broadcast_in_dim3A_114, %broadcast_in_dim3A_130, %broadcast_in_dim3A_146, %broadcast_in_dim3A_162, %broadcast_in_dim3A_178, %broadcast_in_dim3A_194, %broadcast_in_dim3A_210, %broadcast_in_dim3A_226, %broadcast_in_dim3A_242, %broadcast_in_dim3A_258, %broadcast_in_dim3A_274 in 0 : vector<1x512xi32>, vector<1x512xi32>, vector<1x512xi32>, vector<1x512xi32>, vector<1x512xi32>, vector<1x512xi32>, vector<1x512xi32>, vector<1x512xi32>, vector<1x512xi32>, vector<1x512xi32>, vector<1x512xi32>, vector<1x512xi32>, vector<1x512xi32>, vector<1x512xi32>, vector<1x512xi32>, vector<1x512xi32> -> vector<16x512xi32>
    %add3A_275 = arith.constant 2048 : i32
    %add3A_276 = vector.broadcast %add3A_275 : i32 to vector<16x512xi32>
    %add3A_277 = arith.addi %concatenate3A, %add3A_276 : vector<16x512xi32>
    %swap3A = arith.constant 0 : index
    %swap3A_278 = arith.constant 0 : index
    %swap3A_279 = vector.load %arg3[%swap3A, %swap3A_278] : memref<16x512xi32, #tpu.memory_space<vmem>>, vector<16x512xi32>
    tpu.vector_store %arg3[%swap3A, %swap3A_278], %add3A_277 {strides = array<i32>} : memref<16x512xi32, #tpu.memory_space<vmem>>, vector<16x512xi32>,
    return
  }
  func.func @transform_0(%arg0: i32) -> (i32, i32) {
    %c0_i32 = arith.constant 0 : i32
    %c0_i32_0 = arith.constant 0 : i32
    %c0_i32_1 = arith.constant 0 : i32
    return %c0_i32, %c0_i32_0 : i32, i32
  }
  func.func @transform_1(%arg0: i32) -> (i32, i32) {
    %c0_i32 = arith.constant 0 : i32
    %c0_i32_0 = arith.constant 0 : i32
    return %c0_i32, %arg0 : i32, i32
  }
  func.func @transform_2(%arg0: i32) -> (i32, i32) {
    %c0_i32 = arith.constant 0 : i32
    %c0_i32_0 = arith.constant 0 : i32
    return %c0_i32, %arg0 : i32, i32
  }
}

module attributes {stable_mosaic.version = 14 : i64} {
  func.func @_topk_body(%arg0: i32, %arg1: memref<2048x3xf32, #tpu.memory_space<vmem>>, %arg2: memref<3x512xf32, #tpu.memory_space<vmem>>, %arg3: memref<16x512xi32, #tpu.memory_space<vmem>>) attributes {dimension_semantics = [#tpu.dimension_semantics<arbitrary>], iteration_bounds = array<i64: 4>, scalar_prefetch = 0 : i64, scratch_operands = 0 : i64, tpu.core_type = #tpu.core_type<tc>, window_params = [{pipeline_mode = #tpu.pipeline_mode<synchronous>, transform_indices = @transform_0, window_bounds = array<i64: 2048, 3>}, {transform_indices = @transform_1, window_bounds = array<i64: 3, 512>}, {transform_indices = @transform_2, window_bounds = array<i64: 16, 512>}]} {
    %get3A = arith.constant 0 : index
    %get3A_0 = arith.constant 0 : index
    %get3A_1 = vector.load %arg1[%get3A, %get3A_0] : memref<2048x3xf32, #tpu.memory_space<vmem>>, vector<2048x3xf32>
    %get3A_2 = arith.constant 0 : index
    %get3A_3 = arith.constant 0 : index
    %get3A_4 = vector.load %arg2[%get3A_2, %get3A_3] : memref<3x512xf32, #tpu.memory_space<vmem>>, vector<3x512xf32>
    %dot_general3A = arith.constant dense<0.000000e+00> : vector<2048x512xf32>
    %dot_general3A_5 = tpu.matmul %get3A_1, %get3A_4, %dot_general3A {dimension_numbers = #tpu.dot_dimension_numbers<[1], [0], [0], [1], [0, 0, 1, 1], [], []>, transpose_lhs_hint = false} : vector<2048x3xf32>, vector<3x512xf32>, vector<2048x512xf32> -> vector<2048x512xf32>
    %mul3A = arith.mulf %get3A_1, %get3A_1 : vector<2048x3xf32>
    %reduce_sum3A = arith.constant dense<0.000000e+00> : vector<2048xf32>
    %reduce_sum3A_6 = vector.multi_reduction <add>, %mul3A, %reduce_sum3A [1] : vector<2048x3xf32> to vector<2048xf32>
    %broadcast_in_dim3A = vector.shape_cast %reduce_sum3A_6 : vector<2048xf32> to vector<2048x1xf32>
    %mul3A_7 = arith.mulf %get3A_4, %get3A_4 : vector<3x512xf32>
    %reduce_sum3A_8 = arith.constant dense<0.000000e+00> : vector<512xf32>
    %reduce_sum3A_9 = vector.multi_reduction <add>, %mul3A_7, %reduce_sum3A_8 [0] : vector<3x512xf32> to vector<512xf32>
    %broadcast_in_dim3A_10 = vector.shape_cast %reduce_sum3A_9 : vector<512xf32> to vector<1x512xf32>
    %add3A = vector.broadcast %broadcast_in_dim3A : vector<2048x1xf32> to vector<2048x512xf32>
    %add3A_11 = vector.broadcast %broadcast_in_dim3A_10 : vector<1x512xf32> to vector<2048x512xf32>
    %add3A_12 = arith.addf %add3A, %add3A_11 : vector<2048x512xf32>
    %mul3A_13 = arith.constant 2.000000e+00 : f32
    %mul3A_14 = vector.broadcast %mul3A_13 : f32 to vector<2048x512xf32>
    %mul3A_15 = arith.mulf %mul3A_14, %dot_general3A_5 : vector<2048x512xf32>
    %sub3A = arith.subf %add3A_12, %mul3A_15 : vector<2048x512xf32>
    %max3A = arith.constant 0.000000e+00 : f32
    %max3A_16 = vector.broadcast %max3A : f32 to vector<2048x512xf32>
    %max3A_17 = arith.maximumf %sub3A, %max3A_16 : vector<2048x512xf32>
    %sqrt3A = math.sqrt %max3A_17 : vector<2048x512xf32>
    %iota3A = tpu.iota {dimensions = array<i32: 0>} : vector<2048x512xi32>
    %iota3A_18 = tpu.iota {dimensions = array<i32: 1>} : vector<2048x512xi32>
    %mul3A_19 = arith.constant 512 : i32
    %mul3A_20 = arith.muli %arg0, %mul3A_19 : i32
    %add3A_21 = vector.broadcast %mul3A_20 : i32 to vector<2048x512xi32>
    %add3A_22 = arith.addi %iota3A_18, %add3A_21 : vector<2048x512xi32>
    %eq3A = arith.cmpi eq, %iota3A, %add3A_22 : vector<2048x512xi32>
    %add3A_23 = arith.constant 1.000000e+06 : f32
    %add3A_24 = vector.broadcast %add3A_23 : f32 to vector<2048x512xf32>
    %add3A_25 = arith.addf %sqrt3A, %add3A_24 : vector<2048x512xf32>
    %select_n3A = arith.select %eq3A, %add3A_25, %sqrt3A : vector<2048x512xi1>, vector<2048x512xf32>
    %reduce_min3A = arith.constant dense<0x7F800000> : vector<512xf32>
    %reduce_min3A_26 = vector.multi_reduction <minimumf>, %select_n3A, %reduce_min3A [0] : vector<2048x512xf32> to vector<512xf32>
    %broadcast_in_dim3A_27 = vector.shape_cast %reduce_min3A_26 : vector<512xf32> to vector<1x512xf32>
    %eq3A_28 = vector.broadcast %broadcast_in_dim3A_27 : vector<1x512xf32> to vector<2048x512xf32>
    %eq3A_29 = arith.cmpf oeq, %select_n3A, %eq3A_28 : vector<2048x512xf32>
    %jit3A = arith.constant 2048 : i32
    %broadcast_in_dim3A_30 = vector.broadcast %jit3A : i32 to vector<2048x512xi32>
    %select_n3A_31 = arith.select %eq3A_29, %iota3A, %broadcast_in_dim3A_30 : vector<2048x512xi1>, vector<2048x512xi32>
    %reduce_min3A_32 = arith.constant dense<2147483647> : vector<512xi32>
    %reduce_min3A_33 = vector.multi_reduction <minsi>, %select_n3A_31, %reduce_min3A_32 [0] : vector<2048x512xi32> to vector<512xi32>
    %broadcast_in_dim3A_34 = vector.shape_cast %reduce_min3A_33 : vector<512xi32> to vector<1x512xi32>
    %eq3A_35 = vector.broadcast %broadcast_in_dim3A_34 : vector<1x512xi32> to vector<2048x512xi32>
    %eq3A_36 = arith.cmpi eq, %iota3A, %eq3A_35 : vector<2048x512xi32>
    %jit3A_37 = arith.constant 3.000000e+38 : f32
    %broadcast_in_dim3A_38 = vector.broadcast %jit3A_37 : f32 to vector<2048x512xf32>
    %select_n3A_39 = arith.select %eq3A_36, %broadcast_in_dim3A_38, %select_n3A : vector<2048x512xi1>, vector<2048x512xf32>
    %reduce_min3A_40 = arith.constant dense<0x7F800000> : vector<512xf32>
    %reduce_min3A_41 = vector.multi_reduction <minimumf>, %select_n3A_39, %reduce_min3A_40 [0] : vector<2048x512xf32> to vector<512xf32>
    %broadcast_in_dim3A_42 = vector.shape_cast %reduce_min3A_41 : vector<512xf32> to vector<1x512xf32>
    %eq3A_43 = vector.broadcast %broadcast_in_dim3A_42 : vector<1x512xf32> to vector<2048x512xf32>
    %eq3A_44 = arith.cmpf oeq, %select_n3A_39, %eq3A_43 : vector<2048x512xf32>
    %jit3A_45 = arith.constant 2048 : i32
    %broadcast_in_dim3A_46 = vector.broadcast %jit3A_45 : i32 to vector<2048x512xi32>
    %select_n3A_47 = arith.select %eq3A_44, %iota3A, %broadcast_in_dim3A_46 : vector<2048x512xi1>, vector<2048x512xi32>
    %reduce_min3A_48 = arith.constant dense<2147483647> : vector<512xi32>
    %reduce_min3A_49 = vector.multi_reduction <minsi>, %select_n3A_47, %reduce_min3A_48 [0] : vector<2048x512xi32> to vector<512xi32>
    %broadcast_in_dim3A_50 = vector.shape_cast %reduce_min3A_49 : vector<512xi32> to vector<1x512xi32>
    %eq3A_51 = vector.broadcast %broadcast_in_dim3A_50 : vector<1x512xi32> to vector<2048x512xi32>
    %eq3A_52 = arith.cmpi eq, %iota3A, %eq3A_51 : vector<2048x512xi32>
    %jit3A_53 = arith.constant 3.000000e+38 : f32
    %broadcast_in_dim3A_54 = vector.broadcast %jit3A_53 : f32 to vector<2048x512xf32>
    %select_n3A_55 = arith.select %eq3A_52, %broadcast_in_dim3A_54, %select_n3A_39 : vector<2048x512xi1>, vector<2048x512xf32>
    %reduce_min3A_56 = arith.constant dense<0x7F800000> : vector<512xf32>
    %reduce_min3A_57 = vector.multi_reduction <minimumf>, %select_n3A_55, %reduce_min3A_56 [0] : vector<2048x512xf32> to vector<512xf32>
    %broadcast_in_dim3A_58 = vector.shape_cast %reduce_min3A_57 : vector<512xf32> to vector<1x512xf32>
    %eq3A_59 = vector.broadcast %broadcast_in_dim3A_58 : vector<1x512xf32> to vector<2048x512xf32>
    %eq3A_60 = arith.cmpf oeq, %select_n3A_55, %eq3A_59 : vector<2048x512xf32>
    %jit3A_61 = arith.constant 2048 : i32
    %broadcast_in_dim3A_62 = vector.broadcast %jit3A_61 : i32 to vector<2048x512xi32>
    %select_n3A_63 = arith.select %eq3A_60, %iota3A, %broadcast_in_dim3A_62 : vector<2048x512xi1>, vector<2048x512xi32>
    %reduce_min3A_64 = arith.constant dense<2147483647> : vector<512xi32>
    %reduce_min3A_65 = vector.multi_reduction <minsi>, %select_n3A_63, %reduce_min3A_64 [0] : vector<2048x512xi32> to vector<512xi32>
    %broadcast_in_dim3A_66 = vector.shape_cast %reduce_min3A_65 : vector<512xi32> to vector<1x512xi32>
    %eq3A_67 = vector.broadcast %broadcast_in_dim3A_66 : vector<1x512xi32> to vector<2048x512xi32>
    %eq3A_68 = arith.cmpi eq, %iota3A, %eq3A_67 : vector<2048x512xi32>
    %jit3A_69 = arith.constant 3.000000e+38 : f32
    %broadcast_in_dim3A_70 = vector.broadcast %jit3A_69 : f32 to vector<2048x512xf32>
    %select_n3A_71 = arith.select %eq3A_68, %broadcast_in_dim3A_70, %select_n3A_55 : vector<2048x512xi1>, vector<2048x512xf32>
    %reduce_min3A_72 = arith.constant dense<0x7F800000> : vector<512xf32>
    %reduce_min3A_73 = vector.multi_reduction <minimumf>, %select_n3A_71, %reduce_min3A_72 [0] : vector<2048x512xf32> to vector<512xf32>
    %broadcast_in_dim3A_74 = vector.shape_cast %reduce_min3A_73 : vector<512xf32> to vector<1x512xf32>
    %eq3A_75 = vector.broadcast %broadcast_in_dim3A_74 : vector<1x512xf32> to vector<2048x512xf32>
    %eq3A_76 = arith.cmpf oeq, %select_n3A_71, %eq3A_75 : vector<2048x512xf32>
    %jit3A_77 = arith.constant 2048 : i32
    %broadcast_in_dim3A_78 = vector.broadcast %jit3A_77 : i32 to vector<2048x512xi32>
    %select_n3A_79 = arith.select %eq3A_76, %iota3A, %broadcast_in_dim3A_78 : vector<2048x512xi1>, vector<2048x512xi32>
    %reduce_min3A_80 = arith.constant dense<2147483647> : vector<512xi32>
    %reduce_min3A_81 = vector.multi_reduction <minsi>, %select_n3A_79, %reduce_min3A_80 [0] : vector<2048x512xi32> to vector<512xi32>
    %broadcast_in_dim3A_82 = vector.shape_cast %reduce_min3A_81 : vector<512xi32> to vector<1x512xi32>
    %eq3A_83 = vector.broadcast %broadcast_in_dim3A_82 : vector<1x512xi32> to vector<2048x512xi32>
    %eq3A_84 = arith.cmpi eq, %iota3A, %eq3A_83 : vector<2048x512xi32>
    %jit3A_85 = arith.constant 3.000000e+38 : f32
    %broadcast_in_dim3A_86 = vector.broadcast %jit3A_85 : f32 to vector<2048x512xf32>
    %select_n3A_87 = arith.select %eq3A_84, %broadcast_in_dim3A_86, %select_n3A_71 : vector<2048x512xi1>, vector<2048x512xf32>
    %reduce_min3A_88 = arith.constant dense<0x7F800000> : vector<512xf32>
    %reduce_min3A_89 = vector.multi_reduction <minimumf>, %select_n3A_87, %reduce_min3A_88 [0] : vector<2048x512xf32> to vector<512xf32>
    %broadcast_in_dim3A_90 = vector.shape_cast %reduce_min3A_89 : vector<512xf32> to vector<1x512xf32>
    %eq3A_91 = vector.broadcast %broadcast_in_dim3A_90 : vector<1x512xf32> to vector<2048x512xf32>
    %eq3A_92 = arith.cmpf oeq, %select_n3A_87, %eq3A_91 : vector<2048x512xf32>
    %jit3A_93 = arith.constant 2048 : i32
    %broadcast_in_dim3A_94 = vector.broadcast %jit3A_93 : i32 to vector<2048x512xi32>
    %select_n3A_95 = arith.select %eq3A_92, %iota3A, %broadcast_in_dim3A_94 : vector<2048x512xi1>, vector<2048x512xi32>
    %reduce_min3A_96 = arith.constant dense<2147483647> : vector<512xi32>
    %reduce_min3A_97 = vector.multi_reduction <minsi>, %select_n3A_95, %reduce_min3A_96 [0] : vector<2048x512xi32> to vector<512xi32>
    %broadcast_in_dim3A_98 = vector.shape_cast %reduce_min3A_97 : vector<512xi32> to vector<1x512xi32>
    %eq3A_99 = vector.broadcast %broadcast_in_dim3A_98 : vector<1x512xi32> to vector<2048x512xi32>
    %eq3A_100 = arith.cmpi eq, %iota3A, %eq3A_99 : vector<2048x512xi32>
    %jit3A_101 = arith.constant 3.000000e+38 : f32
    %broadcast_in_dim3A_102 = vector.broadcast %jit3A_101 : f32 to vector<2048x512xf32>
    %select_n3A_103 = arith.select %eq3A_100, %broadcast_in_dim3A_102, %select_n3A_87 : vector<2048x512xi1>, vector<2048x512xf32>
    %reduce_min3A_104 = arith.constant dense<0x7F800000> : vector<512xf32>
    %reduce_min3A_105 = vector.multi_reduction <minimumf>, %select_n3A_103, %reduce_min3A_104 [0] : vector<2048x512xf32> to vector<512xf32>
    %broadcast_in_dim3A_106 = vector.shape_cast %reduce_min3A_105 : vector<512xf32> to vector<1x512xf32>
    %eq3A_107 = vector.broadcast %broadcast_in_dim3A_106 : vector<1x512xf32> to vector<2048x512xf32>
    %eq3A_108 = arith.cmpf oeq, %select_n3A_103, %eq3A_107 : vector<2048x512xf32>
    %jit3A_109 = arith.constant 2048 : i32
    %broadcast_in_dim3A_110 = vector.broadcast %jit3A_109 : i32 to vector<2048x512xi32>
    %select_n3A_111 = arith.select %eq3A_108, %iota3A, %broadcast_in_dim3A_110 : vector<2048x512xi1>, vector<2048x512xi32>
    %reduce_min3A_112 = arith.constant dense<2147483647> : vector<512xi32>
    %reduce_min3A_113 = vector.multi_reduction <minsi>, %select_n3A_111, %reduce_min3A_112 [0] : vector<2048x512xi32> to vector<512xi32>
    %broadcast_in_dim3A_114 = vector.shape_cast %reduce_min3A_113 : vector<512xi32> to vector<1x512xi32>
    %eq3A_115 = vector.broadcast %broadcast_in_dim3A_114 : vector<1x512xi32> to vector<2048x512xi32>
    %eq3A_116 = arith.cmpi eq, %iota3A, %eq3A_115 : vector<2048x512xi32>
    %jit3A_117 = arith.constant 3.000000e+38 : f32
    %broadcast_in_dim3A_118 = vector.broadcast %jit3A_117 : f32 to vector<2048x512xf32>
    %select_n3A_119 = arith.select %eq3A_116, %broadcast_in_dim3A_118, %select_n3A_103 : vector<2048x512xi1>, vector<2048x512xf32>
    %reduce_min3A_120 = arith.constant dense<0x7F800000> : vector<512xf32>
    %reduce_min3A_121 = vector.multi_reduction <minimumf>, %select_n3A_119, %reduce_min3A_120 [0] : vector<2048x512xf32> to vector<512xf32>
    %broadcast_in_dim3A_122 = vector.shape_cast %reduce_min3A_121 : vector<512xf32> to vector<1x512xf32>
    %eq3A_123 = vector.broadcast %broadcast_in_dim3A_122 : vector<1x512xf32> to vector<2048x512xf32>
    %eq3A_124 = arith.cmpf oeq, %select_n3A_119, %eq3A_123 : vector<2048x512xf32>
    %jit3A_125 = arith.constant 2048 : i32
    %broadcast_in_dim3A_126 = vector.broadcast %jit3A_125 : i32 to vector<2048x512xi32>
    %select_n3A_127 = arith.select %eq3A_124, %iota3A, %broadcast_in_dim3A_126 : vector<2048x512xi1>, vector<2048x512xi32>
    %reduce_min3A_128 = arith.constant dense<2147483647> : vector<512xi32>
    %reduce_min3A_129 = vector.multi_reduction <minsi>, %select_n3A_127, %reduce_min3A_128 [0] : vector<2048x512xi32> to vector<512xi32>
    %broadcast_in_dim3A_130 = vector.shape_cast %reduce_min3A_129 : vector<512xi32> to vector<1x512xi32>
    %eq3A_131 = vector.broadcast %broadcast_in_dim3A_130 : vector<1x512xi32> to vector<2048x512xi32>
    %eq3A_132 = arith.cmpi eq, %iota3A, %eq3A_131 : vector<2048x512xi32>
    %jit3A_133 = arith.constant 3.000000e+38 : f32
    %broadcast_in_dim3A_134 = vector.broadcast %jit3A_133 : f32 to vector<2048x512xf32>
    %select_n3A_135 = arith.select %eq3A_132, %broadcast_in_dim3A_134, %select_n3A_119 : vector<2048x512xi1>, vector<2048x512xf32>
    %reduce_min3A_136 = arith.constant dense<0x7F800000> : vector<512xf32>
    %reduce_min3A_137 = vector.multi_reduction <minimumf>, %select_n3A_135, %reduce_min3A_136 [0] : vector<2048x512xf32> to vector<512xf32>
    %broadcast_in_dim3A_138 = vector.shape_cast %reduce_min3A_137 : vector<512xf32> to vector<1x512xf32>
    %eq3A_139 = vector.broadcast %broadcast_in_dim3A_138 : vector<1x512xf32> to vector<2048x512xf32>
    %eq3A_140 = arith.cmpf oeq, %select_n3A_135, %eq3A_139 : vector<2048x512xf32>
    %jit3A_141 = arith.constant 2048 : i32
    %broadcast_in_dim3A_142 = vector.broadcast %jit3A_141 : i32 to vector<2048x512xi32>
    %select_n3A_143 = arith.select %eq3A_140, %iota3A, %broadcast_in_dim3A_142 : vector<2048x512xi1>, vector<2048x512xi32>
    %reduce_min3A_144 = arith.constant dense<2147483647> : vector<512xi32>
    %reduce_min3A_145 = vector.multi_reduction <minsi>, %select_n3A_143, %reduce_min3A_144 [0] : vector<2048x512xi32> to vector<512xi32>
    %broadcast_in_dim3A_146 = vector.shape_cast %reduce_min3A_145 : vector<512xi32> to vector<1x512xi32>
    %eq3A_147 = vector.broadcast %broadcast_in_dim3A_146 : vector<1x512xi32> to vector<2048x512xi32>
    %eq3A_148 = arith.cmpi eq, %iota3A, %eq3A_147 : vector<2048x512xi32>
    %jit3A_149 = arith.constant 3.000000e+38 : f32
    %broadcast_in_dim3A_150 = vector.broadcast %jit3A_149 : f32 to vector<2048x512xf32>
    %select_n3A_151 = arith.select %eq3A_148, %broadcast_in_dim3A_150, %select_n3A_135 : vector<2048x512xi1>, vector<2048x512xf32>
    %reduce_min3A_152 = arith.constant dense<0x7F800000> : vector<512xf32>
    %reduce_min3A_153 = vector.multi_reduction <minimumf>, %select_n3A_151, %reduce_min3A_152 [0] : vector<2048x512xf32> to vector<512xf32>
    %broadcast_in_dim3A_154 = vector.shape_cast %reduce_min3A_153 : vector<512xf32> to vector<1x512xf32>
    %eq3A_155 = vector.broadcast %broadcast_in_dim3A_154 : vector<1x512xf32> to vector<2048x512xf32>
    %eq3A_156 = arith.cmpf oeq, %select_n3A_151, %eq3A_155 : vector<2048x512xf32>
    %jit3A_157 = arith.constant 2048 : i32
    %broadcast_in_dim3A_158 = vector.broadcast %jit3A_157 : i32 to vector<2048x512xi32>
    %select_n3A_159 = arith.select %eq3A_156, %iota3A, %broadcast_in_dim3A_158 : vector<2048x512xi1>, vector<2048x512xi32>
    %reduce_min3A_160 = arith.constant dense<2147483647> : vector<512xi32>
    %reduce_min3A_161 = vector.multi_reduction <minsi>, %select_n3A_159, %reduce_min3A_160 [0] : vector<2048x512xi32> to vector<512xi32>
    %broadcast_in_dim3A_162 = vector.shape_cast %reduce_min3A_161 : vector<512xi32> to vector<1x512xi32>
    %eq3A_163 = vector.broadcast %broadcast_in_dim3A_162 : vector<1x512xi32> to vector<2048x512xi32>
    %eq3A_164 = arith.cmpi eq, %iota3A, %eq3A_163 : vector<2048x512xi32>
    %jit3A_165 = arith.constant 3.000000e+38 : f32
    %broadcast_in_dim3A_166 = vector.broadcast %jit3A_165 : f32 to vector<2048x512xf32>
    %select_n3A_167 = arith.select %eq3A_164, %broadcast_in_dim3A_166, %select_n3A_151 : vector<2048x512xi1>, vector<2048x512xf32>
    %reduce_min3A_168 = arith.constant dense<0x7F800000> : vector<512xf32>
    %reduce_min3A_169 = vector.multi_reduction <minimumf>, %select_n3A_167, %reduce_min3A_168 [0] : vector<2048x512xf32> to vector<512xf32>
    %broadcast_in_dim3A_170 = vector.shape_cast %reduce_min3A_169 : vector<512xf32> to vector<1x512xf32>
    %eq3A_171 = vector.broadcast %broadcast_in_dim3A_170 : vector<1x512xf32> to vector<2048x512xf32>
    %eq3A_172 = arith.cmpf oeq, %select_n3A_167, %eq3A_171 : vector<2048x512xf32>
    %jit3A_173 = arith.constant 2048 : i32
    %broadcast_in_dim3A_174 = vector.broadcast %jit3A_173 : i32 to vector<2048x512xi32>
    %select_n3A_175 = arith.select %eq3A_172, %iota3A, %broadcast_in_dim3A_174 : vector<2048x512xi1>, vector<2048x512xi32>
    %reduce_min3A_176 = arith.constant dense<2147483647> : vector<512xi32>
    %reduce_min3A_177 = vector.multi_reduction <minsi>, %select_n3A_175, %reduce_min3A_176 [0] : vector<2048x512xi32> to vector<512xi32>
    %broadcast_in_dim3A_178 = vector.shape_cast %reduce_min3A_177 : vector<512xi32> to vector<1x512xi32>
    %eq3A_179 = vector.broadcast %broadcast_in_dim3A_178 : vector<1x512xi32> to vector<2048x512xi32>
    %eq3A_180 = arith.cmpi eq, %iota3A, %eq3A_179 : vector<2048x512xi32>
    %jit3A_181 = arith.constant 3.000000e+38 : f32
    %broadcast_in_dim3A_182 = vector.broadcast %jit3A_181 : f32 to vector<2048x512xf32>
    %select_n3A_183 = arith.select %eq3A_180, %broadcast_in_dim3A_182, %select_n3A_167 : vector<2048x512xi1>, vector<2048x512xf32>
    %reduce_min3A_184 = arith.constant dense<0x7F800000> : vector<512xf32>
    %reduce_min3A_185 = vector.multi_reduction <minimumf>, %select_n3A_183, %reduce_min3A_184 [0] : vector<2048x512xf32> to vector<512xf32>
    %broadcast_in_dim3A_186 = vector.shape_cast %reduce_min3A_185 : vector<512xf32> to vector<1x512xf32>
    %eq3A_187 = vector.broadcast %broadcast_in_dim3A_186 : vector<1x512xf32> to vector<2048x512xf32>
    %eq3A_188 = arith.cmpf oeq, %select_n3A_183, %eq3A_187 : vector<2048x512xf32>
    %jit3A_189 = arith.constant 2048 : i32
    %broadcast_in_dim3A_190 = vector.broadcast %jit3A_189 : i32 to vector<2048x512xi32>
    %select_n3A_191 = arith.select %eq3A_188, %iota3A, %broadcast_in_dim3A_190 : vector<2048x512xi1>, vector<2048x512xi32>
    %reduce_min3A_192 = arith.constant dense<2147483647> : vector<512xi32>
    %reduce_min3A_193 = vector.multi_reduction <minsi>, %select_n3A_191, %reduce_min3A_192 [0] : vector<2048x512xi32> to vector<512xi32>
    %broadcast_in_dim3A_194 = vector.shape_cast %reduce_min3A_193 : vector<512xi32> to vector<1x512xi32>
    %eq3A_195 = vector.broadcast %broadcast_in_dim3A_194 : vector<1x512xi32> to vector<2048x512xi32>
    %eq3A_196 = arith.cmpi eq, %iota3A, %eq3A_195 : vector<2048x512xi32>
    %jit3A_197 = arith.constant 3.000000e+38 : f32
    %broadcast_in_dim3A_198 = vector.broadcast %jit3A_197 : f32 to vector<2048x512xf32>
    %select_n3A_199 = arith.select %eq3A_196, %broadcast_in_dim3A_198, %select_n3A_183 : vector<2048x512xi1>, vector<2048x512xf32>
    %reduce_min3A_200 = arith.constant dense<0x7F800000> : vector<512xf32>
    %reduce_min3A_201 = vector.multi_reduction <minimumf>, %select_n3A_199, %reduce_min3A_200 [0] : vector<2048x512xf32> to vector<512xf32>
    %broadcast_in_dim3A_202 = vector.shape_cast %reduce_min3A_201 : vector<512xf32> to vector<1x512xf32>
    %eq3A_203 = vector.broadcast %broadcast_in_dim3A_202 : vector<1x512xf32> to vector<2048x512xf32>
    %eq3A_204 = arith.cmpf oeq, %select_n3A_199, %eq3A_203 : vector<2048x512xf32>
    %jit3A_205 = arith.constant 2048 : i32
    %broadcast_in_dim3A_206 = vector.broadcast %jit3A_205 : i32 to vector<2048x512xi32>
    %select_n3A_207 = arith.select %eq3A_204, %iota3A, %broadcast_in_dim3A_206 : vector<2048x512xi1>, vector<2048x512xi32>
    %reduce_min3A_208 = arith.constant dense<2147483647> : vector<512xi32>
    %reduce_min3A_209 = vector.multi_reduction <minsi>, %select_n3A_207, %reduce_min3A_208 [0] : vector<2048x512xi32> to vector<512xi32>
    %broadcast_in_dim3A_210 = vector.shape_cast %reduce_min3A_209 : vector<512xi32> to vector<1x512xi32>
    %eq3A_211 = vector.broadcast %broadcast_in_dim3A_210 : vector<1x512xi32> to vector<2048x512xi32>
    %eq3A_212 = arith.cmpi eq, %iota3A, %eq3A_211 : vector<2048x512xi32>
    %jit3A_213 = arith.constant 3.000000e+38 : f32
    %broadcast_in_dim3A_214 = vector.broadcast %jit3A_213 : f32 to vector<2048x512xf32>
    %select_n3A_215 = arith.select %eq3A_212, %broadcast_in_dim3A_214, %select_n3A_199 : vector<2048x512xi1>, vector<2048x512xf32>
    %reduce_min3A_216 = arith.constant dense<0x7F800000> : vector<512xf32>
    %reduce_min3A_217 = vector.multi_reduction <minimumf>, %select_n3A_215, %reduce_min3A_216 [0] : vector<2048x512xf32> to vector<512xf32>
    %broadcast_in_dim3A_218 = vector.shape_cast %reduce_min3A_217 : vector<512xf32> to vector<1x512xf32>
    %eq3A_219 = vector.broadcast %broadcast_in_dim3A_218 : vector<1x512xf32> to vector<2048x512xf32>
    %eq3A_220 = arith.cmpf oeq, %select_n3A_215, %eq3A_219 : vector<2048x512xf32>
    %jit3A_221 = arith.constant 2048 : i32
    %broadcast_in_dim3A_222 = vector.broadcast %jit3A_221 : i32 to vector<2048x512xi32>
    %select_n3A_223 = arith.select %eq3A_220, %iota3A, %broadcast_in_dim3A_222 : vector<2048x512xi1>, vector<2048x512xi32>
    %reduce_min3A_224 = arith.constant dense<2147483647> : vector<512xi32>
    %reduce_min3A_225 = vector.multi_reduction <minsi>, %select_n3A_223, %reduce_min3A_224 [0] : vector<2048x512xi32> to vector<512xi32>
    %broadcast_in_dim3A_226 = vector.shape_cast %reduce_min3A_225 : vector<512xi32> to vector<1x512xi32>
    %eq3A_227 = vector.broadcast %broadcast_in_dim3A_226 : vector<1x512xi32> to vector<2048x512xi32>
    %eq3A_228 = arith.cmpi eq, %iota3A, %eq3A_227 : vector<2048x512xi32>
    %jit3A_229 = arith.constant 3.000000e+38 : f32
    %broadcast_in_dim3A_230 = vector.broadcast %jit3A_229 : f32 to vector<2048x512xf32>
    %select_n3A_231 = arith.select %eq3A_228, %broadcast_in_dim3A_230, %select_n3A_215 : vector<2048x512xi1>, vector<2048x512xf32>
    %reduce_min3A_232 = arith.constant dense<0x7F800000> : vector<512xf32>
    %reduce_min3A_233 = vector.multi_reduction <minimumf>, %select_n3A_231, %reduce_min3A_232 [0] : vector<2048x512xf32> to vector<512xf32>
    %broadcast_in_dim3A_234 = vector.shape_cast %reduce_min3A_233 : vector<512xf32> to vector<1x512xf32>
    %eq3A_235 = vector.broadcast %broadcast_in_dim3A_234 : vector<1x512xf32> to vector<2048x512xf32>
    %eq3A_236 = arith.cmpf oeq, %select_n3A_231, %eq3A_235 : vector<2048x512xf32>
    %jit3A_237 = arith.constant 2048 : i32
    %broadcast_in_dim3A_238 = vector.broadcast %jit3A_237 : i32 to vector<2048x512xi32>
    %select_n3A_239 = arith.select %eq3A_236, %iota3A, %broadcast_in_dim3A_238 : vector<2048x512xi1>, vector<2048x512xi32>
    %reduce_min3A_240 = arith.constant dense<2147483647> : vector<512xi32>
    %reduce_min3A_241 = vector.multi_reduction <minsi>, %select_n3A_239, %reduce_min3A_240 [0] : vector<2048x512xi32> to vector<512xi32>
    %broadcast_in_dim3A_242 = vector.shape_cast %reduce_min3A_241 : vector<512xi32> to vector<1x512xi32>
    %eq3A_243 = vector.broadcast %broadcast_in_dim3A_242 : vector<1x512xi32> to vector<2048x512xi32>
    %eq3A_244 = arith.cmpi eq, %iota3A, %eq3A_243 : vector<2048x512xi32>
    %jit3A_245 = arith.constant 3.000000e+38 : f32
    %broadcast_in_dim3A_246 = vector.broadcast %jit3A_245 : f32 to vector<2048x512xf32>
    %select_n3A_247 = arith.select %eq3A_244, %broadcast_in_dim3A_246, %select_n3A_231 : vector<2048x512xi1>, vector<2048x512xf32>
    %reduce_min3A_248 = arith.constant dense<0x7F800000> : vector<512xf32>
    %reduce_min3A_249 = vector.multi_reduction <minimumf>, %select_n3A_247, %reduce_min3A_248 [0] : vector<2048x512xf32> to vector<512xf32>
    %broadcast_in_dim3A_250 = vector.shape_cast %reduce_min3A_249 : vector<512xf32> to vector<1x512xf32>
    %eq3A_251 = vector.broadcast %broadcast_in_dim3A_250 : vector<1x512xf32> to vector<2048x512xf32>
    %eq3A_252 = arith.cmpf oeq, %select_n3A_247, %eq3A_251 : vector<2048x512xf32>
    %jit3A_253 = arith.constant 2048 : i32
    %broadcast_in_dim3A_254 = vector.broadcast %jit3A_253 : i32 to vector<2048x512xi32>
    %select_n3A_255 = arith.select %eq3A_252, %iota3A, %broadcast_in_dim3A_254 : vector<2048x512xi1>, vector<2048x512xi32>
    %reduce_min3A_256 = arith.constant dense<2147483647> : vector<512xi32>
    %reduce_min3A_257 = vector.multi_reduction <minsi>, %select_n3A_255, %reduce_min3A_256 [0] : vector<2048x512xi32> to vector<512xi32>
    %broadcast_in_dim3A_258 = vector.shape_cast %reduce_min3A_257 : vector<512xi32> to vector<1x512xi32>
    %eq3A_259 = vector.broadcast %broadcast_in_dim3A_258 : vector<1x512xi32> to vector<2048x512xi32>
    %eq3A_260 = arith.cmpi eq, %iota3A, %eq3A_259 : vector<2048x512xi32>
    %jit3A_261 = arith.constant 3.000000e+38 : f32
    %broadcast_in_dim3A_262 = vector.broadcast %jit3A_261 : f32 to vector<2048x512xf32>
    %select_n3A_263 = arith.select %eq3A_260, %broadcast_in_dim3A_262, %select_n3A_247 : vector<2048x512xi1>, vector<2048x512xf32>
    %reduce_min3A_264 = arith.constant dense<0x7F800000> : vector<512xf32>
    %reduce_min3A_265 = vector.multi_reduction <minimumf>, %select_n3A_263, %reduce_min3A_264 [0] : vector<2048x512xf32> to vector<512xf32>
    %broadcast_in_dim3A_266 = vector.shape_cast %reduce_min3A_265 : vector<512xf32> to vector<1x512xf32>
    %eq3A_267 = vector.broadcast %broadcast_in_dim3A_266 : vector<1x512xf32> to vector<2048x512xf32>
    %eq3A_268 = arith.cmpf oeq, %select_n3A_263, %eq3A_267 : vector<2048x512xf32>
    %jit3A_269 = arith.constant 2048 : i32
    %broadcast_in_dim3A_270 = vector.broadcast %jit3A_269 : i32 to vector<2048x512xi32>
    %select_n3A_271 = arith.select %eq3A_268, %iota3A, %broadcast_in_dim3A_270 : vector<2048x512xi1>, vector<2048x512xi32>
    %reduce_min3A_272 = arith.constant dense<2147483647> : vector<512xi32>
    %reduce_min3A_273 = vector.multi_reduction <minsi>, %select_n3A_271, %reduce_min3A_272 [0] : vector<2048x512xi32> to vector<512xi32>
    %broadcast_in_dim3A_274 = vector.shape_cast %reduce_min3A_273 : vector<512xi32> to vector<1x512xi32>
    %concatenate3A = tpu.concatenate %broadcast_in_dim3A_34, %broadcast_in_dim3A_50, %broadcast_in_dim3A_66, %broadcast_in_dim3A_82, %broadcast_in_dim3A_98, %broadcast_in_dim3A_114, %broadcast_in_dim3A_130, %broadcast_in_dim3A_146, %broadcast_in_dim3A_162, %broadcast_in_dim3A_178, %broadcast_in_dim3A_194, %broadcast_in_dim3A_210, %broadcast_in_dim3A_226, %broadcast_in_dim3A_242, %broadcast_in_dim3A_258, %broadcast_in_dim3A_274 in 0 : vector<1x512xi32>, vector<1x512xi32>, vector<1x512xi32>, vector<1x512xi32>, vector<1x512xi32>, vector<1x512xi32>, vector<1x512xi32>, vector<1x512xi32>, vector<1x512xi32>, vector<1x512xi32>, vector<1x512xi32>, vector<1x512xi32>, vector<1x512xi32>, vector<1x512xi32>, vector<1x512xi32>, vector<1x512xi32> -> vector<16x512xi32>
    %add3A_275 = arith.constant 0 : i32
    %add3A_276 = vector.broadcast %add3A_275 : i32 to vector<16x512xi32>
    %add3A_277 = arith.addi %concatenate3A, %add3A_276 : vector<16x512xi32>
    %swap3A = arith.constant 0 : index
    %swap3A_278 = arith.constant 0 : index
    %swap3A_279 = vector.load %arg3[%swap3A, %swap3A_278] : memref<16x512xi32, #tpu.memory_space<vmem>>, vector<16x512xi32>
    tpu.vector_store %arg3[%swap3A, %swap3A_278], %add3A_277 {strides = array<i32>} : memref<16x512xi32, #tpu.memory_space<vmem>>, vector<16x512xi32>,
    return
  }
  func.func @transform_0(%arg0: i32) -> (i32, i32) {
    %c0_i32 = arith.constant 0 : i32
    %c0_i32_0 = arith.constant 0 : i32
    %c0_i32_1 = arith.constant 0 : i32
    return %c0_i32, %c0_i32_0 : i32, i32
  }
  func.func @transform_1(%arg0: i32) -> (i32, i32) {
    %c0_i32 = arith.constant 0 : i32
    %c0_i32_0 = arith.constant 0 : i32
    return %c0_i32, %arg0 : i32, i32
  }
  func.func @transform_2(%arg0: i32) -> (i32, i32) {
    %c0_i32 = arith.constant 0 : i32
    %c0_i32_0 = arith.constant 0 : i32
    return %c0_i32, %arg0 : i32, i32
  }
}

module attributes {stable_mosaic.version = 14 : i64} {
  func.func @_mlp_body(%arg0: i32, %arg1: memref<16x128x128xf32, #tpu.memory_space<vmem>>, %arg2: memref<128x128xf32, #tpu.memory_space<vmem>>, %arg3: memref<128x128xf32, #tpu.memory_space<vmem>>, %arg4: memref<1x128xf32, #tpu.memory_space<vmem>>, %arg5: memref<128x128xf32, #tpu.memory_space<vmem>>) attributes {dimension_semantics = [#tpu.dimension_semantics<arbitrary>], iteration_bounds = array<i64: 16>, scalar_prefetch = 0 : i64, scratch_operands = 0 : i64, tpu.core_type = #tpu.core_type<tc>, window_params = [{transform_indices = @transform_0, window_bounds = array<i64: 16, 128, 128>}, {transform_indices = @transform_1, window_bounds = array<i64: 128, 128>}, {pipeline_mode = #tpu.pipeline_mode<synchronous>, transform_indices = @transform_2, window_bounds = array<i64: 128, 128>}, {pipeline_mode = #tpu.pipeline_mode<synchronous>, transform_indices = @transform_3, window_bounds = array<i64: 1, 128>}, {transform_indices = @transform_4, window_bounds = array<i64: 128, 128>}]} {
    %get3A = arith.constant 0 : index
    %get3A_0 = arith.constant 0 : index
    %get3A_1 = arith.constant 0 : index
    %get3A_2 = vector.load %arg1[%get3A, %get3A_0, %get3A_1] : memref<16x128x128xf32, #tpu.memory_space<vmem>>, vector<16x128x128xf32>
    %get3A_3 = arith.constant 0 : index
    %get3A_4 = arith.constant 0 : index
    %get3A_5 = vector.load %arg2[%get3A_3, %get3A_4] : memref<128x128xf32, #tpu.memory_space<vmem>>, vector<128x128xf32>
    %broadcast_in_dim3A = vector.shape_cast %get3A_5 : vector<128x128xf32> to vector<1x128x128xf32>
    %add3A = vector.broadcast %broadcast_in_dim3A : vector<1x128x128xf32> to vector<16x128x128xf32>
    %add3A_6 = arith.addf %get3A_2, %add3A : vector<16x128x128xf32>
    %mul3A = arith.constant 5.000000e-01 : f32
    %mul3A_7 = vector.broadcast %mul3A : f32 to vector<16x128x128xf32>
    %mul3A_8 = arith.mulf %mul3A_7, %add3A_6 : vector<16x128x128xf32>
    %mul3A_9 = arith.constant 0.707106769 : f32
    %mul3A_10 = vector.broadcast %mul3A_9 : f32 to vector<16x128x128xf32>
    %mul3A_11 = arith.mulf %add3A_6, %mul3A_10 : vector<16x128x128xf32>
    %erf3A = math.erf %mul3A_11 : vector<16x128x128xf32>
    %add3A_12 = arith.constant 1.000000e+00 : f32
    %add3A_13 = vector.broadcast %add3A_12 : f32 to vector<16x128x128xf32>
    %add3A_14 = arith.addf %add3A_13, %erf3A : vector<16x128x128xf32>
    %mul3A_15 = arith.mulf %mul3A_8, %add3A_14 : vector<16x128x128xf32>
    %reshape3A = vector.shape_cast %mul3A_15 : vector<16x128x128xf32> to vector<2048x128xf32>
    %get3A_16 = arith.constant 0 : index
    %get3A_17 = arith.constant 0 : index
    %get3A_18 = vector.load %arg3[%get3A_16, %get3A_17] : memref<128x128xf32, #tpu.memory_space<vmem>>, vector<128x128xf32>
    %dot_general3A = arith.constant dense<0.000000e+00> : vector<2048x128xf32>
    %dot_general3A_19 = tpu.matmul %reshape3A, %get3A_18, %dot_general3A {dimension_numbers = #tpu.dot_dimension_numbers<[1], [0], [0], [1], [0, 0, 1, 1], [], []>, transpose_lhs_hint = false} : vector<2048x128xf32>, vector<128x128xf32>, vector<2048x128xf32> -> vector<2048x128xf32>
    %get3A_20 = arith.constant 0 : index
    %get3A_21 = arith.constant 0 : index
    %get3A_22 = vector.load %arg4[%get3A_20, %get3A_21] : memref<1x128xf32, #tpu.memory_space<vmem>>, vector<1x128xf32>
    %add3A_23 = vector.broadcast %get3A_22 : vector<1x128xf32> to vector<2048x128xf32>
    %add3A_24 = arith.addf %dot_general3A_19, %add3A_23 : vector<2048x128xf32>
    %reshape3A_25 = vector.shape_cast %add3A_24 : vector<2048x128xf32> to vector<16x128x128xf32>
    %reduce_max3A = arith.constant dense<0xFF800000> : vector<128x128xf32>
    %reduce_max3A_26 = vector.multi_reduction <maximumf>, %reshape3A_25, %reduce_max3A [0] : vector<16x128x128xf32> to vector<128x128xf32>
    %reduce_min3A = arith.constant dense<0x7F800000> : vector<128x128xf32>
    %reduce_min3A_27 = vector.multi_reduction <minimumf>, %reshape3A_25, %reduce_min3A [0] : vector<16x128x128xf32> to vector<128x128xf32>
    %mul3A_28 = arith.constant 5.000000e-01 : f32
    %mul3A_29 = vector.broadcast %mul3A_28 : f32 to vector<128x128xf32>
    %mul3A_30 = arith.mulf %mul3A_29, %reduce_max3A_26 : vector<128x128xf32>
    %mul3A_31 = arith.constant 0.707106769 : f32
    %mul3A_32 = vector.broadcast %mul3A_31 : f32 to vector<128x128xf32>
    %mul3A_33 = arith.mulf %reduce_max3A_26, %mul3A_32 : vector<128x128xf32>
    %erf3A_34 = math.erf %mul3A_33 : vector<128x128xf32>
    %add3A_35 = arith.constant 1.000000e+00 : f32
    %add3A_36 = vector.broadcast %add3A_35 : f32 to vector<128x128xf32>
    %add3A_37 = arith.addf %add3A_36, %erf3A_34 : vector<128x128xf32>
    %mul3A_38 = arith.mulf %mul3A_30, %add3A_37 : vector<128x128xf32>
    %mul3A_39 = arith.constant 5.000000e-01 : f32
    %mul3A_40 = vector.broadcast %mul3A_39 : f32 to vector<128x128xf32>
    %mul3A_41 = arith.mulf %mul3A_40, %reduce_min3A_27 : vector<128x128xf32>
    %mul3A_42 = arith.constant 0.707106769 : f32
    %mul3A_43 = vector.broadcast %mul3A_42 : f32 to vector<128x128xf32>
    %mul3A_44 = arith.mulf %reduce_min3A_27, %mul3A_43 : vector<128x128xf32>
    %erf3A_45 = math.erf %mul3A_44 : vector<128x128xf32>
    %add3A_46 = arith.constant 1.000000e+00 : f32
    %add3A_47 = vector.broadcast %add3A_46 : f32 to vector<128x128xf32>
    %add3A_48 = arith.addf %add3A_47, %erf3A_45 : vector<128x128xf32>
    %mul3A_49 = arith.mulf %mul3A_41, %add3A_48 : vector<128x128xf32>
    %max3A = arith.maximumf %mul3A_38, %mul3A_49 : vector<128x128xf32>
    %swap3A = arith.constant 0 : index
    %swap3A_50 = arith.constant 0 : index
    %swap3A_51 = vector.load %arg5[%swap3A, %swap3A_50] : memref<128x128xf32, #tpu.memory_space<vmem>>, vector<128x128xf32>
    tpu.vector_store %arg5[%swap3A, %swap3A_50], %max3A {strides = array<i32>} : memref<128x128xf32, #tpu.memory_space<vmem>>, vector<128x128xf32>,
    return
  }
  func.func @transform_0(%arg0: i32) -> (i32, i32, i32) {
    %c0_i32 = arith.constant 0 : i32
    %c0_i32_0 = arith.constant 0 : i32
    %c0_i32_1 = arith.constant 0 : i32
    return %c0_i32, %arg0, %c0_i32_0 : i32, i32, i32
  }
  func.func @transform_1(%arg0: i32) -> (i32, i32) {
    %c0_i32 = arith.constant 0 : i32
    %c0_i32_0 = arith.constant 0 : i32
    return %arg0, %c0_i32 : i32, i32
  }
  func.func @transform_2(%arg0: i32) -> (i32, i32) {
    %c0_i32 = arith.constant 0 : i32
    %c0_i32_0 = arith.constant 0 : i32
    %c0_i32_1 = arith.constant 0 : i32
    return %c0_i32, %c0_i32_0 : i32, i32
  }
  func.func @transform_3(%arg0: i32) -> (i32, i32) {
    %c0_i32 = arith.constant 0 : i32
    %c0_i32_0 = arith.constant 0 : i32
    %c0_i32_1 = arith.constant 0 : i32
    return %c0_i32, %c0_i32_0 : i32, i32
  }
  func.func @transform_4(%arg0: i32) -> (i32, i32) {
    %c0_i32 = arith.constant 0 : i32
    %c0_i32_0 = arith.constant 0 : i32
    return %arg0, %c0_i32 : i32, i32
  }
}

</mosaic_0001>

<sc_bundles>
// kernel: kernel.15.cloned.1.call-start
scs
__scs_entry_jumppad:
0x0: {  	(pc) =	sbr.rel $0x88, $3  }
0x1: {  	(tag) =	ssettag $0x0;
	lr =	simm.s32 $0x1  }
0x2: {  	[smem:$0x3F9B] =	sst lr;
	_ =	strace $0xD0000000  }
0x3: {  	_ = 	snop  }
0x4: {  	_ = 	snop  }
0x5: {  	_ = 	snop  }
0x6: {  	_ = 	snop  }
0x7: {  	_ = 	snop  }
__scs_overlays_trampoline_lowered:
0x8: {  	[smem:$0x3FAA] =	sst s0  }
0x9: {  	[smem:$0x3FAB] =	sst s1  }
0xa: {  	[smem:$0x3FAC] =	sst s2  }
0xb: {  	[smem:$0x3FAD] =	sst s3  }
0xc: {  	[smem:$0x3FAE] =	sst s4  }
0xd: {  	[smem:$0x3FAF] =	sst s5  }
0xe: {  	[smem:$0x3FB0] =	sst s6  }
0xf: {  	[smem:$0x3FB1] =	sst s7  }
0x10: {  	[smem:$0x3FB2] =	sst s8  }
0x11: {  	[smem:$0x3FB3] =	sst s9;
	s0 =	simm.s32 @!p0 $0x0  }
0x12: {  	s1 =	sld [smem:$0x3F99];
	s0 =	simm.s32 @p0 $0x1  }
0x13: {  	[smem:$0x3FB4] =	sst s0;
	s0 =	simm.s32 @!p1 $0x0  }
0x14: {  	s2 =	sld [smem:$0x3F98];
	s0 =	simm.s32 @p1 $0x1  }
0x15: {  	[smem:$0x3FB5] =	sst s0;
	s0 =	simm.s32 @!p2 $0x0  }
0x16: {  	s3 =	sld [smem:$0x3FDB];
	s0 =	simm.s32 @p2 $0x1  }
0x17: {  	s4 =	simm.s32 $0x1BF5;
	[smem:$0x3FB7] =	sst s0  }
0x18: {  	s0 =	sld [smem:$0x3F9A];
	_ =	swait.ge [sflag:s4], $0x0  }
0x19: {  	s7 =	sld [smem:$0x3F9B]  }
0x1a: {  	s8 =	sadd.s32 $0xFFFFE003, lr  }
0x1b: {  	s9 =	sadd.s32 $0xFFFFFEF7, lr;
	s5 =	simm.s32 $0xFFFFFFFF;
	p2 =	slt.u32 s8, $0xFFFFF086  }
0x1c: {  	p1 =	slt.u32 s9, $0xF7A;
	s5 =	simm.s32 @!p2 $0x0  }
0x1d: {  	s5 =	simm.s32 @p1 $0x1;
	p0 =	seq.s32 s7, s2  }
0x1e: {  	s7 =	smul.u32 @!p0 $0xF7A, s2;
	p2 =	seq.s32 @!p0 s5, $0x0  }
0x1f: {  	s9 =	smul.u32 $0xF7A, s1;
	s8 =	simm.s32 @!p0 $0x1BF5;
	p2 =	por !p2, p0  }
0x20: {  	[sflag:s8] =	ssyncset.s32 @!p0 $0xFFFFF086;
	s6 =	sadd.s32 @!p0 s3, s7;
	s7 =	simm.s32 @!p0 $0x108  }
0x21: {  	s3 =	sadd.s32 s3, s9;
	s6 =	sadd.s32 @!p0 $0x88, s6;
	s7 =	simm.s32 @p2 $0x1082  }
0x22: {  	[simem:s7], [sflag:s8] =	dma.local @!p0 [hbm:s6], $0xF7A  }
0x23: {  	s9 =	sor.u32 $0xD0000000, s2;
	s6 =	simm.s32 $0x108;
	_ =	swait.ge @!p0 [sflag:s8], $0x0  }
0x24: {  	s3 =	sadd.s32 $0x88, s3;
	s6 =	simm.s32 @!p1 $0x1082;
	[sflag:s4] =	ssyncset.s32 $0xFFFFF086  }
0x25: {  	[simem:s6], [sflag:s4] =	dma.local [hbm:s3], $0xF7A  }
0x26: {  	[smem:$0x3F9B] =	sst s1;
	(tag) =	ssettag s2;
	_ =	strace s9  }
0x27: {  	s1 =	sld [smem:$0x3FAB]  }
0x28: {  	s2 =	sld [smem:$0x3FAC]  }
0x29: {  	s4 =	sld [smem:$0x3FAE]  }
0x2a: {  	p0 =	seq.s32 s5, $0x0;
	s5 =	sld [smem:$0x3FAF]  }
0x2b: {  	s6 =	sld [smem:$0x3FB0]  }
0x2c: {  	s7 =	sld [smem:$0x3FB1]  }
0x2d: {  	s3 =	simm.s32 $0x108;
	s8 =	sld [smem:$0x3FB2]  }
0x2e: {  	s3 =	simm.s32 @!p0 $0x1082;
	s9 =	sld [smem:$0x3FB3]  }
0x2f: {  	lr =	sadd.s32 s0, s3;
	s0 =	sld [smem:$0x3FAA]  }
0x30: {  	s3 =	sld [smem:$0x3FAD]  }
0x31: {  	[smem:$0x3FB6] =	sst s10  }
0x32: {  	s10 =	sld [smem:$0x3FB4];
	_ =	sdelay $0x3  }
0x33: {  	p0 =	seq.s32 s10, $0x1;
	s10 =	sld [smem:$0x3FB6];
	_ =	sdelay $0x3  }
0x34: {  	[smem:$0x3FB6] =	sst s10  }
0x35: {  	s10 =	sld [smem:$0x3FB5];
	_ =	sdelay $0x3  }
0x36: {  	p1 =	seq.s32 s10, $0x1;
	s10 =	sld [smem:$0x3FB6];
	_ =	sdelay $0x3  }
0x37: {  	[smem:$0x3FB6] =	sst s10  }
0x38: {  	s10 =	sld [smem:$0x3FB7]  }
0x39: {  	_ = 	snop;
	(pc) =	sbr.ind lr, $3  }
0x3a: {  	_ = 	snop  }
0x3b: {  	_ = 	snop  }
0x3c: {  	p2 =	seq.s32 s10, $0x1;
	s10 =	sld [smem:$0x3FB6]  }
0x3d: {  	_ =	shalt  }
0x3e: {  	_ =	shalt  }
0x3f: {  	_ =	shalt  }
0x40: {  	_ =	shalt  }
0x41: {  	_ =	shalt  }
0x42: {  	_ =	shalt  }
0x43: {  	_ =	shalt  }
0x44: {  	_ =	shalt  }
0x45: {  	_ =	shalt  }
0x46: {  	_ =	shalt  }
0x47: {  	_ =	shalt  }
0x48: {  	_ =	shalt  }
0x49: {  	_ =	shalt  }
0x4a: {  	_ =	shalt  }
0x4b: {  	_ =	shalt  }
0x4c: {  	_ =	shalt  }
0x4d: {  	_ =	shalt  }
0x4e: {  	_ =	shalt  }
0x4f: {  	_ =	shalt  }
0x50: {  	_ =	shalt  }
0x51: {  	_ =	shalt  }
0x52: {  	_ =	shalt  }
0x53: {  	_ =	shalt  }
0x54: {  	_ =	shalt  }
0x55: {  	_ =	shalt  }
0x56: {  	_ =	shalt  }
0x57: {  	_ =	shalt  }
0x58: {  	_ =	shalt  }
0x59: {  	_ =	shalt  }
0x5a: {  	_ =	shalt  }
0x5b: {  	_ =	shalt  }
0x5c: {  	_ =	shalt  }
0x5d: {  	_ =	shalt  }
0x5e: {  	_ =	shalt  }
0x5f: {  	_ =	shalt  }
0x60: {  	_ =	shalt  }
0x61: {  	_ =	shalt  }
0x62: {  	_ =	shalt  }
0x63: {  	_ =	shalt  }
0x64: {  	_ =	shalt  }
0x65: {  	_ =	shalt  }
0x66: {  	_ =	shalt  }
0x67: {  	_ =	shalt  }
0x68: {  	_ =	shalt  }
0x69: {  	_ =	shalt  }
0x6a: {  	_ =	shalt  }
0x6b: {  	_ =	shalt  }
0x6c: {  	_ =	shalt  }
0x6d: {  	_ =	shalt  }
0x6e: {  	_ =	shalt  }
0x6f: {  	_ =	shalt  }
0x70: {  	_ =	shalt  }
0x71: {  	_ =	shalt  }
0x72: {  	_ =	shalt  }
0x73: {  	_ =	shalt  }
0x74: {  	_ =	shalt  }
0x75: {  	_ =	shalt  }
0x76: {  	_ =	shalt  }
0x77: {  	_ =	shalt  }
0x78: {  	_ =	shalt  }
0x79: {  	_ =	shalt  }
0x7a: {  	_ =	shalt  }
0x7b: {  	_ =	shalt  }
0x7c: {  	_ =	shalt  }
0x7d: {  	_ =	shalt  }
0x7e: {  	_ =	shalt  }
0x7f: {  	_ =	shalt  }
0x80: {  	_ =	shalt  }
0x81: {  	_ =	shalt  }
0x82: {  	_ =	shalt  }
0x83: {  	_ =	shalt  }
0x84: {  	_ =	shalt  }
0x85: {  	_ =	shalt  }
0x86: {  	_ =	shalt  }
0x87: {  	_ =	shalt  }
.Lfunc_end0:
.L_simem_size_0:
called_computation_lowered:
.L_overlay_start_0:
0x88: {  	s2 =	sld [smem:$0x3FD9]  }
0x89: {  	s3 =	sld [smem:$0x3FFE];
	_ =	sdelay $0x1  }
0x8a: {  	s1 =	srdreg.scid  }
0x8b: {  	s0 =	sand.u32 $0x1, s1  }
0x8c: {  	s17 =	sshll.u32 s0, $0xA;
	s2 =	sadd.s32 s3, s2  }
0x8d: {  	s2 =	sadd.s32 s2, s17  }
0x8e: {  	[smem:$0x3FC2] =	sst s2  }
0x8f: {  	_ = 	snop  }
0x90: {  	s18 =	sld [smem:$0x3FD0];
	(tm) =	ssettm $0x1  }
0x91: {  	s19 =	sld [smem:$0x3FFB];
	_ =	sdelay $0x3  }
0x92: {  	_ =	strace s19  }
0x93: {  	s2 =	sld [smem:$0x3FFC];
	_ =	sdelay $0x3  }
0x94: {  	_ =	strace s2  }
0x95: {  	s2 =	sld [smem:$0x3FFD];
	_ =	sdelay $0x3  }
0x96: {  	_ =	strace s2  }
0x97: {  	_ =	strace $0x8FFFFFFF  }
0x98: {  	s20 =	sld [smem:$0x3FDB];
	_ =	sdelay $0x1  }
0x99: {  	s4 =	simm.s32 $_scs_section_size  }
0x9a: {  	s5 =	simm.s32 $_size__tile_overlayer_lowered;
	s6 =	simm.s32 $_tile_overlayer_lowered  }
0x9b: {  	s7 =	simm.s32 $0x1BFF;
	s21 =	sshll.u32 s6, $0x1;
	s4 =	sadd.s32 s4, s20  }
0x9c: {  	s22 =	simm.s32 $0x0;
	s5 =	sshll.u32 s5, $0x1;
	s6 =	sadd.s32 s21, s4  }
0x9d: {  	[timem:s22], [sflag:s7] =	dma.local [hbm:s6], s5  }
0x9e: {  	_ =	swait.ge [sflag:s7], s5  }
0x9f: {  	s5 =	ssub.s32 $0x0, s5;
	[sflag:s7] =	ssyncset.done $0x0  }
0xa0: {  	[sflag:s7] =	ssyncadd.s32 s5;
	_ =	sdelay $0x1  }
0xa1: {  	s23 =	simm.s32 $0x1B8B  }
0xa2: {  	_ =	swait.ge [sflag:s23], $0x1  }
0xa3: {  	[sflag:s23] =	ssyncset.done $0x0  }
0xa4: {  	[sflag:s23] =	ssyncadd.s32 $0xFFFFFFFF  }
0xa5: {  	s5 =	sld [smem:$0x0]  }
0xa6: {  	s6 =	sand.u32 $0xFFFFFFFE, s1  }
0xa7: {  	p0 =	sne.s32 s1, s6  }
0xa8: {  	s6 =	sshll.u32 @p0 s6, $0xE  }
0xa9: {  	s6 =	sadd.s32 @p0 $0x11B8D, s6;
	s7 =	sshll.u32 @p0 s5, $0x11  }
0xaa: {  	s6 =	sor.u32 @p0 s7, s6  }
0xab: {  	[sflag:s6] =	ssyncadd.remote.s32 @p0 $0x1;
	_ =	sdelay $0x1  }
0xac: {  	s6 =	simm.s32 @p0 $0x1B8D  }
0xad: {  	_ =	swait.eq @p0 [sflag:s6], $0x1  }
0xae: {  	[sflag:s6] =	ssyncadd.s32 @p0 $0xFFFFFFFF  }
0xaf: {  	s7 =	sshll.u32 @!p0 s1, $0xE  }
0xb0: {  	s7 =	sor.u32 @!p0 $0x4000, s7;
	s6 =	simm.s32 @!p0 $0x1B8D  }
0xb1: {  	s5 =	sshll.u32 @!p0 s5, $0x11;
	s7 =	sadd.s32 @!p0 $0x11B8D, s7;
	_ =	swait.eq @!p0 [sflag:s6], $0x1  }
0xb2: {  	s5 =	sor.u32 @!p0 s5, s7;
	[sflag:s6] =	ssyncadd.s32 @!p0 $0xFFFFFFFF  }
0xb3: {  	s25 =	simm.s32 $0x1B8E;
	s24 =	sld [smem:$0x3FFE];
	[sflag:s5] =	ssyncadd.remote.s32 @!p0 $0x1  }
0xb4: {  	s26 =	simm.s32 $execute0_lowered;
	[smem:$0x3FD2] =	sst s25  }
0xb5: {  	s6 =	sshll.u32 s26, $0x1;
	_ =	strace $0x8000004F;
	[dreg:$0x1] =	wrdreg $0xFFFFFFFF  }
0xb6: {  	s28 =	simm.s32 $_size_execute0_lowered;
	s4 =	sadd.s32 s4, s6;
	[dreg:$0x0] =	wrdreg $0x0  }
0xb7: {  	s6 =	sshll.u32 s28, $0x1;
	[dreg:$0x2] =	wrdreg s4  }
0xb8: {  	[dreg:$0x3] =	wrdreg s6  }
0xb9: {  	[dreg:$0x4] =	wrdreg $0xC0  }
0xba: {  	_ =	task [dreg:s22], $0x5FFFF  }
0xbb: {  	[dreg:$0x1] =	wrdreg $0xFFFFFFFF  }
0xbc: {  	[dreg:$0x0] =	wrdreg $0x60  }
0xbd: {  	[dreg:$0x2] =	wrdreg s24  }
0xbe: {  	[dreg:$0x3] =	wrdreg s18  }
0xbf: {  	[dreg:$0x4] =	wrdreg $0x9  }
0xc0: {  	_ =	task.clear_ibuf [dreg:s22], $0x5FFFF;
	_ =	strace $0x9000004F  }
0xc1: {  	s29 =	simm.s32 $0x9;
	_ =	strace $0x80000051  }
0xc2: {  	_ =	swait.ge [sflag:s29], $0x1  }
0xc3: {  	[sflag:s29] =	ssyncadd.s32 $0xFFFFFFFF  }
0xc4: {  	_ =	strace $0x90000051  }
0xc5: {  	_ =	sfence  }
0xc6: {  	s30 =	sld [smem:$0x0];
	_ =	sdelay $0x2  }
0xc7: {  	s31 =	sshll.u32 s1, $0xD;
	s1 =	sshrl.u32 s1, $0x2  }
0xc8: {  	s4 =	sand.u32 $0x4000, s31;
	s1 =	sadd.s32 s1, s30  }
0xc9: {  	s0 =	sor.u32 s4, s0;
	s1 =	sshll.u32 s1, $0x11  }
0xca: {  	s0 =	sor.u32 s1, s0  }
0xcb: {  	s0 =	sadd.s32 $0x8F2B, s0  }
0xcc: {  	[sflag:s0] =	ssyncadd.remote.s32 $0x1  }
0xcd: {  	_ =	sfence.sel $0xFFFF  }
0xce: {  	[dreg:$0x0] =	wrdreg $0xFFFFFFFF;
	(pc) =	sbr.abs _section_cstart, $3  }
0xcf: {  	[dreg:$0x1] =	wrdreg $0xFFFFFFFF  }
0xd0: {  	_ =	task.clear_ibuf [dreg:s22], $0x2FFFF;
	_ =	strace $0x9FFFFFFF  }
0xd1: {  	(tm) =	ssettm $0x7FFFFFFF  }
tec
execute0_lowered:
.L_overlay_start_1:
0x0: {  	(tag) =	ssettag $0x1  }
0x1: {  	s1 =	srdreg.scid  }
0x2: {  	s0 =	stileid.u32;
	s21 =	sand.u32 $0x1, s1  }
0x3: {  	s9 =	rddreg [dreg:$0x0];
	s31 =	sshll.u32 s0, $0x4;
	s3 =	sshll.u32 s21, $0x3  }
0x4: {  	s2 =	rddreg [dreg:$0x1];
	s10 =	sor.u32 s3, s31  }
0x5: {  	s1 =	rddreg [dreg:$0x2];
	s3 =	simm.s32 $0x0;
	s4 =	sshll.u32 s10, $0x4  }
0x6: {  	[smem:$0x7FF] =	sst s3;
	s4 =	sadd.s32 s4, s9  }
0x7: {  	_ =	strace $0x80000050;
	s5 =	sadd.s32 $0x185A00, s4;
	s4 =	simm.s32 $0x2  }
0x8: {  	[tilespmem:s3], [sflag:$0x2] =	stream.linear.gather [hbm4b:s5+s3], $0x400, $0x38;
	[tilespmem:$0x4400] =	vst v63  }
0x9: {  	_ =	swait.ge [sflag:s4], $0x400  }
0xa: {  	s6 =	simm.s32 $0x80;
	[sflag:s4] =	ssyncset.done $0x0  }
0xb: {  	s7 =	simm.s32 $0x400;
	s8 =	simm.s32 $0x1;
	[sflag:s4] =	ssyncadd.s32 $0xFFFFFC00  }
0xc: {  	[tilespmem:s7], [sflag:$0x1] =	stream.indirect.gather [hbm4b:s2+s6], $0x80, s3, s6, $0xb8;
	[tilespmem:$0x4400] =	vst v63  }
0xd: {  	s10 =	sshll.u32 s10, $0xB;
	_ =	swait.ge [sflag:s8], $0x4000  }
0xe: {  	s22 =	sadd.s32 s10, s9;
	[sflag:s8] =	ssyncset.done $0x0  }
0xf: {  	s9 =	sadd.s32 $0x186A00, s22;
	[sflag:s8] =	ssyncadd.s32 $0xFFFFC000  }
0x10: {  	[hbm4b:s9+s3] =	stream.linear.scatter [tilespmem:s7], [sflag:$0x2], $0x4000, $0x38;
	[tilespmem:$0x4400] =	vst v63  }
0x11: {  	_ =	swait.ge [sflag:s4], $0x4000  }
0x12: {  	[sflag:s4] =	ssyncset.done $0x0  }
0x13: {  	[sflag:s4] =	ssyncadd.s32 $0xFFFFC000  }
0x14: {  	[tilespmem:s7], [sflag:$0x1] =	stream.indirect.gather [hbm4b:s2+s6], $0x80, s6, s6, $0xb8;
	[tilespmem:$0x4400] =	vst v63  }
0x15: {  	_ =	swait.ge [sflag:s8], $0x4000  }
0x16: {  	[sflag:s8] =	ssyncset.done $0x0  }
0x17: {  	s10 =	sadd.s32 $0x187200, s22;
	[sflag:s8] =	ssyncadd.s32 $0xFFFFC000  }
0x18: {  	[hbm4b:s10+s3] =	stream.linear.scatter [tilespmem:s7], [sflag:$0x2], $0x4000, $0x38;
	[tilespmem:$0x4400] =	vst v63  }
0x19: {  	_ =	swait.ge [sflag:s4], $0x4000  }
0x1a: {  	[sflag:s4] =	ssyncset.done $0x0  }
0x1b: {  	s11 =	simm.s32 $0x100;
	[sflag:s4] =	ssyncadd.s32 $0xFFFFC000  }
0x1c: {  	[tilespmem:s7], [sflag:$0x1] =	stream.indirect.gather [hbm4b:s2+s6], $0x80, s11, s6, $0xb8;
	[tilespmem:$0x4400] =	vst v63  }
0x1d: {  	_ =	swait.ge [sflag:s8], $0x4000  }
0x1e: {  	[sflag:s8] =	ssyncset.done $0x0  }
0x1f: {  	s12 =	sadd.s32 $0x187A00, s22;
	[sflag:s8] =	ssyncadd.s32 $0xFFFFC000  }
0x20: {  	[hbm4b:s12+s3] =	stream.linear.scatter [tilespmem:s7], [sflag:$0x2], $0x4000, $0x38;
	[tilespmem:$0x4400] =	vst v63  }
0x21: {  	_ =	swait.ge [sflag:s4], $0x4000  }
0x22: {  	[sflag:s4] =	ssyncset.done $0x0  }
0x23: {  	s13 =	simm.s32 $0x180;
	[sflag:s4] =	ssyncadd.s32 $0xFFFFC000  }
0x24: {  	[tilespmem:s7], [sflag:$0x1] =	stream.indirect.gather [hbm4b:s2+s6], $0x80, s13, s6, $0xb8;
	[tilespmem:$0x4400] =	vst v63  }
0x25: {  	_ =	swait.ge [sflag:s8], $0x4000  }
0x26: {  	[sflag:s8] =	ssyncset.done $0x0  }
0x27: {  	s14 =	sadd.s32 $0x188200, s22;
	[sflag:s8] =	ssyncadd.s32 $0xFFFFC000  }
0x28: {  	[hbm4b:s14+s3] =	stream.linear.scatter [tilespmem:s7], [sflag:$0x2], $0x4000, $0x38;
	[tilespmem:$0x4400] =	vst v63  }
0x29: {  	_ =	swait.ge [sflag:s4], $0x4000  }
0x2a: {  	[sflag:s4] =	ssyncset.done $0x0  }
0x2b: {  	s15 =	simm.s32 $0x200;
	[sflag:s4] =	ssyncadd.s32 $0xFFFFC000  }
0x2c: {  	[tilespmem:s7], [sflag:$0x1] =	stream.indirect.gather [hbm4b:s2+s6], $0x80, s15, s6, $0xb8;
	[tilespmem:$0x4400] =	vst v63  }
0x2d: {  	_ =	swait.ge [sflag:s8], $0x4000  }
0x2e: {  	[sflag:s8] =	ssyncset.done $0x0  }
0x2f: {  	s16 =	sadd.s32 $0x188A00, s22;
	[sflag:s8] =	ssyncadd.s32 $0xFFFFC000  }
0x30: {  	[hbm4b:s16+s3] =	stream.linear.scatter [tilespmem:s7], [sflag:$0x2], $0x4000, $0x38;
	[tilespmem:$0x4400] =	vst v63  }
0x31: {  	_ =	swait.ge [sflag:s4], $0x4000  }
0x32: {  	[sflag:s4] =	ssyncset.done $0x0  }
0x33: {  	s17 =	simm.s32 $0x280;
	[sflag:s4] =	ssyncadd.s32 $0xFFFFC000  }
0x34: {  	[tilespmem:s7], [sflag:$0x1] =	stream.indirect.gather [hbm4b:s2+s6], $0x80, s17, s6, $0xb8;
	[tilespmem:$0x4400] =	vst v63  }
0x35: {  	_ =	swait.ge [sflag:s8], $0x4000  }
0x36: {  	[sflag:s8] =	ssyncset.done $0x0  }
0x37: {  	s18 =	sadd.s32 $0x189200, s22;
	[sflag:s8] =	ssyncadd.s32 $0xFFFFC000  }
0x38: {  	[hbm4b:s18+s3] =	stream.linear.scatter [tilespmem:s7], [sflag:$0x2], $0x4000, $0x38;
	[tilespmem:$0x4400] =	vst v63  }
0x39: {  	_ =	swait.ge [sflag:s4], $0x4000  }
0x3a: {  	[sflag:s4] =	ssyncset.done $0x0  }
0x3b: {  	s19 =	simm.s32 $0x300;
	[sflag:s4] =	ssyncadd.s32 $0xFFFFC000  }
0x3c: {  	[tilespmem:s7], [sflag:$0x1] =	stream.indirect.gather [hbm4b:s2+s6], $0x80, s19, s6, $0xb8;
	[tilespmem:$0x4400] =	vst v63  }
0x3d: {  	_ =	swait.ge [sflag:s8], $0x4000  }
0x3e: {  	[sflag:s8] =	ssyncset.done $0x0  }
0x3f: {  	s23 =	ssub.s32 $0x2, s21;
	s20 =	sadd.s32 $0x189A00, s22;
	[sflag:s8] =	ssyncadd.s32 $0xFFFFC000  }
0x40: {  	[hbm4b:s20+s3] =	stream.linear.scatter [tilespmem:s7], [sflag:$0x2], $0x4000, $0x38;
	[tilespmem:$0x4400] =	vst v63  }
0x41: {  	s24 =	sshrl.u32 s23, $0x1;
	_ =	swait.ge [sflag:s4], $0x4000  }
0x42: {  	s23 =	ssub.s32 s23, s24;
	[sflag:s4] =	ssyncset.done $0x0  }
0x43: {  	s21 =	simm.s32 $0x380;
	s23 =	smax.u32 s23, $0x1;
	[sflag:s4] =	ssyncadd.s32 $0xFFFFC000  }
0x44: {  	[tilespmem:s7], [sflag:$0x1] =	stream.indirect.gather [hbm4b:s2+s6], $0x80, s21, s6, $0xb8;
	[tilespmem:$0x4400] =	vst v63  }
0x45: {  	p0 =	sne.s32 s23, $0x1;
	_ =	swait.ge [sflag:s8], $0x4000  }
.Ltmp0:
0x46: {  	[sflag:s8] =	ssyncset.done $0x0;
	(pc) =	sbr.rel @!p0 .LBB2_2-.Ltmp0, $4  }
0x47: {  	s22 =	sadd.s32 $0x18A200, s22;
	[sflag:s8] =	ssyncadd.s32 $0xFFFFC000  }
0x48: {  	[hbm4b:s22+s3] =	stream.linear.scatter [tilespmem:s7], [sflag:$0x2], $0x4000, $0x38;
	[tilespmem:$0x4400] =	vst v63  }
0x49: {  	_ =	swait.ge [sflag:s4], $0x4000  }
0x4a: {  	s23 =	sadd.s32 $0xFFFFFFFF, s23;
	[sflag:s4] =	ssyncset.done $0x0  }
.LBB2_1:
0x4b: {  	p0 =	sne.s32 s23, $0x1;
	s23 =	sadd.s32 $0xFFFFFFFF, s23;
	[sflag:s4] =	ssyncadd.s32 $0xFFFFC000  }
0x4c: {  	[tilespmem:s3], [sflag:$0x2] =	stream.linear.gather [hbm4b:s5+s3], $0x400, $0x38;
	[tilespmem:$0x4400] =	vst v63  }
0x4d: {  	_ =	swait.ge [sflag:s4], $0x400  }
0x4e: {  	[sflag:s4] =	ssyncset.done $0x0  }
0x4f: {  	[sflag:s4] =	ssyncadd.s32 $0xFFFFFC00  }
0x50: {  	[tilespmem:s7], [sflag:$0x1] =	stream.indirect.gather [hbm4b:s2+s6], $0x80, s3, s6, $0xb8;
	[tilespmem:$0x4400] =	vst v63  }
0x51: {  	_ =	swait.ge [sflag:s8], $0x4000  }
0x52: {  	[sflag:s8] =	ssyncset.done $0x0  }
0x53: {  	[sflag:s8] =	ssyncadd.s32 $0xFFFFC000  }
0x54: {  	[hbm4b:s9+s3] =	stream.linear.scatter [tilespmem:s7], [sflag:$0x2], $0x4000, $0x38;
	[tilespmem:$0x4400] =	vst v63  }
0x55: {  	_ =	swait.ge [sflag:s4], $0x4000  }
0x56: {  	[sflag:s4] =	ssyncset.done $0x0  }
0x57: {  	[sflag:s4] =	ssyncadd.s32 $0xFFFFC000  }
0x58: {  	[tilespmem:s7], [sflag:$0x1] =	stream.indirect.gather [hbm4b:s2+s6], $0x80, s6, s6, $0xb8;
	[tilespmem:$0x4400] =	vst v63  }
0x59: {  	_ =	swait.ge [sflag:s8], $0x4000  }
0x5a: {  	[sflag:s8] =	ssyncset.done $0x0  }
0x5b: {  	[sflag:s8] =	ssyncadd.s32 $0xFFFFC000  }
0x5c: {  	[hbm4b:s10+s3] =	stream.linear.scatter [tilespmem:s7], [sflag:$0x2], $0x4000, $0x38;
	[tilespmem:$0x4400] =	vst v63  }
0x5d: {  	_ =	swait.ge [sflag:s4], $0x4000  }
0x5e: {  	[sflag:s4] =	ssyncset.done $0x0  }
0x5f: {  	[sflag:s4] =	ssyncadd.s32 $0xFFFFC000  }
0x60: {  	[tilespmem:s7], [sflag:$0x1] =	stream.indirect.gather [hbm4b:s2+s6], $0x80, s11, s6, $0xb8;
	[tilespmem:$0x4400] =	vst v63  }
0x61: {  	_ =	swait.ge [sflag:s8], $0x4000  }
0x62: {  	[sflag:s8] =	ssyncset.done $0x0  }
0x63: {  	[sflag:s8] =	ssyncadd.s32 $0xFFFFC000  }
0x64: {  	[hbm4b:s12+s3] =	stream.linear.scatter [tilespmem:s7], [sflag:$0x2], $0x4000, $0x38;
	[tilespmem:$0x4400] =	vst v63  }
0x65: {  	_ =	swait.ge [sflag:s4], $0x4000  }
0x66: {  	[sflag:s4] =	ssyncset.done $0x0  }
0x67: {  	[sflag:s4] =	ssyncadd.s32 $0xFFFFC000  }
0x68: {  	[tilespmem:s7], [sflag:$0x1] =	stream.indirect.gather [hbm4b:s2+s6], $0x80, s13, s6, $0xb8;
	[tilespmem:$0x4400] =	vst v63  }
0x69: {  	_ =	swait.ge [sflag:s8], $0x4000  }
0x6a: {  	[sflag:s8] =	ssyncset.done $0x0  }
0x6b: {  	[sflag:s8] =	ssyncadd.s32 $0xFFFFC000  }
0x6c: {  	[hbm4b:s14+s3] =	stream.linear.scatter [tilespmem:s7], [sflag:$0x2], $0x4000, $0x38;
	[tilespmem:$0x4400] =	vst v63  }
0x6d: {  	_ =	swait.ge [sflag:s4], $0x4000  }
0x6e: {  	[sflag:s4] =	ssyncset.done $0x0  }
0x6f: {  	[sflag:s4] =	ssyncadd.s32 $0xFFFFC000  }
0x70: {  	[tilespmem:s7], [sflag:$0x1] =	stream.indirect.gather [hbm4b:s2+s6], $0x80, s15, s6, $0xb8;
	[tilespmem:$0x4400] =	vst v63  }
0x71: {  	_ =	swait.ge [sflag:s8], $0x4000  }
0x72: {  	[sflag:s8] =	ssyncset.done $0x0  }
0x73: {  	[sflag:s8] =	ssyncadd.s32 $0xFFFFC000  }
0x74: {  	[hbm4b:s16+s3] =	stream.linear.scatter [tilespmem:s7], [sflag:$0x2], $0x4000, $0x38;
	[tilespmem:$0x4400] =	vst v63  }
0x75: {  	_ =	swait.ge [sflag:s4], $0x4000  }
0x76: {  	[sflag:s4] =	ssyncset.done $0x0  }
0x77: {  	[sflag:s4] =	ssyncadd.s32 $0xFFFFC000  }
0x78: {  	[tilespmem:s7], [sflag:$0x1] =	stream.indirect.gather [hbm4b:s2+s6], $0x80, s17, s6, $0xb8;
	[tilespmem:$0x4400] =	vst v63  }
0x79: {  	_ =	swait.ge [sflag:s8], $0x4000  }
0x7a: {  	[sflag:s8] =	ssyncset.done $0x0  }
0x7b: {  	[sflag:s8] =	ssyncadd.s32 $0xFFFFC000  }
0x7c: {  	[hbm4b:s18+s3] =	stream.linear.scatter [tilespmem:s7], [sflag:$0x2], $0x4000, $0x38;
	[tilespmem:$0x4400] =	vst v63  }
0x7d: {  	_ =	swait.ge [sflag:s4], $0x4000  }
0x7e: {  	[sflag:s4] =	ssyncset.done $0x0  }
0x7f: {  	[sflag:s4] =	ssyncadd.s32 $0xFFFFC000  }
0x80: {  	[tilespmem:s7], [sflag:$0x1] =	stream.indirect.gather [hbm4b:s2+s6], $0x80, s19, s6, $0xb8;
	[tilespmem:$0x4400] =	vst v63  }
0x81: {  	_ =	swait.ge [sflag:s8], $0x4000  }
0x82: {  	[sflag:s8] =	ssyncset.done $0x0  }
0x83: {  	[sflag:s8] =	ssyncadd.s32 $0xFFFFC000  }
0x84: {  	[hbm4b:s20+s3] =	stream.linear.scatter [tilespmem:s7], [sflag:$0x2], $0x4000, $0x38;
	[tilespmem:$0x4400] =	vst v63  }
0x85: {  	_ =	swait.ge [sflag:s4], $0x4000  }
0x86: {  	[sflag:s4] =	ssyncset.done $0x0  }
0x87: {  	[sflag:s4] =	ssyncadd.s32 $0xFFFFC000  }
0x88: {  	[tilespmem:s7], [sflag:$0x1] =	stream.indirect.gather [hbm4b:s2+s6], $0x80, s21, s6, $0xb8;
	[tilespmem:$0x4400] =	vst v63  }
0x89: {  	_ =	swait.ge [sflag:s8], $0x4000  }
.Ltmp1:
0x8a: {  	[sflag:s8] =	ssyncset.done $0x0;
	(pc) =	sbr.rel @p0 .LBB2_1-.Ltmp1, $4  }
0x8b: {  	[sflag:s8] =	ssyncadd.s32 $0xFFFFC000  }
0x8c: {  	[hbm4b:s22+s3] =	stream.linear.scatter [tilespmem:s7], [sflag:$0x2], $0x4000, $0x38;
	[tilespmem:$0x4400] =	vst v63  }
0x8d: {  	_ =	swait.ge [sflag:s4], $0x4000  }
0x8e: {  	[sflag:s4] =	ssyncset.done $0x0  }
.LBB2_2:
0x8f: {  	[sflag:s4] =	ssyncadd.s32 $0xFFFFC000  }
0x90: {  	_ =	sfence.sel $0x180000  }
0x91: {  	[bflag:$0x0] =	sbarrier.arrive $0xFFFF  }
0x92: {  	p0 =	sne.s32 s0, $0x0;
	_ =	strace $0x90000050  }
0x93: {  	s0 =	sadd.s32 @!p0 $0x100000, s1;
	[bflag:$0x2] =	sbarrier.arrive $0xFFFF  }
0x94: {  	[sflag:s0] =	ssyncadd.tile.s32 @!p0 $0x1;
	_ =	shalt  }
.Lfunc_end2:
_tile_overlayer_lowered:
.L_overlay_start_2:
0x95: {  	(tag) =	ssettag $0x2  }
0x96: {  	s0 =	rddreg [dreg:$0x0];
	s2 =	stileid.u32  }
0x97: {  	s1 =	rddreg [dreg:$0x1];
	p0 =	sne.s32 s2, $0x0  }
0x98: {  	s3 =	rddreg [dreg:$0x2];
	[bflag:$0x3] =	sbarrier.arrive $0xFFFF;
	s2 =	simm.s32 @!p0 $0x1C02  }
0x99: {  	[timem:s3], [sflag:s2] =	dma.local @!p0 [hbm:s0], s1  }
0x9a: {  	s0 =	simm.s32 @!p0 $0x2  }
0x9b: {  	_ =	swait.ge @!p0 [sflag:s0], s1  }
0x9c: {  	s1 =	ssub.s32 @!p0 $0x0, s1;
	[sflag:s0] =	ssyncset.done @!p0 $0x0  }
0x9d: {  	[sflag:s0] =	ssyncadd.s32 @!p0 s1  }
0x9e: {  	[bflag:$0x3] =	sbarrier.arrive $0xFFFF  }
0x9f: {  	_ =	shalt  }

// kernel: kernel.18.cloned.1.call-start
scs
__scs_entry_jumppad:
0x0: {  	(pc) =	sbr.rel $0x88, $3  }
0x1: {  	(tag) =	ssettag $0x0;
	lr =	simm.s32 $0x1  }
0x2: {  	[smem:$0x3F9B] =	sst lr;
	_ =	strace $0xD0000000  }
0x3: {  	_ = 	snop  }
0x4: {  	_ = 	snop  }
0x5: {  	_ = 	snop  }
0x6: {  	_ = 	snop  }
0x7: {  	_ = 	snop  }
__scs_overlays_trampoline_lowered:
0x8: {  	[smem:$0x3FAA] =	sst s0  }
0x9: {  	[smem:$0x3FAB] =	sst s1  }
0xa: {  	[smem:$0x3FAC] =	sst s2  }
0xb: {  	[smem:$0x3FAD] =	sst s3  }
0xc: {  	[smem:$0x3FAE] =	sst s4  }
0xd: {  	[smem:$0x3FAF] =	sst s5  }
0xe: {  	[smem:$0x3FB0] =	sst s6  }
0xf: {  	[smem:$0x3FB1] =	sst s7  }
0x10: {  	[smem:$0x3FB2] =	sst s8  }
0x11: {  	[smem:$0x3FB3] =	sst s9;
	s0 =	simm.s32 @!p0 $0x0  }
0x12: {  	s1 =	sld [smem:$0x3F99];
	s0 =	simm.s32 @p0 $0x1  }
0x13: {  	[smem:$0x3FB4] =	sst s0;
	s0 =	simm.s32 @!p1 $0x0  }
0x14: {  	s2 =	sld [smem:$0x3F98];
	s0 =	simm.s32 @p1 $0x1  }
0x15: {  	[smem:$0x3FB5] =	sst s0;
	s0 =	simm.s32 @!p2 $0x0  }
0x16: {  	s3 =	sld [smem:$0x3FDB];
	s0 =	simm.s32 @p2 $0x1  }
0x17: {  	s4 =	simm.s32 $0x1BF5;
	[smem:$0x3FB7] =	sst s0  }
0x18: {  	s0 =	sld [smem:$0x3F9A];
	_ =	swait.ge [sflag:s4], $0x0  }
0x19: {  	s7 =	sld [smem:$0x3F9B]  }
0x1a: {  	s8 =	sadd.s32 $0xFFFFE003, lr  }
0x1b: {  	s9 =	sadd.s32 $0xFFFFFEF7, lr;
	s5 =	simm.s32 $0xFFFFFFFF;
	p2 =	slt.u32 s8, $0xFFFFF086  }
0x1c: {  	p1 =	slt.u32 s9, $0xF7A;
	s5 =	simm.s32 @!p2 $0x0  }
0x1d: {  	s5 =	simm.s32 @p1 $0x1;
	p0 =	seq.s32 s7, s2  }
0x1e: {  	s7 =	smul.u32 @!p0 $0xF7A, s2;
	p2 =	seq.s32 @!p0 s5, $0x0  }
0x1f: {  	s9 =	smul.u32 $0xF7A, s1;
	s8 =	simm.s32 @!p0 $0x1BF5;
	p2 =	por !p2, p0  }
0x20: {  	[sflag:s8] =	ssyncset.s32 @!p0 $0xFFFFF086;
	s6 =	sadd.s32 @!p0 s3, s7;
	s7 =	simm.s32 @!p0 $0x108  }
0x21: {  	s3 =	sadd.s32 s3, s9;
	s6 =	sadd.s32 @!p0 $0x88, s6;
	s7 =	simm.s32 @p2 $0x1082  }
0x22: {  	[simem:s7], [sflag:s8] =	dma.local @!p0 [hbm:s6], $0xF7A  }
0x23: {  	s9 =	sor.u32 $0xD0000000, s2;
	s6 =	simm.s32 $0x108;
	_ =	swait.ge @!p0 [sflag:s8], $0x0  }
0x24: {  	s3 =	sadd.s32 $0x88, s3;
	s6 =	simm.s32 @!p1 $0x1082;
	[sflag:s4] =	ssyncset.s32 $0xFFFFF086  }
0x25: {  	[simem:s6], [sflag:s4] =	dma.local [hbm:s3], $0xF7A  }
0x26: {  	[smem:$0x3F9B] =	sst s1;
	(tag) =	ssettag s2;
	_ =	strace s9  }
0x27: {  	s1 =	sld [smem:$0x3FAB]  }
0x28: {  	s2 =	sld [smem:$0x3FAC]  }
0x29: {  	s4 =	sld [smem:$0x3FAE]  }
0x2a: {  	p0 =	seq.s32 s5, $0x0;
	s5 =	sld [smem:$0x3FAF]  }
0x2b: {  	s6 =	sld [smem:$0x3FB0]  }
0x2c: {  	s7 =	sld [smem:$0x3FB1]  }
0x2d: {  	s3 =	simm.s32 $0x108;
	s8 =	sld [smem:$0x3FB2]  }
0x2e: {  	s3 =	simm.s32 @!p0 $0x1082;
	s9 =	sld [smem:$0x3FB3]  }
0x2f: {  	lr =	sadd.s32 s0, s3;
	s0 =	sld [smem:$0x3FAA]  }
0x30: {  	s3 =	sld [smem:$0x3FAD]  }
0x31: {  	[smem:$0x3FB6] =	sst s10  }
0x32: {  	s10 =	sld [smem:$0x3FB4];
	_ =	sdelay $0x3  }
0x33: {  	p0 =	seq.s32 s10, $0x1;
	s10 =	sld [smem:$0x3FB6];
	_ =	sdelay $0x3  }
0x34: {  	[smem:$0x3FB6] =	sst s10  }
0x35: {  	s10 =	sld [smem:$0x3FB5];
	_ =	sdelay $0x3  }
0x36: {  	p1 =	seq.s32 s10, $0x1;
	s10 =	sld [smem:$0x3FB6];
	_ =	sdelay $0x3  }
0x37: {  	[smem:$0x3FB6] =	sst s10  }
0x38: {  	s10 =	sld [smem:$0x3FB7]  }
0x39: {  	_ = 	snop;
	(pc) =	sbr.ind lr, $3  }
0x3a: {  	_ = 	snop  }
0x3b: {  	_ = 	snop  }
0x3c: {  	p2 =	seq.s32 s10, $0x1;
	s10 =	sld [smem:$0x3FB6]  }
0x3d: {  	_ =	shalt  }
0x3e: {  	_ =	shalt  }
0x3f: {  	_ =	shalt  }
0x40: {  	_ =	shalt  }
0x41: {  	_ =	shalt  }
0x42: {  	_ =	shalt  }
0x43: {  	_ =	shalt  }
0x44: {  	_ =	shalt  }
0x45: {  	_ =	shalt  }
0x46: {  	_ =	shalt  }
0x47: {  	_ =	shalt  }
0x48: {  	_ =	shalt  }
0x49: {  	_ =	shalt  }
0x4a: {  	_ =	shalt  }
0x4b: {  	_ =	shalt  }
0x4c: {  	_ =	shalt  }
0x4d: {  	_ =	shalt  }
0x4e: {  	_ =	shalt  }
0x4f: {  	_ =	shalt  }
0x50: {  	_ =	shalt  }
0x51: {  	_ =	shalt  }
0x52: {  	_ =	shalt  }
0x53: {  	_ =	shalt  }
0x54: {  	_ =	shalt  }
0x55: {  	_ =	shalt  }
0x56: {  	_ =	shalt  }
0x57: {  	_ =	shalt  }
0x58: {  	_ =	shalt  }
0x59: {  	_ =	shalt  }
0x5a: {  	_ =	shalt  }
0x5b: {  	_ =	shalt  }
0x5c: {  	_ =	shalt  }
0x5d: {  	_ =	shalt  }
0x5e: {  	_ =	shalt  }
0x5f: {  	_ =	shalt  }
0x60: {  	_ =	shalt  }
0x61: {  	_ =	shalt  }
0x62: {  	_ =	shalt  }
0x63: {  	_ =	shalt  }
0x64: {  	_ =	shalt  }
0x65: {  	_ =	shalt  }
0x66: {  	_ =	shalt  }
0x67: {  	_ =	shalt  }
0x68: {  	_ =	shalt  }
0x69: {  	_ =	shalt  }
0x6a: {  	_ =	shalt  }
0x6b: {  	_ =	shalt  }
0x6c: {  	_ =	shalt  }
0x6d: {  	_ =	shalt  }
0x6e: {  	_ =	shalt  }
0x6f: {  	_ =	shalt  }
0x70: {  	_ =	shalt  }
0x71: {  	_ =	shalt  }
0x72: {  	_ =	shalt  }
0x73: {  	_ =	shalt  }
0x74: {  	_ =	shalt  }
0x75: {  	_ =	shalt  }
0x76: {  	_ =	shalt  }
0x77: {  	_ =	shalt  }
0x78: {  	_ =	shalt  }
0x79: {  	_ =	shalt  }
0x7a: {  	_ =	shalt  }
0x7b: {  	_ =	shalt  }
0x7c: {  	_ =	shalt  }
0x7d: {  	_ =	shalt  }
0x7e: {  	_ =	shalt  }
0x7f: {  	_ =	shalt  }
0x80: {  	_ =	shalt  }
0x81: {  	_ =	shalt  }
0x82: {  	_ =	shalt  }
0x83: {  	_ =	shalt  }
0x84: {  	_ =	shalt  }
0x85: {  	_ =	shalt  }
0x86: {  	_ =	shalt  }
0x87: {  	_ =	shalt  }
.Lfunc_end0:
.L_simem_size_0:
called_computation.1_lowered:
.L_overlay_start_0:
0x88: {  	s2 =	sld [smem:$0x3FD9]  }
0x89: {  	s3 =	sld [smem:$0x3FFE];
	_ =	sdelay $0x1  }
0x8a: {  	s1 =	srdreg.scid  }
0x8b: {  	s0 =	sand.u32 $0x1, s1  }
0x8c: {  	s17 =	sshll.u32 s0, $0xA;
	s2 =	sadd.s32 s3, s2  }
0x8d: {  	s2 =	sadd.s32 s2, s17  }
0x8e: {  	[smem:$0x3FC2] =	sst s2  }
0x8f: {  	_ = 	snop  }
0x90: {  	s18 =	sld [smem:$0x3FD0];
	(tm) =	ssettm $0x1  }
0x91: {  	s19 =	sld [smem:$0x3FFB];
	_ =	sdelay $0x3  }
0x92: {  	_ =	strace s19  }
0x93: {  	s2 =	sld [smem:$0x3FFC];
	_ =	sdelay $0x3  }
0x94: {  	_ =	strace s2  }
0x95: {  	s2 =	sld [smem:$0x3FFD];
	_ =	sdelay $0x3  }
0x96: {  	_ =	strace s2  }
0x97: {  	_ =	strace $0x8FFFFFFF  }
0x98: {  	s20 =	sld [smem:$0x3FDB];
	_ =	sdelay $0x1  }
0x99: {  	s4 =	simm.s32 $_scs_section_size  }
0x9a: {  	s5 =	simm.s32 $_size__tile_overlayer_lowered;
	s6 =	simm.s32 $_tile_overlayer_lowered  }
0x9b: {  	s7 =	simm.s32 $0x1BFF;
	s21 =	sshll.u32 s6, $0x1;
	s4 =	sadd.s32 s4, s20  }
0x9c: {  	s22 =	simm.s32 $0x0;
	s5 =	sshll.u32 s5, $0x1;
	s6 =	sadd.s32 s21, s4  }
0x9d: {  	[timem:s22], [sflag:s7] =	dma.local [hbm:s6], s5  }
0x9e: {  	_ =	swait.ge [sflag:s7], s5  }
0x9f: {  	s5 =	ssub.s32 $0x0, s5;
	[sflag:s7] =	ssyncset.done $0x0  }
0xa0: {  	[sflag:s7] =	ssyncadd.s32 s5;
	_ =	sdelay $0x1  }
0xa1: {  	s23 =	simm.s32 $0x1B8B  }
0xa2: {  	_ =	swait.ge [sflag:s23], $0x1  }
0xa3: {  	[sflag:s23] =	ssyncset.done $0x0  }
0xa4: {  	[sflag:s23] =	ssyncadd.s32 $0xFFFFFFFF  }
0xa5: {  	s5 =	sld [smem:$0x0]  }
0xa6: {  	s6 =	sand.u32 $0xFFFFFFFE, s1  }
0xa7: {  	p0 =	sne.s32 s1, s6  }
0xa8: {  	s6 =	sshll.u32 @p0 s6, $0xE  }
0xa9: {  	s6 =	sadd.s32 @p0 $0x11B8D, s6;
	s7 =	sshll.u32 @p0 s5, $0x11  }
0xaa: {  	s6 =	sor.u32 @p0 s7, s6  }
0xab: {  	[sflag:s6] =	ssyncadd.remote.s32 @p0 $0x1;
	_ =	sdelay $0x1  }
0xac: {  	s6 =	simm.s32 @p0 $0x1B8D  }
0xad: {  	_ =	swait.eq @p0 [sflag:s6], $0x1  }
0xae: {  	[sflag:s6] =	ssyncadd.s32 @p0 $0xFFFFFFFF  }
0xaf: {  	s7 =	sshll.u32 @!p0 s1, $0xE  }
0xb0: {  	s7 =	sor.u32 @!p0 $0x4000, s7;
	s6 =	simm.s32 @!p0 $0x1B8D  }
0xb1: {  	s5 =	sshll.u32 @!p0 s5, $0x11;
	s7 =	sadd.s32 @!p0 $0x11B8D, s7;
	_ =	swait.eq @!p0 [sflag:s6], $0x1  }
0xb2: {  	s5 =	sor.u32 @!p0 s5, s7;
	[sflag:s6] =	ssyncadd.s32 @!p0 $0xFFFFFFFF  }
0xb3: {  	s25 =	simm.s32 $0x1B8E;
	s24 =	sld [smem:$0x3FFE];
	[sflag:s5] =	ssyncadd.remote.s32 @!p0 $0x1  }
0xb4: {  	s26 =	simm.s32 $execute0_lowered;
	[smem:$0x3FD2] =	sst s25  }
0xb5: {  	s6 =	sshll.u32 s26, $0x1;
	_ =	strace $0x8000004C;
	[dreg:$0x1] =	wrdreg $0xFFFFFFFF  }
0xb6: {  	s28 =	simm.s32 $_size_execute0_lowered;
	s4 =	sadd.s32 s4, s6;
	[dreg:$0x0] =	wrdreg $0x0  }
0xb7: {  	s6 =	sshll.u32 s28, $0x1;
	[dreg:$0x2] =	wrdreg s4  }
0xb8: {  	[dreg:$0x3] =	wrdreg s6  }
0xb9: {  	[dreg:$0x4] =	wrdreg $0xC0  }
0xba: {  	_ =	task [dreg:s22], $0x5FFFF  }
0xbb: {  	[dreg:$0x1] =	wrdreg $0xFFFFFFFF  }
0xbc: {  	[dreg:$0x0] =	wrdreg $0x60  }
0xbd: {  	[dreg:$0x2] =	wrdreg s24  }
0xbe: {  	[dreg:$0x3] =	wrdreg s18  }
0xbf: {  	[dreg:$0x4] =	wrdreg $0xA  }
0xc0: {  	_ =	task.clear_ibuf [dreg:s22], $0x5FFFF;
	_ =	strace $0x9000004C  }
0xc1: {  	s29 =	simm.s32 $0xA;
	_ =	strace $0x8000004E  }
0xc2: {  	_ =	swait.ge [sflag:s29], $0x1  }
0xc3: {  	[sflag:s29] =	ssyncadd.s32 $0xFFFFFFFF  }
0xc4: {  	_ =	strace $0x9000004E  }
0xc5: {  	_ =	sfence  }
0xc6: {  	s30 =	sld [smem:$0x0];
	_ =	sdelay $0x2  }
0xc7: {  	s31 =	sshll.u32 s1, $0xD;
	s1 =	sshrl.u32 s1, $0x2  }
0xc8: {  	s4 =	sand.u32 $0x4000, s31;
	s1 =	sadd.s32 s1, s30  }
0xc9: {  	s0 =	sor.u32 s4, s0;
	s1 =	sshll.u32 s1, $0x11  }
0xca: {  	s0 =	sor.u32 s1, s0  }
0xcb: {  	s0 =	sadd.s32 $0x8F2B, s0  }
0xcc: {  	[sflag:s0] =	ssyncadd.remote.s32 $0x1  }
0xcd: {  	_ =	sfence.sel $0xFFFF  }
0xce: {  	[dreg:$0x0] =	wrdreg $0xFFFFFFFF;
	(pc) =	sbr.abs _section_cstart, $3  }
0xcf: {  	[dreg:$0x1] =	wrdreg $0xFFFFFFFF  }
0xd0: {  	_ =	task.clear_ibuf [dreg:s22], $0x2FFFF;
	_ =	strace $0x9FFFFFFF  }
0xd1: {  	(tm) =	ssettm $0x7FFFFFFF  }
tec
execute0_lowered:
.L_overlay_start_1:
0x0: {  	(tag) =	ssettag $0x1  }
0x1: {  	s1 =	srdreg.scid  }
0x2: {  	s0 =	stileid.u32;
	s21 =	sand.u32 $0x1, s1  }
0x3: {  	s9 =	rddreg [dreg:$0x0];
	s31 =	sshll.u32 s0, $0x4;
	s3 =	sshll.u32 s21, $0x3  }
0x4: {  	s2 =	rddreg [dreg:$0x1];
	s10 =	sor.u32 s3, s31  }
0x5: {  	s1 =	rddreg [dreg:$0x2];
	s3 =	simm.s32 $0x0;
	s4 =	sshll.u32 s10, $0x4  }
0x6: {  	[smem:$0x7FF] =	sst s3;
	s4 =	sadd.s32 s4, s9  }
0x7: {  	_ =	strace $0x8000004D;
	s5 =	sadd.s32 $0x104A00, s4;
	s4 =	simm.s32 $0x2  }
0x8: {  	[tilespmem:s3], [sflag:$0x2] =	stream.linear.gather [hbm4b:s5+s3], $0x400, $0x38;
	[tilespmem:$0x4400] =	vst v63  }
0x9: {  	_ =	swait.ge [sflag:s4], $0x400  }
0xa: {  	s6 =	simm.s32 $0x80;
	[sflag:s4] =	ssyncset.done $0x0  }
0xb: {  	s7 =	simm.s32 $0x400;
	s8 =	simm.s32 $0x1;
	[sflag:s4] =	ssyncadd.s32 $0xFFFFFC00  }
0xc: {  	[tilespmem:s7], [sflag:$0x1] =	stream.indirect.gather [hbm4b:s2+s6], $0x80, s3, s6, $0xb8;
	[tilespmem:$0x4400] =	vst v63  }
0xd: {  	s10 =	sshll.u32 s10, $0xB;
	_ =	swait.ge [sflag:s8], $0x4000  }
0xe: {  	s22 =	sadd.s32 s10, s9;
	[sflag:s8] =	ssyncset.done $0x0  }
0xf: {  	s9 =	sadd.s32 $0x105A00, s22;
	[sflag:s8] =	ssyncadd.s32 $0xFFFFC000  }
0x10: {  	[hbm4b:s9+s3] =	stream.linear.scatter [tilespmem:s7], [sflag:$0x2], $0x4000, $0x38;
	[tilespmem:$0x4400] =	vst v63  }
0x11: {  	_ =	swait.ge [sflag:s4], $0x4000  }
0x12: {  	[sflag:s4] =	ssyncset.done $0x0  }
0x13: {  	[sflag:s4] =	ssyncadd.s32 $0xFFFFC000  }
0x14: {  	[tilespmem:s7], [sflag:$0x1] =	stream.indirect.gather [hbm4b:s2+s6], $0x80, s6, s6, $0xb8;
	[tilespmem:$0x4400] =	vst v63  }
0x15: {  	_ =	swait.ge [sflag:s8], $0x4000  }
0x16: {  	[sflag:s8] =	ssyncset.done $0x0  }
0x17: {  	s10 =	sadd.s32 $0x106200, s22;
	[sflag:s8] =	ssyncadd.s32 $0xFFFFC000  }
0x18: {  	[hbm4b:s10+s3] =	stream.linear.scatter [tilespmem:s7], [sflag:$0x2], $0x4000, $0x38;
	[tilespmem:$0x4400] =	vst v63  }
0x19: {  	_ =	swait.ge [sflag:s4], $0x4000  }
0x1a: {  	[sflag:s4] =	ssyncset.done $0x0  }
0x1b: {  	s11 =	simm.s32 $0x100;
	[sflag:s4] =	ssyncadd.s32 $0xFFFFC000  }
0x1c: {  	[tilespmem:s7], [sflag:$0x1] =	stream.indirect.gather [hbm4b:s2+s6], $0x80, s11, s6, $0xb8;
	[tilespmem:$0x4400] =	vst v63  }
0x1d: {  	_ =	swait.ge [sflag:s8], $0x4000  }
0x1e: {  	[sflag:s8] =	ssyncset.done $0x0  }
0x1f: {  	s12 =	sadd.s32 $0x106A00, s22;
	[sflag:s8] =	ssyncadd.s32 $0xFFFFC000  }
0x20: {  	[hbm4b:s12+s3] =	stream.linear.scatter [tilespmem:s7], [sflag:$0x2], $0x4000, $0x38;
	[tilespmem:$0x4400] =	vst v63  }
0x21: {  	_ =	swait.ge [sflag:s4], $0x4000  }
0x22: {  	[sflag:s4] =	ssyncset.done $0x0  }
0x23: {  	s13 =	simm.s32 $0x180;
	[sflag:s4] =	ssyncadd.s32 $0xFFFFC000  }
0x24: {  	[tilespmem:s7], [sflag:$0x1] =	stream.indirect.gather [hbm4b:s2+s6], $0x80, s13, s6, $0xb8;
	[tilespmem:$0x4400] =	vst v63  }
0x25: {  	_ =	swait.ge [sflag:s8], $0x4000  }
0x26: {  	[sflag:s8] =	ssyncset.done $0x0  }
0x27: {  	s14 =	sadd.s32 $0x107200, s22;
	[sflag:s8] =	ssyncadd.s32 $0xFFFFC000  }
0x28: {  	[hbm4b:s14+s3] =	stream.linear.scatter [tilespmem:s7], [sflag:$0x2], $0x4000, $0x38;
	[tilespmem:$0x4400] =	vst v63  }
0x29: {  	_ =	swait.ge [sflag:s4], $0x4000  }
0x2a: {  	[sflag:s4] =	ssyncset.done $0x0  }
0x2b: {  	s15 =	simm.s32 $0x200;
	[sflag:s4] =	ssyncadd.s32 $0xFFFFC000  }
0x2c: {  	[tilespmem:s7], [sflag:$0x1] =	stream.indirect.gather [hbm4b:s2+s6], $0x80, s15, s6, $0xb8;
	[tilespmem:$0x4400] =	vst v63  }
0x2d: {  	_ =	swait.ge [sflag:s8], $0x4000  }
0x2e: {  	[sflag:s8] =	ssyncset.done $0x0  }
0x2f: {  	s16 =	sadd.s32 $0x107A00, s22;
	[sflag:s8] =	ssyncadd.s32 $0xFFFFC000  }
0x30: {  	[hbm4b:s16+s3] =	stream.linear.scatter [tilespmem:s7], [sflag:$0x2], $0x4000, $0x38;
	[tilespmem:$0x4400] =	vst v63  }
0x31: {  	_ =	swait.ge [sflag:s4], $0x4000  }
0x32: {  	[sflag:s4] =	ssyncset.done $0x0  }
0x33: {  	s17 =	simm.s32 $0x280;
	[sflag:s4] =	ssyncadd.s32 $0xFFFFC000  }
0x34: {  	[tilespmem:s7], [sflag:$0x1] =	stream.indirect.gather [hbm4b:s2+s6], $0x80, s17, s6, $0xb8;
	[tilespmem:$0x4400] =	vst v63  }
0x35: {  	_ =	swait.ge [sflag:s8], $0x4000  }
0x36: {  	[sflag:s8] =	ssyncset.done $0x0  }
0x37: {  	s18 =	sadd.s32 $0x108200, s22;
	[sflag:s8] =	ssyncadd.s32 $0xFFFFC000  }
0x38: {  	[hbm4b:s18+s3] =	stream.linear.scatter [tilespmem:s7], [sflag:$0x2], $0x4000, $0x38;
	[tilespmem:$0x4400] =	vst v63  }
0x39: {  	_ =	swait.ge [sflag:s4], $0x4000  }
0x3a: {  	[sflag:s4] =	ssyncset.done $0x0  }
0x3b: {  	s19 =	simm.s32 $0x300;
	[sflag:s4] =	ssyncadd.s32 $0xFFFFC000  }
0x3c: {  	[tilespmem:s7], [sflag:$0x1] =	stream.indirect.gather [hbm4b:s2+s6], $0x80, s19, s6, $0xb8;
	[tilespmem:$0x4400] =	vst v63  }
0x3d: {  	_ =	swait.ge [sflag:s8], $0x4000  }
0x3e: {  	[sflag:s8] =	ssyncset.done $0x0  }
0x3f: {  	s23 =	ssub.s32 $0x2, s21;
	s20 =	sadd.s32 $0x108A00, s22;
	[sflag:s8] =	ssyncadd.s32 $0xFFFFC000  }
0x40: {  	[hbm4b:s20+s3] =	stream.linear.scatter [tilespmem:s7], [sflag:$0x2], $0x4000, $0x38;
	[tilespmem:$0x4400] =	vst v63  }
0x41: {  	s24 =	sshrl.u32 s23, $0x1;
	_ =	swait.ge [sflag:s4], $0x4000  }
0x42: {  	s23 =	ssub.s32 s23, s24;
	[sflag:s4] =	ssyncset.done $0x0  }
0x43: {  	s21 =	simm.s32 $0x380;
	s23 =	smax.u32 s23, $0x1;
	[sflag:s4] =	ssyncadd.s32 $0xFFFFC000  }
0x44: {  	[tilespmem:s7], [sflag:$0x1] =	stream.indirect.gather [hbm4b:s2+s6], $0x80, s21, s6, $0xb8;
	[tilespmem:$0x4400] =	vst v63  }
0x45: {  	p0 =	sne.s32 s23, $0x1;
	_ =	swait.ge [sflag:s8], $0x4000  }
.Ltmp0:
0x46: {  	[sflag:s8] =	ssyncset.done $0x0;
	(pc) =	sbr.rel @!p0 .LBB2_2-.Ltmp0, $4  }
0x47: {  	s22 =	sadd.s32 $0x109200, s22;
	[sflag:s8] =	ssyncadd.s32 $0xFFFFC000  }
0x48: {  	[hbm4b:s22+s3] =	stream.linear.scatter [tilespmem:s7], [sflag:$0x2], $0x4000, $0x38;
	[tilespmem:$0x4400] =	vst v63  }
0x49: {  	_ =	swait.ge [sflag:s4], $0x4000  }
0x4a: {  	s23 =	sadd.s32 $0xFFFFFFFF, s23;
	[sflag:s4] =	ssyncset.done $0x0  }
.LBB2_1:
0x4b: {  	p0 =	sne.s32 s23, $0x1;
	s23 =	sadd.s32 $0xFFFFFFFF, s23;
	[sflag:s4] =	ssyncadd.s32 $0xFFFFC000  }
0x4c: {  	[tilespmem:s3], [sflag:$0x2] =	stream.linear.gather [hbm4b:s5+s3], $0x400, $0x38;
	[tilespmem:$0x4400] =	vst v63  }
0x4d: {  	_ =	swait.ge [sflag:s4], $0x400  }
0x4e: {  	[sflag:s4] =	ssyncset.done $0x0  }
0x4f: {  	[sflag:s4] =	ssyncadd.s32 $0xFFFFFC00  }
0x50: {  	[tilespmem:s7], [sflag:$0x1] =	stream.indirect.gather [hbm4b:s2+s6], $0x80, s3, s6, $0xb8;
	[tilespmem:$0x4400] =	vst v63  }
0x51: {  	_ =	swait.ge [sflag:s8], $0x4000  }
0x52: {  	[sflag:s8] =	ssyncset.done $0x0  }
0x53: {  	[sflag:s8] =	ssyncadd.s32 $0xFFFFC000  }
0x54: {  	[hbm4b:s9+s3] =	stream.linear.scatter [tilespmem:s7], [sflag:$0x2], $0x4000, $0x38;
	[tilespmem:$0x4400] =	vst v63  }
0x55: {  	_ =	swait.ge [sflag:s4], $0x4000  }
0x56: {  	[sflag:s4] =	ssyncset.done $0x0  }
0x57: {  	[sflag:s4] =	ssyncadd.s32 $0xFFFFC000  }
0x58: {  	[tilespmem:s7], [sflag:$0x1] =	stream.indirect.gather [hbm4b:s2+s6], $0x80, s6, s6, $0xb8;
	[tilespmem:$0x4400] =	vst v63  }
0x59: {  	_ =	swait.ge [sflag:s8], $0x4000  }
0x5a: {  	[sflag:s8] =	ssyncset.done $0x0  }
0x5b: {  	[sflag:s8] =	ssyncadd.s32 $0xFFFFC000  }
0x5c: {  	[hbm4b:s10+s3] =	stream.linear.scatter [tilespmem:s7], [sflag:$0x2], $0x4000, $0x38;
	[tilespmem:$0x4400] =	vst v63  }
0x5d: {  	_ =	swait.ge [sflag:s4], $0x4000  }
0x5e: {  	[sflag:s4] =	ssyncset.done $0x0  }
0x5f: {  	[sflag:s4] =	ssyncadd.s32 $0xFFFFC000  }
0x60: {  	[tilespmem:s7], [sflag:$0x1] =	stream.indirect.gather [hbm4b:s2+s6], $0x80, s11, s6, $0xb8;
	[tilespmem:$0x4400] =	vst v63  }
0x61: {  	_ =	swait.ge [sflag:s8], $0x4000  }
0x62: {  	[sflag:s8] =	ssyncset.done $0x0  }
0x63: {  	[sflag:s8] =	ssyncadd.s32 $0xFFFFC000  }
0x64: {  	[hbm4b:s12+s3] =	stream.linear.scatter [tilespmem:s7], [sflag:$0x2], $0x4000, $0x38;
	[tilespmem:$0x4400] =	vst v63  }
0x65: {  	_ =	swait.ge [sflag:s4], $0x4000  }
0x66: {  	[sflag:s4] =	ssyncset.done $0x0  }
0x67: {  	[sflag:s4] =	ssyncadd.s32 $0xFFFFC000  }
0x68: {  	[tilespmem:s7], [sflag:$0x1] =	stream.indirect.gather [hbm4b:s2+s6], $0x80, s13, s6, $0xb8;
	[tilespmem:$0x4400] =	vst v63  }
0x69: {  	_ =	swait.ge [sflag:s8], $0x4000  }
0x6a: {  	[sflag:s8] =	ssyncset.done $0x0  }
0x6b: {  	[sflag:s8] =	ssyncadd.s32 $0xFFFFC000  }
0x6c: {  	[hbm4b:s14+s3] =	stream.linear.scatter [tilespmem:s7], [sflag:$0x2], $0x4000, $0x38;
	[tilespmem:$0x4400] =	vst v63  }
0x6d: {  	_ =	swait.ge [sflag:s4], $0x4000  }
0x6e: {  	[sflag:s4] =	ssyncset.done $0x0  }
0x6f: {  	[sflag:s4] =	ssyncadd.s32 $0xFFFFC000  }
0x70: {  	[tilespmem:s7], [sflag:$0x1] =	stream.indirect.gather [hbm4b:s2+s6], $0x80, s15, s6, $0xb8;
	[tilespmem:$0x4400] =	vst v63  }
0x71: {  	_ =	swait.ge [sflag:s8], $0x4000  }
0x72: {  	[sflag:s8] =	ssyncset.done $0x0  }
0x73: {  	[sflag:s8] =	ssyncadd.s32 $0xFFFFC000  }
0x74: {  	[hbm4b:s16+s3] =	stream.linear.scatter [tilespmem:s7], [sflag:$0x2], $0x4000, $0x38;
	[tilespmem:$0x4400] =	vst v63  }
0x75: {  	_ =	swait.ge [sflag:s4], $0x4000  }
0x76: {  	[sflag:s4] =	ssyncset.done $0x0  }
0x77: {  	[sflag:s4] =	ssyncadd.s32 $0xFFFFC000  }
0x78: {  	[tilespmem:s7], [sflag:$0x1] =	stream.indirect.gather [hbm4b:s2+s6], $0x80, s17, s6, $0xb8;
	[tilespmem:$0x4400] =	vst v63  }
0x79: {  	_ =	swait.ge [sflag:s8], $0x4000  }
0x7a: {  	[sflag:s8] =	ssyncset.done $0x0  }
0x7b: {  	[sflag:s8] =	ssyncadd.s32 $0xFFFFC000  }
0x7c: {  	[hbm4b:s18+s3] =	stream.linear.scatter [tilespmem:s7], [sflag:$0x2], $0x4000, $0x38;
	[tilespmem:$0x4400] =	vst v63  }
0x7d: {  	_ =	swait.ge [sflag:s4], $0x4000  }
0x7e: {  	[sflag:s4] =	ssyncset.done $0x0  }
0x7f: {  	[sflag:s4] =	ssyncadd.s32 $0xFFFFC000  }
0x80: {  	[tilespmem:s7], [sflag:$0x1] =	stream.indirect.gather [hbm4b:s2+s6], $0x80, s19, s6, $0xb8;
	[tilespmem:$0x4400] =	vst v63  }
0x81: {  	_ =	swait.ge [sflag:s8], $0x4000  }
0x82: {  	[sflag:s8] =	ssyncset.done $0x0  }
0x83: {  	[sflag:s8] =	ssyncadd.s32 $0xFFFFC000  }
0x84: {  	[hbm4b:s20+s3] =	stream.linear.scatter [tilespmem:s7], [sflag:$0x2], $0x4000, $0x38;
	[tilespmem:$0x4400] =	vst v63  }
0x85: {  	_ =	swait.ge [sflag:s4], $0x4000  }
0x86: {  	[sflag:s4] =	ssyncset.done $0x0  }
0x87: {  	[sflag:s4] =	ssyncadd.s32 $0xFFFFC000  }
0x88: {  	[tilespmem:s7], [sflag:$0x1] =	stream.indirect.gather [hbm4b:s2+s6], $0x80, s21, s6, $0xb8;
	[tilespmem:$0x4400] =	vst v63  }
0x89: {  	_ =	swait.ge [sflag:s8], $0x4000  }
.Ltmp1:
0x8a: {  	[sflag:s8] =	ssyncset.done $0x0;
	(pc) =	sbr.rel @p0 .LBB2_1-.Ltmp1, $4  }
0x8b: {  	[sflag:s8] =	ssyncadd.s32 $0xFFFFC000  }
0x8c: {  	[hbm4b:s22+s3] =	stream.linear.scatter [tilespmem:s7], [sflag:$0x2], $0x4000, $0x38;
	[tilespmem:$0x4400] =	vst v63  }
0x8d: {  	_ =	swait.ge [sflag:s4], $0x4000  }
0x8e: {  	[sflag:s4] =	ssyncset.done $0x0  }
.LBB2_2:
0x8f: {  	[sflag:s4] =	ssyncadd.s32 $0xFFFFC000  }
0x90: {  	_ =	sfence.sel $0x180000  }
0x91: {  	[bflag:$0x0] =	sbarrier.arrive $0xFFFF  }
0x92: {  	p0 =	sne.s32 s0, $0x0;
	_ =	strace $0x9000004D  }
0x93: {  	s0 =	sadd.s32 @!p0 $0x100000, s1;
	[bflag:$0x2] =	sbarrier.arrive $0xFFFF  }
0x94: {  	[sflag:s0] =	ssyncadd.tile.s32 @!p0 $0x1;
	_ =	shalt  }
.Lfunc_end2:
_tile_overlayer_lowered:
.L_overlay_start_2:
0x95: {  	(tag) =	ssettag $0x2  }
0x96: {  	s0 =	rddreg [dreg:$0x0];
	s2 =	stileid.u32  }
0x97: {  	s1 =	rddreg [dreg:$0x1];
	p0 =	sne.s32 s2, $0x0  }
0x98: {  	s3 =	rddreg [dreg:$0x2];
	[bflag:$0x3] =	sbarrier.arrive $0xFFFF;
	s2 =	simm.s32 @!p0 $0x1C02  }
0x99: {  	[timem:s3], [sflag:s2] =	dma.local @!p0 [hbm:s0], s1  }
0x9a: {  	s0 =	simm.s32 @!p0 $0x2  }
0x9b: {  	_ =	swait.ge @!p0 [sflag:s0], s1  }
0x9c: {  	s1 =	ssub.s32 @!p0 $0x0, s1;
	[sflag:s0] =	ssyncset.done @!p0 $0x0  }
0x9d: {  	[sflag:s0] =	ssyncadd.s32 @!p0 s1  }
0x9e: {  	[bflag:$0x3] =	sbarrier.arrive $0xFFFF  }
0x9f: {  	_ =	shalt  }

// kernel: kernel.21.cloned.1.call-start
scs
__scs_entry_jumppad:
0x0: {  	(pc) =	sbr.rel $0x88, $3  }
0x1: {  	(tag) =	ssettag $0x0;
	lr =	simm.s32 $0x1  }
0x2: {  	[smem:$0x3F9B] =	sst lr;
	_ =	strace $0xD0000000  }
0x3: {  	_ = 	snop  }
0x4: {  	_ = 	snop  }
0x5: {  	_ = 	snop  }
0x6: {  	_ = 	snop  }
0x7: {  	_ = 	snop  }
__scs_overlays_trampoline_lowered:
0x8: {  	[smem:$0x3FAA] =	sst s0  }
0x9: {  	[smem:$0x3FAB] =	sst s1  }
0xa: {  	[smem:$0x3FAC] =	sst s2  }
0xb: {  	[smem:$0x3FAD] =	sst s3  }
0xc: {  	[smem:$0x3FAE] =	sst s4  }
0xd: {  	[smem:$0x3FAF] =	sst s5  }
0xe: {  	[smem:$0x3FB0] =	sst s6  }
0xf: {  	[smem:$0x3FB1] =	sst s7  }
0x10: {  	[smem:$0x3FB2] =	sst s8  }
0x11: {  	[smem:$0x3FB3] =	sst s9;
	s0 =	simm.s32 @!p0 $0x0  }
0x12: {  	s1 =	sld [smem:$0x3F99];
	s0 =	simm.s32 @p0 $0x1  }
0x13: {  	[smem:$0x3FB4] =	sst s0;
	s0 =	simm.s32 @!p1 $0x0  }
0x14: {  	s2 =	sld [smem:$0x3F98];
	s0 =	simm.s32 @p1 $0x1  }
0x15: {  	[smem:$0x3FB5] =	sst s0;
	s0 =	simm.s32 @!p2 $0x0  }
0x16: {  	s3 =	sld [smem:$0x3FDB];
	s0 =	simm.s32 @p2 $0x1  }
0x17: {  	s4 =	simm.s32 $0x1BF5;
	[smem:$0x3FB7] =	sst s0  }
0x18: {  	s0 =	sld [smem:$0x3F9A];
	_ =	swait.ge [sflag:s4], $0x0  }
0x19: {  	s7 =	sld [smem:$0x3F9B]  }
0x1a: {  	s8 =	sadd.s32 $0xFFFFE003, lr  }
0x1b: {  	s9 =	sadd.s32 $0xFFFFFEF7, lr;
	s5 =	simm.s32 $0xFFFFFFFF;
	p2 =	slt.u32 s8, $0xFFFFF086  }
0x1c: {  	p1 =	slt.u32 s9, $0xF7A;
	s5 =	simm.s32 @!p2 $0x0  }
0x1d: {  	s5 =	simm.s32 @p1 $0x1;
	p0 =	seq.s32 s7, s2  }
0x1e: {  	s7 =	smul.u32 @!p0 $0xF7A, s2;
	p2 =	seq.s32 @!p0 s5, $0x0  }
0x1f: {  	s9 =	smul.u32 $0xF7A, s1;
	s8 =	simm.s32 @!p0 $0x1BF5;
	p2 =	por !p2, p0  }
0x20: {  	[sflag:s8] =	ssyncset.s32 @!p0 $0xFFFFF086;
	s6 =	sadd.s32 @!p0 s3, s7;
	s7 =	simm.s32 @!p0 $0x108  }
0x21: {  	s3 =	sadd.s32 s3, s9;
	s6 =	sadd.s32 @!p0 $0x88, s6;
	s7 =	simm.s32 @p2 $0x1082  }
0x22: {  	[simem:s7], [sflag:s8] =	dma.local @!p0 [hbm:s6], $0xF7A  }
0x23: {  	s9 =	sor.u32 $0xD0000000, s2;
	s6 =	simm.s32 $0x108;
	_ =	swait.ge @!p0 [sflag:s8], $0x0  }
0x24: {  	s3 =	sadd.s32 $0x88, s3;
	s6 =	simm.s32 @!p1 $0x1082;
	[sflag:s4] =	ssyncset.s32 $0xFFFFF086  }
0x25: {  	[simem:s6], [sflag:s4] =	dma.local [hbm:s3], $0xF7A  }
0x26: {  	[smem:$0x3F9B] =	sst s1;
	(tag) =	ssettag s2;
	_ =	strace s9  }
0x27: {  	s1 =	sld [smem:$0x3FAB]  }
0x28: {  	s2 =	sld [smem:$0x3FAC]  }
0x29: {  	s4 =	sld [smem:$0x3FAE]  }
0x2a: {  	p0 =	seq.s32 s5, $0x0;
	s5 =	sld [smem:$0x3FAF]  }
0x2b: {  	s6 =	sld [smem:$0x3FB0]  }
0x2c: {  	s7 =	sld [smem:$0x3FB1]  }
0x2d: {  	s3 =	simm.s32 $0x108;
	s8 =	sld [smem:$0x3FB2]  }
0x2e: {  	s3 =	simm.s32 @!p0 $0x1082;
	s9 =	sld [smem:$0x3FB3]  }
0x2f: {  	lr =	sadd.s32 s0, s3;
	s0 =	sld [smem:$0x3FAA]  }
0x30: {  	s3 =	sld [smem:$0x3FAD]  }
0x31: {  	[smem:$0x3FB6] =	sst s10  }
0x32: {  	s10 =	sld [smem:$0x3FB4];
	_ =	sdelay $0x3  }
0x33: {  	p0 =	seq.s32 s10, $0x1;
	s10 =	sld [smem:$0x3FB6];
	_ =	sdelay $0x3  }
0x34: {  	[smem:$0x3FB6] =	sst s10  }
0x35: {  	s10 =	sld [smem:$0x3FB5];
	_ =	sdelay $0x3  }
0x36: {  	p1 =	seq.s32 s10, $0x1;
	s10 =	sld [smem:$0x3FB6];
	_ =	sdelay $0x3  }
0x37: {  	[smem:$0x3FB6] =	sst s10  }
0x38: {  	s10 =	sld [smem:$0x3FB7]  }
0x39: {  	_ = 	snop;
	(pc) =	sbr.ind lr, $3  }
0x3a: {  	_ = 	snop  }
0x3b: {  	_ = 	snop  }
0x3c: {  	p2 =	seq.s32 s10, $0x1;
	s10 =	sld [smem:$0x3FB6]  }
0x3d: {  	_ =	shalt  }
0x3e: {  	_ =	shalt  }
0x3f: {  	_ =	shalt  }
0x40: {  	_ =	shalt  }
0x41: {  	_ =	shalt  }
0x42: {  	_ =	shalt  }
0x43: {  	_ =	shalt  }
0x44: {  	_ =	shalt  }
0x45: {  	_ =	shalt  }
0x46: {  	_ =	shalt  }
0x47: {  	_ =	shalt  }
0x48: {  	_ =	shalt  }
0x49: {  	_ =	shalt  }
0x4a: {  	_ =	shalt  }
0x4b: {  	_ =	shalt  }
0x4c: {  	_ =	shalt  }
0x4d: {  	_ =	shalt  }
0x4e: {  	_ =	shalt  }
0x4f: {  	_ =	shalt  }
0x50: {  	_ =	shalt  }
0x51: {  	_ =	shalt  }
0x52: {  	_ =	shalt  }
0x53: {  	_ =	shalt  }
0x54: {  	_ =	shalt  }
0x55: {  	_ =	shalt  }
0x56: {  	_ =	shalt  }
0x57: {  	_ =	shalt  }
0x58: {  	_ =	shalt  }
0x59: {  	_ =	shalt  }
0x5a: {  	_ =	shalt  }
0x5b: {  	_ =	shalt  }
0x5c: {  	_ =	shalt  }
0x5d: {  	_ =	shalt  }
0x5e: {  	_ =	shalt  }
0x5f: {  	_ =	shalt  }
0x60: {  	_ =	shalt  }
0x61: {  	_ =	shalt  }
0x62: {  	_ =	shalt  }
0x63: {  	_ =	shalt  }
0x64: {  	_ =	shalt  }
0x65: {  	_ =	shalt  }
0x66: {  	_ =	shalt  }
0x67: {  	_ =	shalt  }
0x68: {  	_ =	shalt  }
0x69: {  	_ =	shalt  }
0x6a: {  	_ =	shalt  }
0x6b: {  	_ =	shalt  }
0x6c: {  	_ =	shalt  }
0x6d: {  	_ =	shalt  }
0x6e: {  	_ =	shalt  }
0x6f: {  	_ =	shalt  }
0x70: {  	_ =	shalt  }
0x71: {  	_ =	shalt  }
0x72: {  	_ =	shalt  }
0x73: {  	_ =	shalt  }
0x74: {  	_ =	shalt  }
0x75: {  	_ =	shalt  }
0x76: {  	_ =	shalt  }
0x77: {  	_ =	shalt  }
0x78: {  	_ =	shalt  }
0x79: {  	_ =	shalt  }
0x7a: {  	_ =	shalt  }
0x7b: {  	_ =	shalt  }
0x7c: {  	_ =	shalt  }
0x7d: {  	_ =	shalt  }
0x7e: {  	_ =	shalt  }
0x7f: {  	_ =	shalt  }
0x80: {  	_ =	shalt  }
0x81: {  	_ =	shalt  }
0x82: {  	_ =	shalt  }
0x83: {  	_ =	shalt  }
0x84: {  	_ =	shalt  }
0x85: {  	_ =	shalt  }
0x86: {  	_ =	shalt  }
0x87: {  	_ =	shalt  }
.Lfunc_end0:
.L_simem_size_0:
called_computation.2_lowered:
.L_overlay_start_0:
0x88: {  	s2 =	sld [smem:$0x3FD9]  }
0x89: {  	s3 =	sld [smem:$0x3FFE];
	_ =	sdelay $0x1  }
0x8a: {  	s1 =	srdreg.scid  }
0x8b: {  	s0 =	sand.u32 $0x1, s1  }
0x8c: {  	s17 =	sshll.u32 s0, $0xA;
	s2 =	sadd.s32 s3, s2  }
0x8d: {  	s2 =	sadd.s32 s2, s17  }
0x8e: {  	[smem:$0x3FC2] =	sst s2  }
0x8f: {  	_ = 	snop  }
0x90: {  	s18 =	sld [smem:$0x3FD0];
	(tm) =	ssettm $0x1  }
0x91: {  	s19 =	sld [smem:$0x3FFB];
	_ =	sdelay $0x3  }
0x92: {  	_ =	strace s19  }
0x93: {  	s2 =	sld [smem:$0x3FFC];
	_ =	sdelay $0x3  }
0x94: {  	_ =	strace s2  }
0x95: {  	s2 =	sld [smem:$0x3FFD];
	_ =	sdelay $0x3  }
0x96: {  	_ =	strace s2  }
0x97: {  	_ =	strace $0x8FFFFFFF  }
0x98: {  	s20 =	sld [smem:$0x3FDB];
	_ =	sdelay $0x1  }
0x99: {  	s4 =	simm.s32 $_scs_section_size  }
0x9a: {  	s5 =	simm.s32 $_size__tile_overlayer_lowered;
	s6 =	simm.s32 $_tile_overlayer_lowered  }
0x9b: {  	s7 =	simm.s32 $0x1BFF;
	s21 =	sshll.u32 s6, $0x1;
	s4 =	sadd.s32 s4, s20  }
0x9c: {  	s22 =	simm.s32 $0x0;
	s5 =	sshll.u32 s5, $0x1;
	s6 =	sadd.s32 s21, s4  }
0x9d: {  	[timem:s22], [sflag:s7] =	dma.local [hbm:s6], s5  }
0x9e: {  	_ =	swait.ge [sflag:s7], s5  }
0x9f: {  	s5 =	ssub.s32 $0x0, s5;
	[sflag:s7] =	ssyncset.done $0x0  }
0xa0: {  	[sflag:s7] =	ssyncadd.s32 s5;
	_ =	sdelay $0x1  }
0xa1: {  	s23 =	simm.s32 $0x1B8B  }
0xa2: {  	_ =	swait.ge [sflag:s23], $0x1  }
0xa3: {  	[sflag:s23] =	ssyncset.done $0x0  }
0xa4: {  	[sflag:s23] =	ssyncadd.s32 $0xFFFFFFFF  }
0xa5: {  	s5 =	sld [smem:$0x0]  }
0xa6: {  	s6 =	sand.u32 $0xFFFFFFFE, s1  }
0xa7: {  	p0 =	sne.s32 s1, s6  }
0xa8: {  	s6 =	sshll.u32 @p0 s6, $0xE  }
0xa9: {  	s6 =	sadd.s32 @p0 $0x11B8D, s6;
	s7 =	sshll.u32 @p0 s5, $0x11  }
0xaa: {  	s6 =	sor.u32 @p0 s7, s6  }
0xab: {  	[sflag:s6] =	ssyncadd.remote.s32 @p0 $0x1;
	_ =	sdelay $0x1  }
0xac: {  	s6 =	simm.s32 @p0 $0x1B8D  }
0xad: {  	_ =	swait.eq @p0 [sflag:s6], $0x1  }
0xae: {  	[sflag:s6] =	ssyncadd.s32 @p0 $0xFFFFFFFF  }
0xaf: {  	s7 =	sshll.u32 @!p0 s1, $0xE  }
0xb0: {  	s7 =	sor.u32 @!p0 $0x4000, s7;
	s6 =	simm.s32 @!p0 $0x1B8D  }
0xb1: {  	s5 =	sshll.u32 @!p0 s5, $0x11;
	s7 =	sadd.s32 @!p0 $0x11B8D, s7;
	_ =	swait.eq @!p0 [sflag:s6], $0x1  }
0xb2: {  	s5 =	sor.u32 @!p0 s5, s7;
	[sflag:s6] =	ssyncadd.s32 @!p0 $0xFFFFFFFF  }
0xb3: {  	s25 =	simm.s32 $0x1B8E;
	s24 =	sld [smem:$0x3FFE];
	[sflag:s5] =	ssyncadd.remote.s32 @!p0 $0x1  }
0xb4: {  	s26 =	simm.s32 $execute0_lowered;
	[smem:$0x3FD2] =	sst s25  }
0xb5: {  	s6 =	sshll.u32 s26, $0x1;
	_ =	strace $0x80000049;
	[dreg:$0x1] =	wrdreg $0xFFFFFFFF  }
0xb6: {  	s28 =	simm.s32 $_size_execute0_lowered;
	s4 =	sadd.s32 s4, s6;
	[dreg:$0x0] =	wrdreg $0x0  }
0xb7: {  	s6 =	sshll.u32 s28, $0x1;
	[dreg:$0x2] =	wrdreg s4  }
0xb8: {  	[dreg:$0x3] =	wrdreg s6  }
0xb9: {  	[dreg:$0x4] =	wrdreg $0xC0  }
0xba: {  	_ =	task [dreg:s22], $0x5FFFF  }
0xbb: {  	[dreg:$0x1] =	wrdreg $0xFFFFFFFF  }
0xbc: {  	[dreg:$0x0] =	wrdreg $0x60  }
0xbd: {  	[dreg:$0x2] =	wrdreg s24  }
0xbe: {  	[dreg:$0x3] =	wrdreg s18  }
0xbf: {  	[dreg:$0x4] =	wrdreg $0xB  }
0xc0: {  	_ =	task.clear_ibuf [dreg:s22], $0x5FFFF;
	_ =	strace $0x90000049  }
0xc1: {  	s29 =	simm.s32 $0xB;
	_ =	strace $0x8000004B  }
0xc2: {  	_ =	swait.ge [sflag:s29], $0x1  }
0xc3: {  	[sflag:s29] =	ssyncadd.s32 $0xFFFFFFFF  }
0xc4: {  	_ =	strace $0x9000004B  }
0xc5: {  	_ =	sfence  }
0xc6: {  	s30 =	sld [smem:$0x0];
	_ =	sdelay $0x2  }
0xc7: {  	s31 =	sshll.u32 s1, $0xD;
	s1 =	sshrl.u32 s1, $0x2  }
0xc8: {  	s4 =	sand.u32 $0x4000, s31;
	s1 =	sadd.s32 s1, s30  }
0xc9: {  	s0 =	sor.u32 s4, s0;
	s1 =	sshll.u32 s1, $0x11  }
0xca: {  	s0 =	sor.u32 s1, s0  }
0xcb: {  	s0 =	sadd.s32 $0x8F2B, s0  }
0xcc: {  	[sflag:s0] =	ssyncadd.remote.s32 $0x1  }
0xcd: {  	_ =	sfence.sel $0xFFFF  }
0xce: {  	[dreg:$0x0] =	wrdreg $0xFFFFFFFF;
	(pc) =	sbr.abs _section_cstart, $3  }
0xcf: {  	[dreg:$0x1] =	wrdreg $0xFFFFFFFF  }
0xd0: {  	_ =	task.clear_ibuf [dreg:s22], $0x2FFFF;
	_ =	strace $0x9FFFFFFF  }
0xd1: {  	(tm) =	ssettm $0x7FFFFFFF  }
tec
execute0_lowered:
.L_overlay_start_1:
0x0: {  	(tag) =	ssettag $0x1  }
0x1: {  	s1 =	srdreg.scid  }
0x2: {  	s0 =	stileid.u32;
	s21 =	sand.u32 $0x1, s1  }
0x3: {  	s9 =	rddreg [dreg:$0x0];
	s31 =	sshll.u32 s0, $0x4;
	s3 =	sshll.u32 s21, $0x3  }
0x4: {  	s2 =	rddreg [dreg:$0x1];
	s10 =	sor.u32 s3, s31  }
0x5: {  	s1 =	rddreg [dreg:$0x2];
	s3 =	simm.s32 $0x0;
	s4 =	sshll.u32 s10, $0x4  }
0x6: {  	[smem:$0x7FF] =	sst s3;
	s4 =	sadd.s32 s4, s9  }
0x7: {  	_ =	strace $0x8000004A;
	s5 =	sadd.s32 $0x83A00, s4;
	s4 =	simm.s32 $0x2  }
0x8: {  	[tilespmem:s3], [sflag:$0x2] =	stream.linear.gather [hbm4b:s5+s3], $0x400, $0x38;
	[tilespmem:$0x4400] =	vst v63  }
0x9: {  	_ =	swait.ge [sflag:s4], $0x400  }
0xa: {  	s6 =	simm.s32 $0x80;
	[sflag:s4] =	ssyncset.done $0x0  }
0xb: {  	s7 =	simm.s32 $0x400;
	s8 =	simm.s32 $0x1;
	[sflag:s4] =	ssyncadd.s32 $0xFFFFFC00  }
0xc: {  	[tilespmem:s7], [sflag:$0x1] =	stream.indirect.gather [hbm4b:s2+s6], $0x80, s3, s6, $0xb8;
	[tilespmem:$0x4400] =	vst v63  }
0xd: {  	s10 =	sshll.u32 s10, $0xB;
	_ =	swait.ge [sflag:s8], $0x4000  }
0xe: {  	s22 =	sadd.s32 s10, s9;
	[sflag:s8] =	ssyncset.done $0x0  }
0xf: {  	s9 =	sadd.s32 $0x84A00, s22;
	[sflag:s8] =	ssyncadd.s32 $0xFFFFC000  }
0x10: {  	[hbm4b:s9+s3] =	stream.linear.scatter [tilespmem:s7], [sflag:$0x2], $0x4000, $0x38;
	[tilespmem:$0x4400] =	vst v63  }
0x11: {  	_ =	swait.ge [sflag:s4], $0x4000  }
0x12: {  	[sflag:s4] =	ssyncset.done $0x0  }
0x13: {  	[sflag:s4] =	ssyncadd.s32 $0xFFFFC000  }
0x14: {  	[tilespmem:s7], [sflag:$0x1] =	stream.indirect.gather [hbm4b:s2+s6], $0x80, s6, s6, $0xb8;
	[tilespmem:$0x4400] =	vst v63  }
0x15: {  	_ =	swait.ge [sflag:s8], $0x4000  }
0x16: {  	[sflag:s8] =	ssyncset.done $0x0  }
0x17: {  	s10 =	sadd.s32 $0x85200, s22;
	[sflag:s8] =	ssyncadd.s32 $0xFFFFC000  }
0x18: {  	[hbm4b:s10+s3] =	stream.linear.scatter [tilespmem:s7], [sflag:$0x2], $0x4000, $0x38;
	[tilespmem:$0x4400] =	vst v63  }
0x19: {  	_ =	swait.ge [sflag:s4], $0x4000  }
0x1a: {  	[sflag:s4] =	ssyncset.done $0x0  }
0x1b: {  	s11 =	simm.s32 $0x100;
	[sflag:s4] =	ssyncadd.s32 $0xFFFFC000  }
0x1c: {  	[tilespmem:s7], [sflag:$0x1] =	stream.indirect.gather [hbm4b:s2+s6], $0x80, s11, s6, $0xb8;
	[tilespmem:$0x4400] =	vst v63  }
0x1d: {  	_ =	swait.ge [sflag:s8], $0x4000  }
0x1e: {  	[sflag:s8] =	ssyncset.done $0x0  }
0x1f: {  	s12 =	sadd.s32 $0x85A00, s22;
	[sflag:s8] =	ssyncadd.s32 $0xFFFFC000  }
0x20: {  	[hbm4b:s12+s3] =	stream.linear.scatter [tilespmem:s7], [sflag:$0x2], $0x4000, $0x38;
	[tilespmem:$0x4400] =	vst v63  }
0x21: {  	_ =	swait.ge [sflag:s4], $0x4000  }
0x22: {  	[sflag:s4] =	ssyncset.done $0x0  }
0x23: {  	s13 =	simm.s32 $0x180;
	[sflag:s4] =	ssyncadd.s32 $0xFFFFC000  }
0x24: {  	[tilespmem:s7], [sflag:$0x1] =	stream.indirect.gather [hbm4b:s2+s6], $0x80, s13, s6, $0xb8;
	[tilespmem:$0x4400] =	vst v63  }
0x25: {  	_ =	swait.ge [sflag:s8], $0x4000  }
0x26: {  	[sflag:s8] =	ssyncset.done $0x0  }
0x27: {  	s14 =	sadd.s32 $0x86200, s22;
	[sflag:s8] =	ssyncadd.s32 $0xFFFFC000  }
0x28: {  	[hbm4b:s14+s3] =	stream.linear.scatter [tilespmem:s7], [sflag:$0x2], $0x4000, $0x38;
	[tilespmem:$0x4400] =	vst v63  }
0x29: {  	_ =	swait.ge [sflag:s4], $0x4000  }
0x2a: {  	[sflag:s4] =	ssyncset.done $0x0  }
0x2b: {  	s15 =	simm.s32 $0x200;
	[sflag:s4] =	ssyncadd.s32 $0xFFFFC000  }
0x2c: {  	[tilespmem:s7], [sflag:$0x1] =	stream.indirect.gather [hbm4b:s2+s6], $0x80, s15, s6, $0xb8;
	[tilespmem:$0x4400] =	vst v63  }
0x2d: {  	_ =	swait.ge [sflag:s8], $0x4000  }
0x2e: {  	[sflag:s8] =	ssyncset.done $0x0  }
0x2f: {  	s16 =	sadd.s32 $0x86A00, s22;
	[sflag:s8] =	ssyncadd.s32 $0xFFFFC000  }
0x30: {  	[hbm4b:s16+s3] =	stream.linear.scatter [tilespmem:s7], [sflag:$0x2], $0x4000, $0x38;
	[tilespmem:$0x4400] =	vst v63  }
0x31: {  	_ =	swait.ge [sflag:s4], $0x4000  }
0x32: {  	[sflag:s4] =	ssyncset.done $0x0  }
0x33: {  	s17 =	simm.s32 $0x280;
	[sflag:s4] =	ssyncadd.s32 $0xFFFFC000  }
0x34: {  	[tilespmem:s7], [sflag:$0x1] =	stream.indirect.gather [hbm4b:s2+s6], $0x80, s17, s6, $0xb8;
	[tilespmem:$0x4400] =	vst v63  }
0x35: {  	_ =	swait.ge [sflag:s8], $0x4000  }
0x36: {  	[sflag:s8] =	ssyncset.done $0x0  }
0x37: {  	s18 =	sadd.s32 $0x87200, s22;
	[sflag:s8] =	ssyncadd.s32 $0xFFFFC000  }
0x38: {  	[hbm4b:s18+s3] =	stream.linear.scatter [tilespmem:s7], [sflag:$0x2], $0x4000, $0x38;
	[tilespmem:$0x4400] =	vst v63  }
0x39: {  	_ =	swait.ge [sflag:s4], $0x4000  }
0x3a: {  	[sflag:s4] =	ssyncset.done $0x0  }
0x3b: {  	s19 =	simm.s32 $0x300;
	[sflag:s4] =	ssyncadd.s32 $0xFFFFC000  }
0x3c: {  	[tilespmem:s7], [sflag:$0x1] =	stream.indirect.gather [hbm4b:s2+s6], $0x80, s19, s6, $0xb8;
	[tilespmem:$0x4400] =	vst v63  }
0x3d: {  	_ =	swait.ge [sflag:s8], $0x4000  }
0x3e: {  	[sflag:s8] =	ssyncset.done $0x0  }
0x3f: {  	s23 =	ssub.s32 $0x2, s21;
	s20 =	sadd.s32 $0x87A00, s22;
	[sflag:s8] =	ssyncadd.s32 $0xFFFFC000  }
0x40: {  	[hbm4b:s20+s3] =	stream.linear.scatter [tilespmem:s7], [sflag:$0x2], $0x4000, $0x38;
	[tilespmem:$0x4400] =	vst v63  }
0x41: {  	s24 =	sshrl.u32 s23, $0x1;
	_ =	swait.ge [sflag:s4], $0x4000  }
0x42: {  	s23 =	ssub.s32 s23, s24;
	[sflag:s4] =	ssyncset.done $0x0  }
0x43: {  	s21 =	simm.s32 $0x380;
	s23 =	smax.u32 s23, $0x1;
	[sflag:s4] =	ssyncadd.s32 $0xFFFFC000  }
0x44: {  	[tilespmem:s7], [sflag:$0x1] =	stream.indirect.gather [hbm4b:s2+s6], $0x80, s21, s6, $0xb8;
	[tilespmem:$0x4400] =	vst v63  }
0x45: {  	p0 =	sne.s32 s23, $0x1;
	_ =	swait.ge [sflag:s8], $0x4000  }
.Ltmp0:
0x46: {  	[sflag:s8] =	ssyncset.done $0x0;
	(pc) =	sbr.rel @!p0 .LBB2_2-.Ltmp0, $4  }
0x47: {  	s22 =	sadd.s32 $0x88200, s22;
	[sflag:s8] =	ssyncadd.s32 $0xFFFFC000  }
0x48: {  	[hbm4b:s22+s3] =	stream.linear.scatter [tilespmem:s7], [sflag:$0x2], $0x4000, $0x38;
	[tilespmem:$0x4400] =	vst v63  }
0x49: {  	_ =	swait.ge [sflag:s4], $0x4000  }
0x4a: {  	s23 =	sadd.s32 $0xFFFFFFFF, s23;
	[sflag:s4] =	ssyncset.done $0x0  }
.LBB2_1:
0x4b: {  	p0 =	sne.s32 s23, $0x1;
	s23 =	sadd.s32 $0xFFFFFFFF, s23;
	[sflag:s4] =	ssyncadd.s32 $0xFFFFC000  }
0x4c: {  	[tilespmem:s3], [sflag:$0x2] =	stream.linear.gather [hbm4b:s5+s3], $0x400, $0x38;
	[tilespmem:$0x4400] =	vst v63  }
0x4d: {  	_ =	swait.ge [sflag:s4], $0x400  }
0x4e: {  	[sflag:s4] =	ssyncset.done $0x0  }
0x4f: {  	[sflag:s4] =	ssyncadd.s32 $0xFFFFFC00  }
0x50: {  	[tilespmem:s7], [sflag:$0x1] =	stream.indirect.gather [hbm4b:s2+s6], $0x80, s3, s6, $0xb8;
	[tilespmem:$0x4400] =	vst v63  }
0x51: {  	_ =	swait.ge [sflag:s8], $0x4000  }
0x52: {  	[sflag:s8] =	ssyncset.done $0x0  }
0x53: {  	[sflag:s8] =	ssyncadd.s32 $0xFFFFC000  }
0x54: {  	[hbm4b:s9+s3] =	stream.linear.scatter [tilespmem:s7], [sflag:$0x2], $0x4000, $0x38;
	[tilespmem:$0x4400] =	vst v63  }
0x55: {  	_ =	swait.ge [sflag:s4], $0x4000  }
0x56: {  	[sflag:s4] =	ssyncset.done $0x0  }
0x57: {  	[sflag:s4] =	ssyncadd.s32 $0xFFFFC000  }
0x58: {  	[tilespmem:s7], [sflag:$0x1] =	stream.indirect.gather [hbm4b:s2+s6], $0x80, s6, s6, $0xb8;
	[tilespmem:$0x4400] =	vst v63  }
0x59: {  	_ =	swait.ge [sflag:s8], $0x4000  }
0x5a: {  	[sflag:s8] =	ssyncset.done $0x0  }
0x5b: {  	[sflag:s8] =	ssyncadd.s32 $0xFFFFC000  }
0x5c: {  	[hbm4b:s10+s3] =	stream.linear.scatter [tilespmem:s7], [sflag:$0x2], $0x4000, $0x38;
	[tilespmem:$0x4400] =	vst v63  }
0x5d: {  	_ =	swait.ge [sflag:s4], $0x4000  }
0x5e: {  	[sflag:s4] =	ssyncset.done $0x0  }
0x5f: {  	[sflag:s4] =	ssyncadd.s32 $0xFFFFC000  }
0x60: {  	[tilespmem:s7], [sflag:$0x1] =	stream.indirect.gather [hbm4b:s2+s6], $0x80, s11, s6, $0xb8;
	[tilespmem:$0x4400] =	vst v63  }
0x61: {  	_ =	swait.ge [sflag:s8], $0x4000  }
0x62: {  	[sflag:s8] =	ssyncset.done $0x0  }
0x63: {  	[sflag:s8] =	ssyncadd.s32 $0xFFFFC000  }
0x64: {  	[hbm4b:s12+s3] =	stream.linear.scatter [tilespmem:s7], [sflag:$0x2], $0x4000, $0x38;
	[tilespmem:$0x4400] =	vst v63  }
0x65: {  	_ =	swait.ge [sflag:s4], $0x4000  }
0x66: {  	[sflag:s4] =	ssyncset.done $0x0  }
0x67: {  	[sflag:s4] =	ssyncadd.s32 $0xFFFFC000  }
0x68: {  	[tilespmem:s7], [sflag:$0x1] =	stream.indirect.gather [hbm4b:s2+s6], $0x80, s13, s6, $0xb8;
	[tilespmem:$0x4400] =	vst v63  }
0x69: {  	_ =	swait.ge [sflag:s8], $0x4000  }
0x6a: {  	[sflag:s8] =	ssyncset.done $0x0  }
0x6b: {  	[sflag:s8] =	ssyncadd.s32 $0xFFFFC000  }
0x6c: {  	[hbm4b:s14+s3] =	stream.linear.scatter [tilespmem:s7], [sflag:$0x2], $0x4000, $0x38;
	[tilespmem:$0x4400] =	vst v63  }
0x6d: {  	_ =	swait.ge [sflag:s4], $0x4000  }
0x6e: {  	[sflag:s4] =	ssyncset.done $0x0  }
0x6f: {  	[sflag:s4] =	ssyncadd.s32 $0xFFFFC000  }
0x70: {  	[tilespmem:s7], [sflag:$0x1] =	stream.indirect.gather [hbm4b:s2+s6], $0x80, s15, s6, $0xb8;
	[tilespmem:$0x4400] =	vst v63  }
0x71: {  	_ =	swait.ge [sflag:s8], $0x4000  }
0x72: {  	[sflag:s8] =	ssyncset.done $0x0  }
0x73: {  	[sflag:s8] =	ssyncadd.s32 $0xFFFFC000  }
0x74: {  	[hbm4b:s16+s3] =	stream.linear.scatter [tilespmem:s7], [sflag:$0x2], $0x4000, $0x38;
	[tilespmem:$0x4400] =	vst v63  }
0x75: {  	_ =	swait.ge [sflag:s4], $0x4000  }
0x76: {  	[sflag:s4] =	ssyncset.done $0x0  }
0x77: {  	[sflag:s4] =	ssyncadd.s32 $0xFFFFC000  }
0x78: {  	[tilespmem:s7], [sflag:$0x1] =	stream.indirect.gather [hbm4b:s2+s6], $0x80, s17, s6, $0xb8;
	[tilespmem:$0x4400] =	vst v63  }
0x79: {  	_ =	swait.ge [sflag:s8], $0x4000  }
0x7a: {  	[sflag:s8] =	ssyncset.done $0x0  }
0x7b: {  	[sflag:s8] =	ssyncadd.s32 $0xFFFFC000  }
0x7c: {  	[hbm4b:s18+s3] =	stream.linear.scatter [tilespmem:s7], [sflag:$0x2], $0x4000, $0x38;
	[tilespmem:$0x4400] =	vst v63  }
0x7d: {  	_ =	swait.ge [sflag:s4], $0x4000  }
0x7e: {  	[sflag:s4] =	ssyncset.done $0x0  }
0x7f: {  	[sflag:s4] =	ssyncadd.s32 $0xFFFFC000  }
0x80: {  	[tilespmem:s7], [sflag:$0x1] =	stream.indirect.gather [hbm4b:s2+s6], $0x80, s19, s6, $0xb8;
	[tilespmem:$0x4400] =	vst v63  }
0x81: {  	_ =	swait.ge [sflag:s8], $0x4000  }
0x82: {  	[sflag:s8] =	ssyncset.done $0x0  }
0x83: {  	[sflag:s8] =	ssyncadd.s32 $0xFFFFC000  }
0x84: {  	[hbm4b:s20+s3] =	stream.linear.scatter [tilespmem:s7], [sflag:$0x2], $0x4000, $0x38;
	[tilespmem:$0x4400] =	vst v63  }
0x85: {  	_ =	swait.ge [sflag:s4], $0x4000  }
0x86: {  	[sflag:s4] =	ssyncset.done $0x0  }
0x87: {  	[sflag:s4] =	ssyncadd.s32 $0xFFFFC000  }
0x88: {  	[tilespmem:s7], [sflag:$0x1] =	stream.indirect.gather [hbm4b:s2+s6], $0x80, s21, s6, $0xb8;
	[tilespmem:$0x4400] =	vst v63  }
0x89: {  	_ =	swait.ge [sflag:s8], $0x4000  }
.Ltmp1:
0x8a: {  	[sflag:s8] =	ssyncset.done $0x0;
	(pc) =	sbr.rel @p0 .LBB2_1-.Ltmp1, $4  }
0x8b: {  	[sflag:s8] =	ssyncadd.s32 $0xFFFFC000  }
0x8c: {  	[hbm4b:s22+s3] =	stream.linear.scatter [tilespmem:s7], [sflag:$0x2], $0x4000, $0x38;
	[tilespmem:$0x4400] =	vst v63  }
0x8d: {  	_ =	swait.ge [sflag:s4], $0x4000  }
0x8e: {  	[sflag:s4] =	ssyncset.done $0x0  }
.LBB2_2:
0x8f: {  	[sflag:s4] =	ssyncadd.s32 $0xFFFFC000  }
0x90: {  	_ =	sfence.sel $0x180000  }
0x91: {  	[bflag:$0x0] =	sbarrier.arrive $0xFFFF  }
0x92: {  	p0 =	sne.s32 s0, $0x0;
	_ =	strace $0x9000004A  }
0x93: {  	s0 =	sadd.s32 @!p0 $0x100000, s1;
	[bflag:$0x2] =	sbarrier.arrive $0xFFFF  }
0x94: {  	[sflag:s0] =	ssyncadd.tile.s32 @!p0 $0x1;
	_ =	shalt  }
.Lfunc_end2:
_tile_overlayer_lowered:
.L_overlay_start_2:
0x95: {  	(tag) =	ssettag $0x2  }
0x96: {  	s0 =	rddreg [dreg:$0x0];
	s2 =	stileid.u32  }
0x97: {  	s1 =	rddreg [dreg:$0x1];
	p0 =	sne.s32 s2, $0x0  }
0x98: {  	s3 =	rddreg [dreg:$0x2];
	[bflag:$0x3] =	sbarrier.arrive $0xFFFF;
	s2 =	simm.s32 @!p0 $0x1C02  }
0x99: {  	[timem:s3], [sflag:s2] =	dma.local @!p0 [hbm:s0], s1  }
0x9a: {  	s0 =	simm.s32 @!p0 $0x2  }
0x9b: {  	_ =	swait.ge @!p0 [sflag:s0], s1  }
0x9c: {  	s1 =	ssub.s32 @!p0 $0x0, s1;
	[sflag:s0] =	ssyncset.done @!p0 $0x0  }
0x9d: {  	[sflag:s0] =	ssyncadd.s32 @!p0 s1  }
0x9e: {  	[bflag:$0x3] =	sbarrier.arrive $0xFFFF  }
0x9f: {  	_ =	shalt  }

// kernel: kernel.24.cloned.1.call-start
scs
__scs_entry_jumppad:
0x0: {  	(pc) =	sbr.rel $0x88, $3  }
0x1: {  	(tag) =	ssettag $0x0;
	lr =	simm.s32 $0x1  }
0x2: {  	[smem:$0x3F9B] =	sst lr;
	_ =	strace $0xD0000000  }
0x3: {  	_ = 	snop  }
0x4: {  	_ = 	snop  }
0x5: {  	_ = 	snop  }
0x6: {  	_ = 	snop  }
0x7: {  	_ = 	snop  }
__scs_overlays_trampoline_lowered:
0x8: {  	[smem:$0x3FAA] =	sst s0  }
0x9: {  	[smem:$0x3FAB] =	sst s1  }
0xa: {  	[smem:$0x3FAC] =	sst s2  }
0xb: {  	[smem:$0x3FAD] =	sst s3  }
0xc: {  	[smem:$0x3FAE] =	sst s4  }
0xd: {  	[smem:$0x3FAF] =	sst s5  }
0xe: {  	[smem:$0x3FB0] =	sst s6  }
0xf: {  	[smem:$0x3FB1] =	sst s7  }
0x10: {  	[smem:$0x3FB2] =	sst s8  }
0x11: {  	[smem:$0x3FB3] =	sst s9;
	s0 =	simm.s32 @!p0 $0x0  }
0x12: {  	s1 =	sld [smem:$0x3F99];
	s0 =	simm.s32 @p0 $0x1  }
0x13: {  	[smem:$0x3FB4] =	sst s0;
	s0 =	simm.s32 @!p1 $0x0  }
0x14: {  	s2 =	sld [smem:$0x3F98];
	s0 =	simm.s32 @p1 $0x1  }
0x15: {  	[smem:$0x3FB5] =	sst s0;
	s0 =	simm.s32 @!p2 $0x0  }
0x16: {  	s3 =	sld [smem:$0x3FDB];
	s0 =	simm.s32 @p2 $0x1  }
0x17: {  	s4 =	simm.s32 $0x1BF5;
	[smem:$0x3FB7] =	sst s0  }
0x18: {  	s0 =	sld [smem:$0x3F9A];
	_ =	swait.ge [sflag:s4], $0x0  }
0x19: {  	s7 =	sld [smem:$0x3F9B]  }
0x1a: {  	s8 =	sadd.s32 $0xFFFFE003, lr  }
0x1b: {  	s9 =	sadd.s32 $0xFFFFFEF7, lr;
	s5 =	simm.s32 $0xFFFFFFFF;
	p2 =	slt.u32 s8, $0xFFFFF086  }
0x1c: {  	p1 =	slt.u32 s9, $0xF7A;
	s5 =	simm.s32 @!p2 $0x0  }
0x1d: {  	s5 =	simm.s32 @p1 $0x1;
	p0 =	seq.s32 s7, s2  }
0x1e: {  	s7 =	smul.u32 @!p0 $0xF7A, s2;
	p2 =	seq.s32 @!p0 s5, $0x0  }
0x1f: {  	s9 =	smul.u32 $0xF7A, s1;
	s8 =	simm.s32 @!p0 $0x1BF5;
	p2 =	por !p2, p0  }
0x20: {  	[sflag:s8] =	ssyncset.s32 @!p0 $0xFFFFF086;
	s6 =	sadd.s32 @!p0 s3, s7;
	s7 =	simm.s32 @!p0 $0x108  }
0x21: {  	s3 =	sadd.s32 s3, s9;
	s6 =	sadd.s32 @!p0 $0x88, s6;
	s7 =	simm.s32 @p2 $0x1082  }
0x22: {  	[simem:s7], [sflag:s8] =	dma.local @!p0 [hbm:s6], $0xF7A  }
0x23: {  	s9 =	sor.u32 $0xD0000000, s2;
	s6 =	simm.s32 $0x108;
	_ =	swait.ge @!p0 [sflag:s8], $0x0  }
0x24: {  	s3 =	sadd.s32 $0x88, s3;
	s6 =	simm.s32 @!p1 $0x1082;
	[sflag:s4] =	ssyncset.s32 $0xFFFFF086  }
0x25: {  	[simem:s6], [sflag:s4] =	dma.local [hbm:s3], $0xF7A  }
0x26: {  	[smem:$0x3F9B] =	sst s1;
	(tag) =	ssettag s2;
	_ =	strace s9  }
0x27: {  	s1 =	sld [smem:$0x3FAB]  }
0x28: {  	s2 =	sld [smem:$0x3FAC]  }
0x29: {  	s4 =	sld [smem:$0x3FAE]  }
0x2a: {  	p0 =	seq.s32 s5, $0x0;
	s5 =	sld [smem:$0x3FAF]  }
0x2b: {  	s6 =	sld [smem:$0x3FB0]  }
0x2c: {  	s7 =	sld [smem:$0x3FB1]  }
0x2d: {  	s3 =	simm.s32 $0x108;
	s8 =	sld [smem:$0x3FB2]  }
0x2e: {  	s3 =	simm.s32 @!p0 $0x1082;
	s9 =	sld [smem:$0x3FB3]  }
0x2f: {  	lr =	sadd.s32 s0, s3;
	s0 =	sld [smem:$0x3FAA]  }
0x30: {  	s3 =	sld [smem:$0x3FAD]  }
0x31: {  	[smem:$0x3FB6] =	sst s10  }
0x32: {  	s10 =	sld [smem:$0x3FB4];
	_ =	sdelay $0x3  }
0x33: {  	p0 =	seq.s32 s10, $0x1;
	s10 =	sld [smem:$0x3FB6];
	_ =	sdelay $0x3  }
0x34: {  	[smem:$0x3FB6] =	sst s10  }
0x35: {  	s10 =	sld [smem:$0x3FB5];
	_ =	sdelay $0x3  }
0x36: {  	p1 =	seq.s32 s10, $0x1;
	s10 =	sld [smem:$0x3FB6];
	_ =	sdelay $0x3  }
0x37: {  	[smem:$0x3FB6] =	sst s10  }
0x38: {  	s10 =	sld [smem:$0x3FB7]  }
0x39: {  	_ = 	snop;
	(pc) =	sbr.ind lr, $3  }
0x3a: {  	_ = 	snop  }
0x3b: {  	_ = 	snop  }
0x3c: {  	p2 =	seq.s32 s10, $0x1;
	s10 =	sld [smem:$0x3FB6]  }
0x3d: {  	_ =	shalt  }
0x3e: {  	_ =	shalt  }
0x3f: {  	_ =	shalt  }
0x40: {  	_ =	shalt  }
0x41: {  	_ =	shalt  }
0x42: {  	_ =	shalt  }
0x43: {  	_ =	shalt  }
0x44: {  	_ =	shalt  }
0x45: {  	_ =	shalt  }
0x46: {  	_ =	shalt  }
0x47: {  	_ =	shalt  }
0x48: {  	_ =	shalt  }
0x49: {  	_ =	shalt  }
0x4a: {  	_ =	shalt  }
0x4b: {  	_ =	shalt  }
0x4c: {  	_ =	shalt  }
0x4d: {  	_ =	shalt  }
0x4e: {  	_ =	shalt  }
0x4f: {  	_ =	shalt  }
0x50: {  	_ =	shalt  }
0x51: {  	_ =	shalt  }
0x52: {  	_ =	shalt  }
0x53: {  	_ =	shalt  }
0x54: {  	_ =	shalt  }
0x55: {  	_ =	shalt  }
0x56: {  	_ =	shalt  }
0x57: {  	_ =	shalt  }
0x58: {  	_ =	shalt  }
0x59: {  	_ =	shalt  }
0x5a: {  	_ =	shalt  }
0x5b: {  	_ =	shalt  }
0x5c: {  	_ =	shalt  }
0x5d: {  	_ =	shalt  }
0x5e: {  	_ =	shalt  }
0x5f: {  	_ =	shalt  }
0x60: {  	_ =	shalt  }
0x61: {  	_ =	shalt  }
0x62: {  	_ =	shalt  }
0x63: {  	_ =	shalt  }
0x64: {  	_ =	shalt  }
0x65: {  	_ =	shalt  }
0x66: {  	_ =	shalt  }
0x67: {  	_ =	shalt  }
0x68: {  	_ =	shalt  }
0x69: {  	_ =	shalt  }
0x6a: {  	_ =	shalt  }
0x6b: {  	_ =	shalt  }
0x6c: {  	_ =	shalt  }
0x6d: {  	_ =	shalt  }
0x6e: {  	_ =	shalt  }
0x6f: {  	_ =	shalt  }
0x70: {  	_ =	shalt  }
0x71: {  	_ =	shalt  }
0x72: {  	_ =	shalt  }
0x73: {  	_ =	shalt  }
0x74: {  	_ =	shalt  }
0x75: {  	_ =	shalt  }
0x76: {  	_ =	shalt  }
0x77: {  	_ =	shalt  }
0x78: {  	_ =	shalt  }
0x79: {  	_ =	shalt  }
0x7a: {  	_ =	shalt  }
0x7b: {  	_ =	shalt  }
0x7c: {  	_ =	shalt  }
0x7d: {  	_ =	shalt  }
0x7e: {  	_ =	shalt  }
0x7f: {  	_ =	shalt  }
0x80: {  	_ =	shalt  }
0x81: {  	_ =	shalt  }
0x82: {  	_ =	shalt  }
0x83: {  	_ =	shalt  }
0x84: {  	_ =	shalt  }
0x85: {  	_ =	shalt  }
0x86: {  	_ =	shalt  }
0x87: {  	_ =	shalt  }
.Lfunc_end0:
.L_simem_size_0:
called_computation.3_lowered:
.L_overlay_start_0:
0x88: {  	s2 =	sld [smem:$0x3FD9]  }
0x89: {  	s3 =	sld [smem:$0x3FFE];
	_ =	sdelay $0x1  }
0x8a: {  	s1 =	srdreg.scid  }
0x8b: {  	s0 =	sand.u32 $0x1, s1  }
0x8c: {  	s17 =	sshll.u32 s0, $0xA;
	s2 =	sadd.s32 s3, s2  }
0x8d: {  	s2 =	sadd.s32 s2, s17  }
0x8e: {  	[smem:$0x3FC2] =	sst s2  }
0x8f: {  	_ = 	snop  }
0x90: {  	s2 =	sld [smem:$0x3FD0];
	(tm) =	ssettm $0x1  }
0x91: {  	s18 =	sld [smem:$0x3FFB];
	_ =	sdelay $0x3  }
0x92: {  	_ =	strace s18  }
0x93: {  	s3 =	sld [smem:$0x3FFC];
	_ =	sdelay $0x3  }
0x94: {  	_ =	strace s3  }
0x95: {  	s3 =	sld [smem:$0x3FFD];
	_ =	sdelay $0x3  }
0x96: {  	_ =	strace s3  }
0x97: {  	_ =	strace $0x8FFFFFFF  }
0x98: {  	s19 =	sld [smem:$0x3FDB];
	_ =	sdelay $0x1  }
0x99: {  	s4 =	simm.s32 $_scs_section_size  }
0x9a: {  	s5 =	simm.s32 $_size__tile_overlayer_lowered;
	s6 =	simm.s32 $_tile_overlayer_lowered  }
0x9b: {  	s22 =	simm.s32 $0x1BFF;
	s21 =	sshll.u32 s6, $0x1;
	s3 =	sadd.s32 s4, s19  }
0x9c: {  	s7 =	simm.s32 $0x0;
	s20 =	sshll.u32 s5, $0x1;
	s5 =	sadd.s32 s21, s3  }
0x9d: {  	[timem:s7], [sflag:s22] =	dma.local [hbm:s5], s20  }
0x9e: {  	_ =	swait.ge [sflag:s22], s20  }
0x9f: {  	s4 =	ssub.s32 $0x0, s20;
	[sflag:s22] =	ssyncset.done $0x0  }
0xa0: {  	[sflag:s22] =	ssyncadd.s32 s4;
	_ =	sdelay $0x1  }
0xa1: {  	s23 =	simm.s32 $0x1B8B  }
0xa2: {  	_ =	swait.ge [sflag:s23], $0x1  }
0xa3: {  	[sflag:s23] =	ssyncset.done $0x0  }
0xa4: {  	s25 =	simm.s32 $0x1B8E;
	s24 =	sld [smem:$0x3FFE];
	[sflag:s23] =	ssyncadd.s32 $0xFFFFFFFF  }
0xa5: {  	s26 =	simm.s32 $execute0_lowered;
	[smem:$0x3FD2] =	sst s25  }
0xa6: {  	s5 =	sshll.u32 s26, $0x1;
	_ =	strace $0x80000046;
	[dreg:$0x1] =	wrdreg $0xFFFFFFFF  }
0xa7: {  	s28 =	simm.s32 $_size_execute0_lowered;
	s3 =	sadd.s32 s3, s5;
	[dreg:$0x0] =	wrdreg $0x0  }
0xa8: {  	s5 =	sshll.u32 s28, $0x1;
	[dreg:$0x2] =	wrdreg s3  }
0xa9: {  	[dreg:$0x3] =	wrdreg s5  }
0xaa: {  	[dreg:$0x4] =	wrdreg $0xC0  }
0xab: {  	_ =	task [dreg:s7], $0x5FFFF  }
0xac: {  	[dreg:$0x1] =	wrdreg $0xFFFFFFFF  }
0xad: {  	[dreg:$0x0] =	wrdreg $0x60  }
0xae: {  	[dreg:$0x2] =	wrdreg s24  }
0xaf: {  	[dreg:$0x3] =	wrdreg s2  }
0xb0: {  	[dreg:$0x4] =	wrdreg $0xC  }
0xb1: {  	_ =	task.clear_ibuf [dreg:s7], $0x5FFFF;
	_ =	strace $0x90000046  }
0xb2: {  	s29 =	simm.s32 $0xC;
	_ =	strace $0x80000048  }
0xb3: {  	_ =	swait.ge [sflag:s29], $0x1  }
0xb4: {  	[sflag:s29] =	ssyncadd.s32 $0xFFFFFFFF  }
0xb5: {  	_ =	strace $0x90000048  }
0xb6: {  	_ =	sfence  }
0xb7: {  	s30 =	sld [smem:$0x0];
	_ =	sdelay $0x2  }
0xb8: {  	s31 =	sshll.u32 s1, $0xD;
	s1 =	sshrl.u32 s1, $0x2  }
0xb9: {  	s3 =	sand.u32 $0x4000, s31;
	s1 =	sadd.s32 s1, s30  }
0xba: {  	s0 =	sor.u32 s3, s0;
	s1 =	sshll.u32 s1, $0x11  }
0xbb: {  	s0 =	sor.u32 s1, s0  }
0xbc: {  	s0 =	sadd.s32 $0x8F2B, s0  }
0xbd: {  	[sflag:s0] =	ssyncadd.remote.s32 $0x1  }
0xbe: {  	_ =	sfence.sel $0xFFFF  }
0xbf: {  	[dreg:$0x0] =	wrdreg $0xFFFFFFFF;
	(pc) =	sbr.abs _section_cstart, $3  }
0xc0: {  	[dreg:$0x1] =	wrdreg $0xFFFFFFFF  }
0xc1: {  	_ =	task.clear_ibuf [dreg:s7], $0x2FFFF;
	_ =	strace $0x9FFFFFFF  }
0xc2: {  	(tm) =	ssettm $0x7FFFFFFF  }
0xc3: {  	_ =	shalt  }
tec
execute0_lowered:
.L_overlay_start_1:
0x0: {  	(tag) =	ssettag $0x1  }
0x1: {  	s1 =	srdreg.scid  }
0x2: {  	s0 =	stileid.u32;
	s21 =	sand.u32 $0x1, s1  }
0x3: {  	s9 =	rddreg [dreg:$0x0];
	s31 =	sshll.u32 s0, $0x4;
	s3 =	sshll.u32 s21, $0x3  }
0x4: {  	s2 =	rddreg [dreg:$0x1];
	s10 =	sor.u32 s3, s31  }
0x5: {  	s1 =	rddreg [dreg:$0x2];
	s3 =	simm.s32 $0x0;
	s4 =	sshll.u32 s10, $0x4  }
0x6: {  	[smem:$0x7FF] =	sst s3;
	s4 =	sadd.s32 s4, s9  }
0x7: {  	_ =	strace $0x80000047;
	s5 =	sadd.s32 $0x2A00, s4;
	s4 =	simm.s32 $0x2  }
0x8: {  	[tilespmem:s3], [sflag:$0x2] =	stream.linear.gather [hbm4b:s5+s3], $0x400, $0x38;
	[tilespmem:$0x4400] =	vst v63  }
0x9: {  	_ =	swait.ge [sflag:s4], $0x400  }
0xa: {  	s6 =	simm.s32 $0x80;
	[sflag:s4] =	ssyncset.done $0x0  }
0xb: {  	s7 =	simm.s32 $0x400;
	s8 =	simm.s32 $0x1;
	[sflag:s4] =	ssyncadd.s32 $0xFFFFFC00  }
0xc: {  	[tilespmem:s7], [sflag:$0x1] =	stream.indirect.gather [hbm4b:s2+s6], $0x80, s3, s6, $0xb8;
	[tilespmem:$0x4400] =	vst v63  }
0xd: {  	s10 =	sshll.u32 s10, $0xB;
	_ =	swait.ge [sflag:s8], $0x4000  }
0xe: {  	s22 =	sadd.s32 s10, s9;
	[sflag:s8] =	ssyncset.done $0x0  }
0xf: {  	s9 =	sadd.s32 $0x3A00, s22;
	[sflag:s8] =	ssyncadd.s32 $0xFFFFC000  }
0x10: {  	[hbm4b:s9+s3] =	stream.linear.scatter [tilespmem:s7], [sflag:$0x2], $0x4000, $0x38;
	[tilespmem:$0x4400] =	vst v63  }
0x11: {  	_ =	swait.ge [sflag:s4], $0x4000  }
0x12: {  	[sflag:s4] =	ssyncset.done $0x0  }
0x13: {  	[sflag:s4] =	ssyncadd.s32 $0xFFFFC000  }
0x14: {  	[tilespmem:s7], [sflag:$0x1] =	stream.indirect.gather [hbm4b:s2+s6], $0x80, s6, s6, $0xb8;
	[tilespmem:$0x4400] =	vst v63  }
0x15: {  	_ =	swait.ge [sflag:s8], $0x4000  }
0x16: {  	[sflag:s8] =	ssyncset.done $0x0  }
0x17: {  	s10 =	sadd.s32 $0x4200, s22;
	[sflag:s8] =	ssyncadd.s32 $0xFFFFC000  }
0x18: {  	[hbm4b:s10+s3] =	stream.linear.scatter [tilespmem:s7], [sflag:$0x2], $0x4000, $0x38;
	[tilespmem:$0x4400] =	vst v63  }
0x19: {  	_ =	swait.ge [sflag:s4], $0x4000  }
0x1a: {  	[sflag:s4] =	ssyncset.done $0x0  }
0x1b: {  	s11 =	simm.s32 $0x100;
	[sflag:s4] =	ssyncadd.s32 $0xFFFFC000  }
0x1c: {  	[tilespmem:s7], [sflag:$0x1] =	stream.indirect.gather [hbm4b:s2+s6], $0x80, s11, s6, $0xb8;
	[tilespmem:$0x4400] =	vst v63  }
0x1d: {  	_ =	swait.ge [sflag:s8], $0x4000  }
0x1e: {  	[sflag:s8] =	ssyncset.done $0x0  }
0x1f: {  	s12 =	sadd.s32 $0x4A00, s22;
	[sflag:s8] =	ssyncadd.s32 $0xFFFFC000  }
0x20: {  	[hbm4b:s12+s3] =	stream.linear.scatter [tilespmem:s7], [sflag:$0x2], $0x4000, $0x38;
	[tilespmem:$0x4400] =	vst v63  }
0x21: {  	_ =	swait.ge [sflag:s4], $0x4000  }
0x22: {  	[sflag:s4] =	ssyncset.done $0x0  }
0x23: {  	s13 =	simm.s32 $0x180;
	[sflag:s4] =	ssyncadd.s32 $0xFFFFC000  }
0x24: {  	[tilespmem:s7], [sflag:$0x1] =	stream.indirect.gather [hbm4b:s2+s6], $0x80, s13, s6, $0xb8;
	[tilespmem:$0x4400] =	vst v63  }
0x25: {  	_ =	swait.ge [sflag:s8], $0x4000  }
0x26: {  	[sflag:s8] =	ssyncset.done $0x0  }
0x27: {  	s14 =	sadd.s32 $0x5200, s22;
	[sflag:s8] =	ssyncadd.s32 $0xFFFFC000  }
0x28: {  	[hbm4b:s14+s3] =	stream.linear.scatter [tilespmem:s7], [sflag:$0x2], $0x4000, $0x38;
	[tilespmem:$0x4400] =	vst v63  }
0x29: {  	_ =	swait.ge [sflag:s4], $0x4000  }
0x2a: {  	[sflag:s4] =	ssyncset.done $0x0  }
0x2b: {  	s15 =	simm.s32 $0x200;
	[sflag:s4] =	ssyncadd.s32 $0xFFFFC000  }
0x2c: {  	[tilespmem:s7], [sflag:$0x1] =	stream.indirect.gather [hbm4b:s2+s6], $0x80, s15, s6, $0xb8;
	[tilespmem:$0x4400] =	vst v63  }
0x2d: {  	_ =	swait.ge [sflag:s8], $0x4000  }
0x2e: {  	[sflag:s8] =	ssyncset.done $0x0  }
0x2f: {  	s16 =	sadd.s32 $0x5A00, s22;
	[sflag:s8] =	ssyncadd.s32 $0xFFFFC000  }
0x30: {  	[hbm4b:s16+s3] =	stream.linear.scatter [tilespmem:s7], [sflag:$0x2], $0x4000, $0x38;
	[tilespmem:$0x4400] =	vst v63  }
0x31: {  	_ =	swait.ge [sflag:s4], $0x4000  }
0x32: {  	[sflag:s4] =	ssyncset.done $0x0  }
0x33: {  	s17 =	simm.s32 $0x280;
	[sflag:s4] =	ssyncadd.s32 $0xFFFFC000  }
0x34: {  	[tilespmem:s7], [sflag:$0x1] =	stream.indirect.gather [hbm4b:s2+s6], $0x80, s17, s6, $0xb8;
	[tilespmem:$0x4400] =	vst v63  }
0x35: {  	_ =	swait.ge [sflag:s8], $0x4000  }
0x36: {  	[sflag:s8] =	ssyncset.done $0x0  }
0x37: {  	s18 =	sadd.s32 $0x6200, s22;
	[sflag:s8] =	ssyncadd.s32 $0xFFFFC000  }
0x38: {  	[hbm4b:s18+s3] =	stream.linear.scatter [tilespmem:s7], [sflag:$0x2], $0x4000, $0x38;
	[tilespmem:$0x4400] =	vst v63  }
0x39: {  	_ =	swait.ge [sflag:s4], $0x4000  }
0x3a: {  	[sflag:s4] =	ssyncset.done $0x0  }
0x3b: {  	s19 =	simm.s32 $0x300;
	[sflag:s4] =	ssyncadd.s32 $0xFFFFC000  }
0x3c: {  	[tilespmem:s7], [sflag:$0x1] =	stream.indirect.gather [hbm4b:s2+s6], $0x80, s19, s6, $0xb8;
	[tilespmem:$0x4400] =	vst v63  }
0x3d: {  	_ =	swait.ge [sflag:s8], $0x4000  }
0x3e: {  	[sflag:s8] =	ssyncset.done $0x0  }
0x3f: {  	s23 =	ssub.s32 $0x2, s21;
	s20 =	sadd.s32 $0x6A00, s22;
	[sflag:s8] =	ssyncadd.s32 $0xFFFFC000  }
0x40: {  	[hbm4b:s20+s3] =	stream.linear.scatter [tilespmem:s7], [sflag:$0x2], $0x4000, $0x38;
	[tilespmem:$0x4400] =	vst v63  }
0x41: {  	s24 =	sshrl.u32 s23, $0x1;
	_ =	swait.ge [sflag:s4], $0x4000  }
0x42: {  	s23 =	ssub.s32 s23, s24;
	[sflag:s4] =	ssyncset.done $0x0  }
0x43: {  	s21 =	simm.s32 $0x380;
	s23 =	smax.u32 s23, $0x1;
	[sflag:s4] =	ssyncadd.s32 $0xFFFFC000  }
0x44: {  	[tilespmem:s7], [sflag:$0x1] =	stream.indirect.gather [hbm4b:s2+s6], $0x80, s21, s6, $0xb8;
	[tilespmem:$0x4400] =	vst v63  }
0x45: {  	p0 =	sne.s32 s23, $0x1;
	_ =	swait.ge [sflag:s8], $0x4000  }
.Ltmp0:
0x46: {  	[sflag:s8] =	ssyncset.done $0x0;
	(pc) =	sbr.rel @!p0 .LBB2_2-.Ltmp0, $4  }
0x47: {  	s22 =	sadd.s32 $0x7200, s22;
	[sflag:s8] =	ssyncadd.s32 $0xFFFFC000  }
0x48: {  	[hbm4b:s22+s3] =	stream.linear.scatter [tilespmem:s7], [sflag:$0x2], $0x4000, $0x38;
	[tilespmem:$0x4400] =	vst v63  }
0x49: {  	_ =	swait.ge [sflag:s4], $0x4000  }
0x4a: {  	s23 =	sadd.s32 $0xFFFFFFFF, s23;
	[sflag:s4] =	ssyncset.done $0x0  }
.LBB2_1:
0x4b: {  	p0 =	sne.s32 s23, $0x1;
	s23 =	sadd.s32 $0xFFFFFFFF, s23;
	[sflag:s4] =	ssyncadd.s32 $0xFFFFC000  }
0x4c: {  	[tilespmem:s3], [sflag:$0x2] =	stream.linear.gather [hbm4b:s5+s3], $0x400, $0x38;
	[tilespmem:$0x4400] =	vst v63  }
0x4d: {  	_ =	swait.ge [sflag:s4], $0x400  }
0x4e: {  	[sflag:s4] =	ssyncset.done $0x0  }
0x4f: {  	[sflag:s4] =	ssyncadd.s32 $0xFFFFFC00  }
0x50: {  	[tilespmem:s7], [sflag:$0x1] =	stream.indirect.gather [hbm4b:s2+s6], $0x80, s3, s6, $0xb8;
	[tilespmem:$0x4400] =	vst v63  }
0x51: {  	_ =	swait.ge [sflag:s8], $0x4000  }
0x52: {  	[sflag:s8] =	ssyncset.done $0x0  }
0x53: {  	[sflag:s8] =	ssyncadd.s32 $0xFFFFC000  }
0x54: {  	[hbm4b:s9+s3] =	stream.linear.scatter [tilespmem:s7], [sflag:$0x2], $0x4000, $0x38;
	[tilespmem:$0x4400] =	vst v63  }
0x55: {  	_ =	swait.ge [sflag:s4], $0x4000  }
0x56: {  	[sflag:s4] =	ssyncset.done $0x0  }
0x57: {  	[sflag:s4] =	ssyncadd.s32 $0xFFFFC000  }
0x58: {  	[tilespmem:s7], [sflag:$0x1] =	stream.indirect.gather [hbm4b:s2+s6], $0x80, s6, s6, $0xb8;
	[tilespmem:$0x4400] =	vst v63  }
0x59: {  	_ =	swait.ge [sflag:s8], $0x4000  }
0x5a: {  	[sflag:s8] =	ssyncset.done $0x0  }
0x5b: {  	[sflag:s8] =	ssyncadd.s32 $0xFFFFC000  }
0x5c: {  	[hbm4b:s10+s3] =	stream.linear.scatter [tilespmem:s7], [sflag:$0x2], $0x4000, $0x38;
	[tilespmem:$0x4400] =	vst v63  }
0x5d: {  	_ =	swait.ge [sflag:s4], $0x4000  }
0x5e: {  	[sflag:s4] =	ssyncset.done $0x0  }
0x5f: {  	[sflag:s4] =	ssyncadd.s32 $0xFFFFC000  }
0x60: {  	[tilespmem:s7], [sflag:$0x1] =	stream.indirect.gather [hbm4b:s2+s6], $0x80, s11, s6, $0xb8;
	[tilespmem:$0x4400] =	vst v63  }
0x61: {  	_ =	swait.ge [sflag:s8], $0x4000  }
0x62: {  	[sflag:s8] =	ssyncset.done $0x0  }
0x63: {  	[sflag:s8] =	ssyncadd.s32 $0xFFFFC000  }
0x64: {  	[hbm4b:s12+s3] =	stream.linear.scatter [tilespmem:s7], [sflag:$0x2], $0x4000, $0x38;
	[tilespmem:$0x4400] =	vst v63  }
0x65: {  	_ =	swait.ge [sflag:s4], $0x4000  }
0x66: {  	[sflag:s4] =	ssyncset.done $0x0  }
0x67: {  	[sflag:s4] =	ssyncadd.s32 $0xFFFFC000  }
0x68: {  	[tilespmem:s7], [sflag:$0x1] =	stream.indirect.gather [hbm4b:s2+s6], $0x80, s13, s6, $0xb8;
	[tilespmem:$0x4400] =	vst v63  }
0x69: {  	_ =	swait.ge [sflag:s8], $0x4000  }
0x6a: {  	[sflag:s8] =	ssyncset.done $0x0  }
0x6b: {  	[sflag:s8] =	ssyncadd.s32 $0xFFFFC000  }
0x6c: {  	[hbm4b:s14+s3] =	stream.linear.scatter [tilespmem:s7], [sflag:$0x2], $0x4000, $0x38;
	[tilespmem:$0x4400] =	vst v63  }
0x6d: {  	_ =	swait.ge [sflag:s4], $0x4000  }
0x6e: {  	[sflag:s4] =	ssyncset.done $0x0  }
0x6f: {  	[sflag:s4] =	ssyncadd.s32 $0xFFFFC000  }
0x70: {  	[tilespmem:s7], [sflag:$0x1] =	stream.indirect.gather [hbm4b:s2+s6], $0x80, s15, s6, $0xb8;
	[tilespmem:$0x4400] =	vst v63  }
0x71: {  	_ =	swait.ge [sflag:s8], $0x4000  }
0x72: {  	[sflag:s8] =	ssyncset.done $0x0  }
0x73: {  	[sflag:s8] =	ssyncadd.s32 $0xFFFFC000  }
0x74: {  	[hbm4b:s16+s3] =	stream.linear.scatter [tilespmem:s7], [sflag:$0x2], $0x4000, $0x38;
	[tilespmem:$0x4400] =	vst v63  }
0x75: {  	_ =	swait.ge [sflag:s4], $0x4000  }
0x76: {  	[sflag:s4] =	ssyncset.done $0x0  }
0x77: {  	[sflag:s4] =	ssyncadd.s32 $0xFFFFC000  }
0x78: {  	[tilespmem:s7], [sflag:$0x1] =	stream.indirect.gather [hbm4b:s2+s6], $0x80, s17, s6, $0xb8;
	[tilespmem:$0x4400] =	vst v63  }
0x79: {  	_ =	swait.ge [sflag:s8], $0x4000  }
0x7a: {  	[sflag:s8] =	ssyncset.done $0x0  }
0x7b: {  	[sflag:s8] =	ssyncadd.s32 $0xFFFFC000  }
0x7c: {  	[hbm4b:s18+s3] =	stream.linear.scatter [tilespmem:s7], [sflag:$0x2], $0x4000, $0x38;
	[tilespmem:$0x4400] =	vst v63  }
0x7d: {  	_ =	swait.ge [sflag:s4], $0x4000  }
0x7e: {  	[sflag:s4] =	ssyncset.done $0x0  }
0x7f: {  	[sflag:s4] =	ssyncadd.s32 $0xFFFFC000  }
0x80: {  	[tilespmem:s7], [sflag:$0x1] =	stream.indirect.gather [hbm4b:s2+s6], $0x80, s19, s6, $0xb8;
	[tilespmem:$0x4400] =	vst v63  }
0x81: {  	_ =	swait.ge [sflag:s8], $0x4000  }
0x82: {  	[sflag:s8] =	ssyncset.done $0x0  }
0x83: {  	[sflag:s8] =	ssyncadd.s32 $0xFFFFC000  }
0x84: {  	[hbm4b:s20+s3] =	stream.linear.scatter [tilespmem:s7], [sflag:$0x2], $0x4000, $0x38;
	[tilespmem:$0x4400] =	vst v63  }
0x85: {  	_ =	swait.ge [sflag:s4], $0x4000  }
0x86: {  	[sflag:s4] =	ssyncset.done $0x0  }
0x87: {  	[sflag:s4] =	ssyncadd.s32 $0xFFFFC000  }
0x88: {  	[tilespmem:s7], [sflag:$0x1] =	stream.indirect.gather [hbm4b:s2+s6], $0x80, s21, s6, $0xb8;
	[tilespmem:$0x4400] =	vst v63  }
0x89: {  	_ =	swait.ge [sflag:s8], $0x4000  }
.Ltmp1:
0x8a: {  	[sflag:s8] =	ssyncset.done $0x0;
	(pc) =	sbr.rel @p0 .LBB2_1-.Ltmp1, $4  }
0x8b: {  	[sflag:s8] =	ssyncadd.s32 $0xFFFFC000  }
0x8c: {  	[hbm4b:s22+s3] =	stream.linear.scatter [tilespmem:s7], [sflag:$0x2], $0x4000, $0x38;
	[tilespmem:$0x4400] =	vst v63  }
0x8d: {  	_ =	swait.ge [sflag:s4], $0x4000  }
0x8e: {  	[sflag:s4] =	ssyncset.done $0x0  }
.LBB2_2:
0x8f: {  	[sflag:s4] =	ssyncadd.s32 $0xFFFFC000  }
0x90: {  	_ =	sfence.sel $0x180000  }
0x91: {  	[bflag:$0x0] =	sbarrier.arrive $0xFFFF  }
0x92: {  	p0 =	sne.s32 s0, $0x0;
	_ =	strace $0x90000047  }
0x93: {  	s0 =	sadd.s32 @!p0 $0x100000, s1;
	[bflag:$0x2] =	sbarrier.arrive $0xFFFF  }
0x94: {  	[sflag:s0] =	ssyncadd.tile.s32 @!p0 $0x1;
	_ =	shalt  }
.Lfunc_end2:
_tile_overlayer_lowered:
.L_overlay_start_2:
0x95: {  	(tag) =	ssettag $0x2  }
0x96: {  	s0 =	rddreg [dreg:$0x0];
	s2 =	stileid.u32  }
0x97: {  	s1 =	rddreg [dreg:$0x1];
	p0 =	sne.s32 s2, $0x0  }
0x98: {  	s3 =	rddreg [dreg:$0x2];
	[bflag:$0x3] =	sbarrier.arrive $0xFFFF;
	s2 =	simm.s32 @!p0 $0x1C02  }
0x99: {  	[timem:s3], [sflag:s2] =	dma.local @!p0 [hbm:s0], s1  }
0x9a: {  	s0 =	simm.s32 @!p0 $0x2  }
0x9b: {  	_ =	swait.ge @!p0 [sflag:s0], s1  }
0x9c: {  	s1 =	ssub.s32 @!p0 $0x0, s1;
	[sflag:s0] =	ssyncset.done @!p0 $0x0  }
0x9d: {  	[sflag:s0] =	ssyncadd.s32 @!p0 s1  }
0x9e: {  	[bflag:$0x3] =	sbarrier.arrive $0xFFFF  }
0x9f: {  	_ =	shalt  }

</sc_bundles>
